<compile_context>
chip_gen: v7x
topology: tpu7x:2x2x1
jax: 0.10.2.dev20260603
libtpu: 0.0.44.dev20260713+nightly
codegen_flags: <defaults>
</compile_context>

<pallas_src>
import functools

import jax
import jax.numpy as jnp
from jax import lax
from jax.experimental import pallas as pl
from jax.experimental.pallas import tpu as pltpu
from jax.experimental.pallas import tpu_sc as plsc

_NUM_CORES = 2
_NUM_SUBCORES = 16
_NW = _NUM_CORES * _NUM_SUBCORES

_LANES = 16
_ROWS = 256
_TCOLS = _ROWS // 128
_OBUF = _TCOLS * 1024

_TILE = 128
_NTILE = 7812
_PERW = _NTILE // _NW


def _diag_patterns():
    iota = lax.iota(jnp.int32, _LANES)
    fpat = [lax.rem(iota + k, _LANES) for k in range(_LANES)]
    return iota, fpat


@functools.partial(jax.jit, static_argnums=(2, 3))
def _transpose_table(table_t, table_tail_t, v, d):
    n_extra = _NTILE - _PERW * _NW
    tail = v - _NTILE * _TILE

    @functools.partial(
        pl.kernel,
        out_type=jax.ShapeDtypeStruct((v * d,), jnp.float32),
        mesh=plsc.VectorSubcoreMesh(core_axis_name="c", subcore_axis_name="s"),
        scratch_types=[
            pltpu.VMEM((d, _TILE), jnp.float32),
            pltpu.VMEM((d, _TILE), jnp.float32),
            pltpu.VMEM((_TILE * d,), jnp.float32),
            pltpu.VMEM((_TILE * d,), jnp.float32),
            pltpu.VMEM((d, tail), jnp.float32),
            pltpu.VMEM((tail * d,), jnp.float32),
            pltpu.SemaphoreType.DMA((2,)),
            pltpu.SemaphoreType.DMA((2,)),
        ],
        compiler_params=pltpu.CompilerParams(
            use_tc_tiling_on_sc=True, needs_layout_passes=False),
    )
    def _impl(tt_hbm, ttail_hbm, out_hbm, vb0, vb1, ob0, ob1, vtail, otail,
              gsem, wsem):
        vb = (vb0, vb1)
        ob = (ob0, ob1)
        wid = lax.axis_index("s") * _NUM_CORES + lax.axis_index("c")
        base = wid * _PERW

        iota, fpat = _diag_patterns()
        spat = [iota * d + fp for fp in fpat]

        def transpose_block(src, dst, n_groups):
            def g_body(g, carry):
                v0 = g * _LANES
                cols = iota + v0
                for f0 in (0, 16):
                    for k in range(_LANES):
                        val = plsc.load_gather(src, [fpat[k] + f0, cols])
                        plsc.store_scatter(dst, [spat[k] + (v0 * d + f0)], val)
                return carry

            lax.fori_loop(0, n_groups, g_body, 0)

        def read_of(t, b):
            return pltpu.make_async_copy(
                tt_hbm.at[:, pl.ds(t * _TILE, _TILE)], vb[b], gsem.at[b])

        def write_of(t, b):
            return pltpu.make_async_copy(
                ob[b], out_hbm.at[pl.ds(t * _TILE * d, _TILE * d)], wsem.at[b])

        def do_sub(t, b, first, prefetch_t):
            read_of(t, b).wait()

            @pl.when(jnp.logical_not(first))
            def _():
                write_of(t, b).wait()

            transpose_block(vb[b], ob[b], _TILE // _LANES)
            write_of(t, b).start()

            @pl.when(prefetch_t < base + _PERW)
            def _():
                read_of(prefetch_t, b).start()

        @pl.when(wid == 0)
        def _():
            pltpu.sync_copy(ttail_hbm, vtail)
            transpose_block(vtail, otail, tail // _LANES)
            pltpu.sync_copy(otail, out_hbm.at[pl.ds(_NTILE * _TILE * d, tail * d)])

        read_of(base, 0).start()
        read_of(base + 1, 1).start()

        def body(k, carry):
            do_sub(base + 2 * k, 0, k == 0, base + 2 * k + 2)
            do_sub(base + 2 * k + 1, 1, k == 0, base + 2 * k + 3)
            return carry

        lax.fori_loop(0, _PERW // 2, body, 0)

        @pl.when(wid < n_extra)
        def _():
            t = _PERW * _NW + wid
            write_of(t, 0).wait()
            read_of(t, 0).start()
            read_of(t, 0).wait()
            transpose_block(vb[0], ob[0], _TILE // _LANES)
            write_of(t, 0).start()
            write_of(t, 0).wait()

        @pl.when(wid >= n_extra)
        def _():
            write_of(0, 0).wait()

        write_of(0, 1).wait()

    return _impl(table_t, table_tail_t)


@functools.partial(jax.jit, static_argnums=(2, 3))
def _gather_tiled(idx, table, n, d):
    per_w = n // _NW
    n_chunks = per_w // _ROWS
    cols_per_w = per_w // 128

    @functools.partial(
        pl.kernel,
        out_type=jax.ShapeDtypeStruct((n * d,), jnp.float32),
        mesh=plsc.VectorSubcoreMesh(core_axis_name="c", subcore_axis_name="s"),
        scratch_types=[
            pltpu.VMEM((per_w,), jnp.int32),
            pltpu.VMEM((2, _ROWS, d), jnp.float32),
            pltpu.VMEM((2, 4 * _OBUF), jnp.float32),
            pltpu.SemaphoreType.DMA((2,)),
            pltpu.SemaphoreType.DMA((2,)),
        ],
        compiler_params=pltpu.CompilerParams(
            use_tc_tiling_on_sc=False, needs_layout_passes=False),
    )
    def _impl(idx_hbm, table_hbm, out_hbm, idx_v, rbuf, tbuf, gsem, wsem):
        wid = lax.axis_index("s") * _NUM_CORES + lax.axis_index("c")
        base = wid * per_w
        tcol0 = wid * cols_per_w

        pltpu.sync_copy(idx_hbm.at[pl.ds(base, per_w)], idx_v)

        iota, fpat = _diag_patterns()
        dpat = [(fp // 8) * _OBUF + lax.rem(fp, 8) * 128 + iota for fp in fpat]

        def gather_of(c, b):
            return pltpu.make_async_copy(
                table_hbm.at[idx_v.at[pl.ds(c * _ROWS, _ROWS)]],
                rbuf.at[b],
                gsem.at[b],
            )

        def write_of(c, b, ft):
            t0 = tcol0 + c * _TCOLS
            l0 = t0 // 128
            bt0 = lax.rem(t0, 128)
            off = ((l0 * 4 + ft) * 128 + bt0) * 1024
            return pltpu.make_async_copy(
                tbuf.at[b, pl.ds(ft * _OBUF, _OBUF)],
                out_hbm.at[pl.ds(off, _OBUF)],
                wsem.at[b],
            )

        def do_sub(c, b):
            gather_of(c, b).wait()

            @pl.when(c >= 2)
            def _():
                for ft in range(4):
                    write_of(c - 2, b, ft).wait()

            rb = rbuf.at[b]
            tflat = tbuf.at[b]

            def g_body(g, carry):
                r0 = g * _LANES
                rows = iota + r0
                sbase0 = (r0 // 128) * 1024 + lax.rem(r0, 128)
                for f0 in (0, 16):
                    sbase = sbase0 + (f0 // 8) * _OBUF
                    for k in range(_LANES):
                        v = plsc.load_gather(rb, [rows, fpat[k] + f0])
                        plsc.store_scatter(tflat, [dpat[k] + sbase], v)
                return carry

            lax.fori_loop(0, _ROWS // _LANES, g_body, 0)

            for ft in range(4):
                write_of(c, b, ft).start()

            @pl.when(c + 2 < n_chunks)
            def _():
                gather_of(c + 2, b).start()

        gather_of(0, 0).start()
        gather_of(1, 1).start()

        def body(k, carry):
            do_sub(2 * k, 0)
            do_sub(2 * k + 1, 1)
            return carry

        lax.fori_loop(0, n_chunks // 2, body, 0)

        for c in (n_chunks - 2, n_chunks - 1):
            for ft in range(4):
                write_of(c, c % 2, ft).wait()

    return _impl(idx, table)


def kernel(x, table):
    b, l = x.shape
    v, d = table.shape
    n = b * l
    table_lin = _transpose_table(
        table.T, table[_NTILE * _TILE:].T, v, d).reshape(v, d)
    out = _gather_tiled(x.T.reshape(n), table_lin, n, d)
    o5 = out.reshape(l, 4, b // 128, 8, 128)
    return o5.transpose((2, 4, 0, 1, 3)).reshape(b, l, d)

# --- scband reference (transcript-rebuilt; emitter-appended) ---
"""Pipeline reference for scband-embedding-15212774162709 (READ-ONLY COPY).

The authoritative reference and input builder live on the scoring server;
editing this copy changes nothing except your own understanding.
"""

import jax, jax.numpy as jnp
import numpy as np

VOCAB = 1000000
EMB = 32
B = 16384
L = 50

def setup_inputs(seed: int = 0) -> dict:
    key = jax.random.key(seed)
    k1, k2 = jax.random.split(key)
    x = jax.random.randint(k1, (B, L), 0, VOCAB, dtype=jnp.int32)
    table = jax.random.normal(k2, (VOCAB, EMB), dtype=jnp.float32)
    return {"x": x, "table": table}

def reference(x, table):
    # nn.Embedding forward: row gather from the embedding table
    return jnp.take(table, x, axis=0)

if __name__ == "__main__":
    import jax
    _d = setup_inputs()
    print(jax.jit(kernel)(*tuple(_d.values())))

</pallas_src>

<mosaic_0001>
#map = affine_map<(d0, d1) -> (0, 0)>
#map1 = affine_map<(d0, d1) -> (0)>
module attributes {stable_mosaic.version = 14 : i64} {
  func.func @_impl(%arg0: i32, %arg1: i32, %arg2: memref<32x1000000xf32, #tpu.memory_space<hbm>>, %arg3: memref<32x64xf32, #tpu.memory_space<hbm>>, %arg4: memref<32000000xf32, #tpu.memory_space<hbm>>, %arg5: memref<32x128xf32, #tpu.memory_space<vmem>>, %arg6: memref<32x128xf32, #tpu.memory_space<vmem>>, %arg7: memref<4096xf32, #tpu.memory_space<vmem>>, %arg8: memref<4096xf32, #tpu.memory_space<vmem>>, %arg9: memref<32x64xf32, #tpu.memory_space<vmem>>, %arg10: memref<2048xf32, #tpu.memory_space<vmem>>, %arg11: memref<2x!tpu.dma_semaphore, #tpu.memory_space<semaphore_mem>>, %arg12: memref<2x!tpu.dma_semaphore, #tpu.memory_space<semaphore_mem>>) attributes {dimension_semantics = [#tpu.dimension_semantics<core_parallel>, #tpu.dimension_semantics<subcore_parallel>], iteration_bounds = array<i64: 2, 16>, scalar_prefetch = 0 : i64, scratch_operands = 8 : i64, tpu.core_type = #tpu.core_type<sc_vector_subcore>, window_params = [{transform_indices = #map}, {transform_indices = #map}, {transform_indices = #map1}]} {
    %mul3A = arith.constant 2 : i32
    %mul3A_0 = arith.muli %arg1, %mul3A : i32
    %add3A = arith.addi %mul3A_0, %arg0 : i32
    %mul3A_1 = arith.constant 244 : i32
    %mul3A_2 = arith.muli %add3A, %mul3A_1 : i32
    %iota3A = tpu.iota {dimensions = array<i32: 0>} : vector<16xi32>
    %add3A_3 = arith.constant 0 : i32
    %add3A_4 = vector.broadcast %add3A_3 : i32 to vector<16xi32>
    %add3A_5 = arith.addi %iota3A, %add3A_4 : vector<16xi32>
    %rem3A = arith.constant 16 : i32
    %rem3A_6 = vector.broadcast %rem3A : i32 to vector<16xi32>
    %rem3A_7 = arith.remsi %add3A_5, %rem3A_6 : vector<16xi32>
    %add3A_8 = arith.constant 1 : i32
    %add3A_9 = vector.broadcast %add3A_8 : i32 to vector<16xi32>
    %add3A_10 = arith.addi %iota3A, %add3A_9 : vector<16xi32>
    %rem3A_11 = arith.constant 16 : i32
    %rem3A_12 = vector.broadcast %rem3A_11 : i32 to vector<16xi32>
    %rem3A_13 = arith.remsi %add3A_10, %rem3A_12 : vector<16xi32>
    %add3A_14 = arith.constant 2 : i32
    %add3A_15 = vector.broadcast %add3A_14 : i32 to vector<16xi32>
    %add3A_16 = arith.addi %iota3A, %add3A_15 : vector<16xi32>
    %rem3A_17 = arith.constant 16 : i32
    %rem3A_18 = vector.broadcast %rem3A_17 : i32 to vector<16xi32>
    %rem3A_19 = arith.remsi %add3A_16, %rem3A_18 : vector<16xi32>
    %add3A_20 = arith.constant 3 : i32
    %add3A_21 = vector.broadcast %add3A_20 : i32 to vector<16xi32>
    %add3A_22 = arith.addi %iota3A, %add3A_21 : vector<16xi32>
    %rem3A_23 = arith.constant 16 : i32
    %rem3A_24 = vector.broadcast %rem3A_23 : i32 to vector<16xi32>
    %rem3A_25 = arith.remsi %add3A_22, %rem3A_24 : vector<16xi32>
    %add3A_26 = arith.constant 4 : i32
    %add3A_27 = vector.broadcast %add3A_26 : i32 to vector<16xi32>
    %add3A_28 = arith.addi %iota3A, %add3A_27 : vector<16xi32>
    %rem3A_29 = arith.constant 16 : i32
    %rem3A_30 = vector.broadcast %rem3A_29 : i32 to vector<16xi32>
    %rem3A_31 = arith.remsi %add3A_28, %rem3A_30 : vector<16xi32>
    %add3A_32 = arith.constant 5 : i32
    %add3A_33 = vector.broadcast %add3A_32 : i32 to vector<16xi32>
    %add3A_34 = arith.addi %iota3A, %add3A_33 : vector<16xi32>
    %rem3A_35 = arith.constant 16 : i32
    %rem3A_36 = vector.broadcast %rem3A_35 : i32 to vector<16xi32>
    %rem3A_37 = arith.remsi %add3A_34, %rem3A_36 : vector<16xi32>
    %add3A_38 = arith.constant 6 : i32
    %add3A_39 = vector.broadcast %add3A_38 : i32 to vector<16xi32>
    %add3A_40 = arith.addi %iota3A, %add3A_39 : vector<16xi32>
    %rem3A_41 = arith.constant 16 : i32
    %rem3A_42 = vector.broadcast %rem3A_41 : i32 to vector<16xi32>
    %rem3A_43 = arith.remsi %add3A_40, %rem3A_42 : vector<16xi32>
    %add3A_44 = arith.constant 7 : i32
    %add3A_45 = vector.broadcast %add3A_44 : i32 to vector<16xi32>
    %add3A_46 = arith.addi %iota3A, %add3A_45 : vector<16xi32>
    %rem3A_47 = arith.constant 16 : i32
    %rem3A_48 = vector.broadcast %rem3A_47 : i32 to vector<16xi32>
    %rem3A_49 = arith.remsi %add3A_46, %rem3A_48 : vector<16xi32>
    %add3A_50 = arith.constant 8 : i32
    %add3A_51 = vector.broadcast %add3A_50 : i32 to vector<16xi32>
    %add3A_52 = arith.addi %iota3A, %add3A_51 : vector<16xi32>
    %rem3A_53 = arith.constant 16 : i32
    %rem3A_54 = vector.broadcast %rem3A_53 : i32 to vector<16xi32>
    %rem3A_55 = arith.remsi %add3A_52, %rem3A_54 : vector<16xi32>
    %add3A_56 = arith.constant 9 : i32
    %add3A_57 = vector.broadcast %add3A_56 : i32 to vector<16xi32>
    %add3A_58 = arith.addi %iota3A, %add3A_57 : vector<16xi32>
    %rem3A_59 = arith.constant 16 : i32
    %rem3A_60 = vector.broadcast %rem3A_59 : i32 to vector<16xi32>
    %rem3A_61 = arith.remsi %add3A_58, %rem3A_60 : vector<16xi32>
    %add3A_62 = arith.constant 10 : i32
    %add3A_63 = vector.broadcast %add3A_62 : i32 to vector<16xi32>
    %add3A_64 = arith.addi %iota3A, %add3A_63 : vector<16xi32>
    %rem3A_65 = arith.constant 16 : i32
    %rem3A_66 = vector.broadcast %rem3A_65 : i32 to vector<16xi32>
    %rem3A_67 = arith.remsi %add3A_64, %rem3A_66 : vector<16xi32>
    %add3A_68 = arith.constant 11 : i32
    %add3A_69 = vector.broadcast %add3A_68 : i32 to vector<16xi32>
    %add3A_70 = arith.addi %iota3A, %add3A_69 : vector<16xi32>
    %rem3A_71 = arith.constant 16 : i32
    %rem3A_72 = vector.broadcast %rem3A_71 : i32 to vector<16xi32>
    %rem3A_73 = arith.remsi %add3A_70, %rem3A_72 : vector<16xi32>
    %add3A_74 = arith.constant 12 : i32
    %add3A_75 = vector.broadcast %add3A_74 : i32 to vector<16xi32>
    %add3A_76 = arith.addi %iota3A, %add3A_75 : vector<16xi32>
    %rem3A_77 = arith.constant 16 : i32
    %rem3A_78 = vector.broadcast %rem3A_77 : i32 to vector<16xi32>
    %rem3A_79 = arith.remsi %add3A_76, %rem3A_78 : vector<16xi32>
    %add3A_80 = arith.constant 13 : i32
    %add3A_81 = vector.broadcast %add3A_80 : i32 to vector<16xi32>
    %add3A_82 = arith.addi %iota3A, %add3A_81 : vector<16xi32>
    %rem3A_83 = arith.constant 16 : i32
    %rem3A_84 = vector.broadcast %rem3A_83 : i32 to vector<16xi32>
    %rem3A_85 = arith.remsi %add3A_82, %rem3A_84 : vector<16xi32>
    %add3A_86 = arith.constant 14 : i32
    %add3A_87 = vector.broadcast %add3A_86 : i32 to vector<16xi32>
    %add3A_88 = arith.addi %iota3A, %add3A_87 : vector<16xi32>
    %rem3A_89 = arith.constant 16 : i32
    %rem3A_90 = vector.broadcast %rem3A_89 : i32 to vector<16xi32>
    %rem3A_91 = arith.remsi %add3A_88, %rem3A_90 : vector<16xi32>
    %add3A_92 = arith.constant 15 : i32
    %add3A_93 = vector.broadcast %add3A_92 : i32 to vector<16xi32>
    %add3A_94 = arith.addi %iota3A, %add3A_93 : vector<16xi32>
    %rem3A_95 = arith.constant 16 : i32
    %rem3A_96 = vector.broadcast %rem3A_95 : i32 to vector<16xi32>
    %rem3A_97 = arith.remsi %add3A_94, %rem3A_96 : vector<16xi32>
    %mul3A_98 = arith.constant 32 : i32
    %mul3A_99 = vector.broadcast %mul3A_98 : i32 to vector<16xi32>
    %mul3A_100 = arith.muli %iota3A, %mul3A_99 : vector<16xi32>
    %add3A_101 = arith.addi %mul3A_100, %rem3A_7 : vector<16xi32>
    %mul3A_102 = arith.constant 32 : i32
    %mul3A_103 = vector.broadcast %mul3A_102 : i32 to vector<16xi32>
    %mul3A_104 = arith.muli %iota3A, %mul3A_103 : vector<16xi32>
    %add3A_105 = arith.addi %mul3A_104, %rem3A_13 : vector<16xi32>
    %mul3A_106 = arith.constant 32 : i32
    %mul3A_107 = vector.broadcast %mul3A_106 : i32 to vector<16xi32>
    %mul3A_108 = arith.muli %iota3A, %mul3A_107 : vector<16xi32>
    %add3A_109 = arith.addi %mul3A_108, %rem3A_19 : vector<16xi32>
    %mul3A_110 = arith.constant 32 : i32
    %mul3A_111 = vector.broadcast %mul3A_110 : i32 to vector<16xi32>
    %mul3A_112 = arith.muli %iota3A, %mul3A_111 : vector<16xi32>
    %add3A_113 = arith.addi %mul3A_112, %rem3A_25 : vector<16xi32>
    %mul3A_114 = arith.constant 32 : i32
    %mul3A_115 = vector.broadcast %mul3A_114 : i32 to vector<16xi32>
    %mul3A_116 = arith.muli %iota3A, %mul3A_115 : vector<16xi32>
    %add3A_117 = arith.addi %mul3A_116, %rem3A_31 : vector<16xi32>
    %mul3A_118 = arith.constant 32 : i32
    %mul3A_119 = vector.broadcast %mul3A_118 : i32 to vector<16xi32>
    %mul3A_120 = arith.muli %iota3A, %mul3A_119 : vector<16xi32>
    %add3A_121 = arith.addi %mul3A_120, %rem3A_37 : vector<16xi32>
    %mul3A_122 = arith.constant 32 : i32
    %mul3A_123 = vector.broadcast %mul3A_122 : i32 to vector<16xi32>
    %mul3A_124 = arith.muli %iota3A, %mul3A_123 : vector<16xi32>
    %add3A_125 = arith.addi %mul3A_124, %rem3A_43 : vector<16xi32>
    %mul3A_126 = arith.constant 32 : i32
    %mul3A_127 = vector.broadcast %mul3A_126 : i32 to vector<16xi32>
    %mul3A_128 = arith.muli %iota3A, %mul3A_127 : vector<16xi32>
    %add3A_129 = arith.addi %mul3A_128, %rem3A_49 : vector<16xi32>
    %mul3A_130 = arith.constant 32 : i32
    %mul3A_131 = vector.broadcast %mul3A_130 : i32 to vector<16xi32>
    %mul3A_132 = arith.muli %iota3A, %mul3A_131 : vector<16xi32>
    %add3A_133 = arith.addi %mul3A_132, %rem3A_55 : vector<16xi32>
    %mul3A_134 = arith.constant 32 : i32
    %mul3A_135 = vector.broadcast %mul3A_134 : i32 to vector<16xi32>
    %mul3A_136 = arith.muli %iota3A, %mul3A_135 : vector<16xi32>
    %add3A_137 = arith.addi %mul3A_136, %rem3A_61 : vector<16xi32>
    %mul3A_138 = arith.constant 32 : i32
    %mul3A_139 = vector.broadcast %mul3A_138 : i32 to vector<16xi32>
    %mul3A_140 = arith.muli %iota3A, %mul3A_139 : vector<16xi32>
    %add3A_141 = arith.addi %mul3A_140, %rem3A_67 : vector<16xi32>
    %mul3A_142 = arith.constant 32 : i32
    %mul3A_143 = vector.broadcast %mul3A_142 : i32 to vector<16xi32>
    %mul3A_144 = arith.muli %iota3A, %mul3A_143 : vector<16xi32>
    %add3A_145 = arith.addi %mul3A_144, %rem3A_73 : vector<16xi32>
    %mul3A_146 = arith.constant 32 : i32
    %mul3A_147 = vector.broadcast %mul3A_146 : i32 to vector<16xi32>
    %mul3A_148 = arith.muli %iota3A, %mul3A_147 : vector<16xi32>
    %add3A_149 = arith.addi %mul3A_148, %rem3A_79 : vector<16xi32>
    %mul3A_150 = arith.constant 32 : i32
    %mul3A_151 = vector.broadcast %mul3A_150 : i32 to vector<16xi32>
    %mul3A_152 = arith.muli %iota3A, %mul3A_151 : vector<16xi32>
    %add3A_153 = arith.addi %mul3A_152, %rem3A_85 : vector<16xi32>
    %mul3A_154 = arith.constant 32 : i32
    %mul3A_155 = vector.broadcast %mul3A_154 : i32 to vector<16xi32>
    %mul3A_156 = arith.muli %iota3A, %mul3A_155 : vector<16xi32>
    %add3A_157 = arith.addi %mul3A_156, %rem3A_91 : vector<16xi32>
    %mul3A_158 = arith.constant 32 : i32
    %mul3A_159 = vector.broadcast %mul3A_158 : i32 to vector<16xi32>
    %mul3A_160 = arith.muli %iota3A, %mul3A_159 : vector<16xi32>
    %add3A_161 = arith.addi %mul3A_160, %rem3A_97 : vector<16xi32>
    %eq3A = arith.constant 0 : i32
    %eq3A_162 = arith.cmpi eq, %add3A, %eq3A : i32
    %convert_element_type3A = arith.extui %eq3A_162 : i1 to i32
    %cond3A = arith.constant 0 : i32
    %cond3A_163 = arith.cmpi ne, %convert_element_type3A, %cond3A : i32
    scf.if %cond3A_163 {
      "tpu.region"() ({
        %run_scoped3A = tpu.sem_alloc : memref<!tpu.dma_semaphore, #tpu.memory_space<semaphore_mem>>
        tpu.enqueue_dma source(%arg3 : memref<32x64xf32, #tpu.memory_space<hbm>>) target(%arg9 : memref<32x64xf32, #tpu.memory_space<vmem>>) target_semaphore(%run_scoped3A : memref<!tpu.dma_semaphore, #tpu.memory_space<semaphore_mem>>)
        tpu.wait_dma2 semaphore(%run_scoped3A : memref<!tpu.dma_semaphore, #tpu.memory_space<semaphore_mem>>) src(%arg3 : memref<32x64xf32, #tpu.memory_space<hbm>>) dst(%arg9 : memref<32x64xf32, #tpu.memory_space<vmem>>)
        tpu.yield
      }) : () -> ()
      %scan3A_202 = arith.constant 0 : i32
      %scan3A_203 = arith.constant 0 : i32
      %scan3A_204 = arith.constant 4 : i32
      %scan3A_205 = arith.addi %scan3A_203, %scan3A_204 : i32
      %scan3A_206 = arith.constant 1 : i32
      scf.for %scan3A_208 = %scan3A_203 to %scan3A_205 step %scan3A_206  : i32 {
        %mul3A_209 = arith.constant 16 : i32
        %mul3A_210 = arith.muli %scan3A_208, %mul3A_209 : i32
        %add3A_211 = vector.broadcast %mul3A_210 : i32 to vector<16xi32>
        %add3A_212 = arith.addi %iota3A, %add3A_211 : vector<16xi32>
        %add3A_213 = arith.constant 0 : i32
        %add3A_214 = vector.broadcast %add3A_213 : i32 to vector<16xi32>
        %add3A_215 = arith.addi %rem3A_7, %add3A_214 : vector<16xi32>
        %gather3A = tpu.vector_load_idx %arg9[%add3A_215, %add3A_212] : memref<32x64xf32, #tpu.memory_space<vmem>>[vector<16xi32>, vector<16xi32>], vector<16xf32>,
        %mul3A_216 = arith.constant 32 : i32
        %mul3A_217 = arith.muli %mul3A_210, %mul3A_216 : i32
        %add3A_218 = arith.constant 0 : i32
        %add3A_219 = arith.addi %mul3A_217, %add3A_218 : i32
        %add3A_220 = vector.broadcast %add3A_219 : i32 to vector<16xi32>
        %add3A_221 = arith.addi %add3A_101, %add3A_220 : vector<16xi32>
        tpu.vector_store_idx %arg10[%add3A_221], %gather3A : memref<2048xf32, #tpu.memory_space<vmem>>[vector<16xi32>], vector<16xf32>,
        %add3A_222 = arith.constant 0 : i32
        %add3A_223 = vector.broadcast %add3A_222 : i32 to vector<16xi32>
        %add3A_224 = arith.addi %rem3A_13, %add3A_223 : vector<16xi32>
        %gather3A_225 = tpu.vector_load_idx %arg9[%add3A_224, %add3A_212] : memref<32x64xf32, #tpu.memory_space<vmem>>[vector<16xi32>, vector<16xi32>], vector<16xf32>,
        %mul3A_226 = arith.constant 32 : i32
        %mul3A_227 = arith.muli %mul3A_210, %mul3A_226 : i32
        %add3A_228 = arith.constant 0 : i32
        %add3A_229 = arith.addi %mul3A_227, %add3A_228 : i32
        %add3A_230 = vector.broadcast %add3A_229 : i32 to vector<16xi32>
        %add3A_231 = arith.addi %add3A_105, %add3A_230 : vector<16xi32>
        tpu.vector_store_idx %arg10[%add3A_231], %gather3A_225 : memref<2048xf32, #tpu.memory_space<vmem>>[vector<16xi32>], vector<16xf32>,
        %add3A_232 = arith.constant 0 : i32
        %add3A_233 = vector.broadcast %add3A_232 : i32 to vector<16xi32>
        %add3A_234 = arith.addi %rem3A_19, %add3A_233 : vector<16xi32>
        %gather3A_235 = tpu.vector_load_idx %arg9[%add3A_234, %add3A_212] : memref<32x64xf32, #tpu.memory_space<vmem>>[vector<16xi32>, vector<16xi32>], vector<16xf32>,
        %mul3A_236 = arith.constant 32 : i32
        %mul3A_237 = arith.muli %mul3A_210, %mul3A_236 : i32
        %add3A_238 = arith.constant 0 : i32
        %add3A_239 = arith.addi %mul3A_237, %add3A_238 : i32
        %add3A_240 = vector.broadcast %add3A_239 : i32 to vector<16xi32>
        %add3A_241 = arith.addi %add3A_109, %add3A_240 : vector<16xi32>
        tpu.vector_store_idx %arg10[%add3A_241], %gather3A_235 : memref<2048xf32, #tpu.memory_space<vmem>>[vector<16xi32>], vector<16xf32>,
        %add3A_242 = arith.constant 0 : i32
        %add3A_243 = vector.broadcast %add3A_242 : i32 to vector<16xi32>
        %add3A_244 = arith.addi %rem3A_25, %add3A_243 : vector<16xi32>
        %gather3A_245 = tpu.vector_load_idx %arg9[%add3A_244, %add3A_212] : memref<32x64xf32, #tpu.memory_space<vmem>>[vector<16xi32>, vector<16xi32>], vector<16xf32>,
        %mul3A_246 = arith.constant 32 : i32
        %mul3A_247 = arith.muli %mul3A_210, %mul3A_246 : i32
        %add3A_248 = arith.constant 0 : i32
        %add3A_249 = arith.addi %mul3A_247, %add3A_248 : i32
        %add3A_250 = vector.broadcast %add3A_249 : i32 to vector<16xi32>
        %add3A_251 = arith.addi %add3A_113, %add3A_250 : vector<16xi32>
        tpu.vector_store_idx %arg10[%add3A_251], %gather3A_245 : memref<2048xf32, #tpu.memory_space<vmem>>[vector<16xi32>], vector<16xf32>,
        %add3A_252 = arith.constant 0 : i32
        %add3A_253 = vector.broadcast %add3A_252 : i32 to vector<16xi32>
        %add3A_254 = arith.addi %rem3A_31, %add3A_253 : vector<16xi32>
        %gather3A_255 = tpu.vector_load_idx %arg9[%add3A_254, %add3A_212] : memref<32x64xf32, #tpu.memory_space<vmem>>[vector<16xi32>, vector<16xi32>], vector<16xf32>,
        %mul3A_256 = arith.constant 32 : i32
        %mul3A_257 = arith.muli %mul3A_210, %mul3A_256 : i32
        %add3A_258 = arith.constant 0 : i32
        %add3A_259 = arith.addi %mul3A_257, %add3A_258 : i32
        %add3A_260 = vector.broadcast %add3A_259 : i32 to vector<16xi32>
        %add3A_261 = arith.addi %add3A_117, %add3A_260 : vector<16xi32>
        tpu.vector_store_idx %arg10[%add3A_261], %gather3A_255 : memref<2048xf32, #tpu.memory_space<vmem>>[vector<16xi32>], vector<16xf32>,
        %add3A_262 = arith.constant 0 : i32
        %add3A_263 = vector.broadcast %add3A_262 : i32 to vector<16xi32>
        %add3A_264 = arith.addi %rem3A_37, %add3A_263 : vector<16xi32>
        %gather3A_265 = tpu.vector_load_idx %arg9[%add3A_264, %add3A_212] : memref<32x64xf32, #tpu.memory_space<vmem>>[vector<16xi32>, vector<16xi32>], vector<16xf32>,
        %mul3A_266 = arith.constant 32 : i32
        %mul3A_267 = arith.muli %mul3A_210, %mul3A_266 : i32
        %add3A_268 = arith.constant 0 : i32
        %add3A_269 = arith.addi %mul3A_267, %add3A_268 : i32
        %add3A_270 = vector.broadcast %add3A_269 : i32 to vector<16xi32>
        %add3A_271 = arith.addi %add3A_121, %add3A_270 : vector<16xi32>
        tpu.vector_store_idx %arg10[%add3A_271], %gather3A_265 : memref<2048xf32, #tpu.memory_space<vmem>>[vector<16xi32>], vector<16xf32>,
        %add3A_272 = arith.constant 0 : i32
        %add3A_273 = vector.broadcast %add3A_272 : i32 to vector<16xi32>
        %add3A_274 = arith.addi %rem3A_43, %add3A_273 : vector<16xi32>
        %gather3A_275 = tpu.vector_load_idx %arg9[%add3A_274, %add3A_212] : memref<32x64xf32, #tpu.memory_space<vmem>>[vector<16xi32>, vector<16xi32>], vector<16xf32>,
        %mul3A_276 = arith.constant 32 : i32
        %mul3A_277 = arith.muli %mul3A_210, %mul3A_276 : i32
        %add3A_278 = arith.constant 0 : i32
        %add3A_279 = arith.addi %mul3A_277, %add3A_278 : i32
        %add3A_280 = vector.broadcast %add3A_279 : i32 to vector<16xi32>
        %add3A_281 = arith.addi %add3A_125, %add3A_280 : vector<16xi32>
        tpu.vector_store_idx %arg10[%add3A_281], %gather3A_275 : memref<2048xf32, #tpu.memory_space<vmem>>[vector<16xi32>], vector<16xf32>,
        %add3A_282 = arith.constant 0 : i32
        %add3A_283 = vector.broadcast %add3A_282 : i32 to vector<16xi32>
        %add3A_284 = arith.addi %rem3A_49, %add3A_283 : vector<16xi32>
        %gather3A_285 = tpu.vector_load_idx %arg9[%add3A_284, %add3A_212] : memref<32x64xf32, #tpu.memory_space<vmem>>[vector<16xi32>, vector<16xi32>], vector<16xf32>,
        %mul3A_286 = arith.constant 32 : i32
        %mul3A_287 = arith.muli %mul3A_210, %mul3A_286 : i32
        %add3A_288 = arith.constant 0 : i32
        %add3A_289 = arith.addi %mul3A_287, %add3A_288 : i32
        %add3A_290 = vector.broadcast %add3A_289 : i32 to vector<16xi32>
        %add3A_291 = arith.addi %add3A_129, %add3A_290 : vector<16xi32>
        tpu.vector_store_idx %arg10[%add3A_291], %gather3A_285 : memref<2048xf32, #tpu.memory_space<vmem>>[vector<16xi32>], vector<16xf32>,
        %add3A_292 = arith.constant 0 : i32
        %add3A_293 = vector.broadcast %add3A_292 : i32 to vector<16xi32>
        %add3A_294 = arith.addi %rem3A_55, %add3A_293 : vector<16xi32>
        %gather3A_295 = tpu.vector_load_idx %arg9[%add3A_294, %add3A_212] : memref<32x64xf32, #tpu.memory_space<vmem>>[vector<16xi32>, vector<16xi32>], vector<16xf32>,
        %mul3A_296 = arith.constant 32 : i32
        %mul3A_297 = arith.muli %mul3A_210, %mul3A_296 : i32
        %add3A_298 = arith.constant 0 : i32
        %add3A_299 = arith.addi %mul3A_297, %add3A_298 : i32
        %add3A_300 = vector.broadcast %add3A_299 : i32 to vector<16xi32>
        %add3A_301 = arith.addi %add3A_133, %add3A_300 : vector<16xi32>
        tpu.vector_store_idx %arg10[%add3A_301], %gather3A_295 : memref<2048xf32, #tpu.memory_space<vmem>>[vector<16xi32>], vector<16xf32>,
        %add3A_302 = arith.constant 0 : i32
        %add3A_303 = vector.broadcast %add3A_302 : i32 to vector<16xi32>
        %add3A_304 = arith.addi %rem3A_61, %add3A_303 : vector<16xi32>
        %gather3A_305 = tpu.vector_load_idx %arg9[%add3A_304, %add3A_212] : memref<32x64xf32, #tpu.memory_space<vmem>>[vector<16xi32>, vector<16xi32>], vector<16xf32>,
        %mul3A_306 = arith.constant 32 : i32
        %mul3A_307 = arith.muli %mul3A_210, %mul3A_306 : i32
        %add3A_308 = arith.constant 0 : i32
        %add3A_309 = arith.addi %mul3A_307, %add3A_308 : i32
        %add3A_310 = vector.broadcast %add3A_309 : i32 to vector<16xi32>
        %add3A_311 = arith.addi %add3A_137, %add3A_310 : vector<16xi32>
        tpu.vector_store_idx %arg10[%add3A_311], %gather3A_305 : memref<2048xf32, #tpu.memory_space<vmem>>[vector<16xi32>], vector<16xf32>,
        %add3A_312 = arith.constant 0 : i32
        %add3A_313 = vector.broadcast %add3A_312 : i32 to vector<16xi32>
        %add3A_314 = arith.addi %rem3A_67, %add3A_313 : vector<16xi32>
        %gather3A_315 = tpu.vector_load_idx %arg9[%add3A_314, %add3A_212] : memref<32x64xf32, #tpu.memory_space<vmem>>[vector<16xi32>, vector<16xi32>], vector<16xf32>,
        %mul3A_316 = arith.constant 32 : i32
        %mul3A_317 = arith.muli %mul3A_210, %mul3A_316 : i32
        %add3A_318 = arith.constant 0 : i32
        %add3A_319 = arith.addi %mul3A_317, %add3A_318 : i32
        %add3A_320 = vector.broadcast %add3A_319 : i32 to vector<16xi32>
        %add3A_321 = arith.addi %add3A_141, %add3A_320 : vector<16xi32>
        tpu.vector_store_idx %arg10[%add3A_321], %gather3A_315 : memref<2048xf32, #tpu.memory_space<vmem>>[vector<16xi32>], vector<16xf32>,
        %add3A_322 = arith.constant 0 : i32
        %add3A_323 = vector.broadcast %add3A_322 : i32 to vector<16xi32>
        %add3A_324 = arith.addi %rem3A_73, %add3A_323 : vector<16xi32>
        %gather3A_325 = tpu.vector_load_idx %arg9[%add3A_324, %add3A_212] : memref<32x64xf32, #tpu.memory_space<vmem>>[vector<16xi32>, vector<16xi32>], vector<16xf32>,
        %mul3A_326 = arith.constant 32 : i32
        %mul3A_327 = arith.muli %mul3A_210, %mul3A_326 : i32
        %add3A_328 = arith.constant 0 : i32
        %add3A_329 = arith.addi %mul3A_327, %add3A_328 : i32
        %add3A_330 = vector.broadcast %add3A_329 : i32 to vector<16xi32>
        %add3A_331 = arith.addi %add3A_145, %add3A_330 : vector<16xi32>
        tpu.vector_store_idx %arg10[%add3A_331], %gather3A_325 : memref<2048xf32, #tpu.memory_space<vmem>>[vector<16xi32>], vector<16xf32>,
        %add3A_332 = arith.constant 0 : i32
        %add3A_333 = vector.broadcast %add3A_332 : i32 to vector<16xi32>
        %add3A_334 = arith.addi %rem3A_79, %add3A_333 : vector<16xi32>
        %gather3A_335 = tpu.vector_load_idx %arg9[%add3A_334, %add3A_212] : memref<32x64xf32, #tpu.memory_space<vmem>>[vector<16xi32>, vector<16xi32>], vector<16xf32>,
        %mul3A_336 = arith.constant 32 : i32
        %mul3A_337 = arith.muli %mul3A_210, %mul3A_336 : i32
        %add3A_338 = arith.constant 0 : i32
        %add3A_339 = arith.addi %mul3A_337, %add3A_338 : i32
        %add3A_340 = vector.broadcast %add3A_339 : i32 to vector<16xi32>
        %add3A_341 = arith.addi %add3A_149, %add3A_340 : vector<16xi32>
        tpu.vector_store_idx %arg10[%add3A_341], %gather3A_335 : memref<2048xf32, #tpu.memory_space<vmem>>[vector<16xi32>], vector<16xf32>,
        %add3A_342 = arith.constant 0 : i32
        %add3A_343 = vector.broadcast %add3A_342 : i32 to vector<16xi32>
        %add3A_344 = arith.addi %rem3A_85, %add3A_343 : vector<16xi32>
        %gather3A_345 = tpu.vector_load_idx %arg9[%add3A_344, %add3A_212] : memref<32x64xf32, #tpu.memory_space<vmem>>[vector<16xi32>, vector<16xi32>], vector<16xf32>,
        %mul3A_346 = arith.constant 32 : i32
        %mul3A_347 = arith.muli %mul3A_210, %mul3A_346 : i32
        %add3A_348 = arith.constant 0 : i32
        %add3A_349 = arith.addi %mul3A_347, %add3A_348 : i32
        %add3A_350 = vector.broadcast %add3A_349 : i32 to vector<16xi32>
        %add3A_351 = arith.addi %add3A_153, %add3A_350 : vector<16xi32>
        tpu.vector_store_idx %arg10[%add3A_351], %gather3A_345 : memref<2048xf32, #tpu.memory_space<vmem>>[vector<16xi32>], vector<16xf32>,
        %add3A_352 = arith.constant 0 : i32
        %add3A_353 = vector.broadcast %add3A_352 : i32 to vector<16xi32>
        %add3A_354 = arith.addi %rem3A_91, %add3A_353 : vector<16xi32>
        %gather3A_355 = tpu.vector_load_idx %arg9[%add3A_354, %add3A_212] : memref<32x64xf32, #tpu.memory_space<vmem>>[vector<16xi32>, vector<16xi32>], vector<16xf32>,
        %mul3A_356 = arith.constant 32 : i32
        %mul3A_357 = arith.muli %mul3A_210, %mul3A_356 : i32
        %add3A_358 = arith.constant 0 : i32
        %add3A_359 = arith.addi %mul3A_357, %add3A_358 : i32
        %add3A_360 = vector.broadcast %add3A_359 : i32 to vector<16xi32>
        %add3A_361 = arith.addi %add3A_157, %add3A_360 : vector<16xi32>
        tpu.vector_store_idx %arg10[%add3A_361], %gather3A_355 : memref<2048xf32, #tpu.memory_space<vmem>>[vector<16xi32>], vector<16xf32>,
        %add3A_362 = arith.constant 0 : i32
        %add3A_363 = vector.broadcast %add3A_362 : i32 to vector<16xi32>
        %add3A_364 = arith.addi %rem3A_97, %add3A_363 : vector<16xi32>
        %gather3A_365 = tpu.vector_load_idx %arg9[%add3A_364, %add3A_212] : memref<32x64xf32, #tpu.memory_space<vmem>>[vector<16xi32>, vector<16xi32>], vector<16xf32>,
        %mul3A_366 = arith.constant 32 : i32
        %mul3A_367 = arith.muli %mul3A_210, %mul3A_366 : i32
        %add3A_368 = arith.constant 0 : i32
        %add3A_369 = arith.addi %mul3A_367, %add3A_368 : i32
        %add3A_370 = vector.broadcast %add3A_369 : i32 to vector<16xi32>
        %add3A_371 = arith.addi %add3A_161, %add3A_370 : vector<16xi32>
        tpu.vector_store_idx %arg10[%add3A_371], %gather3A_365 : memref<2048xf32, #tpu.memory_space<vmem>>[vector<16xi32>], vector<16xf32>,
        %add3A_372 = arith.constant 16 : i32
        %add3A_373 = vector.broadcast %add3A_372 : i32 to vector<16xi32>
        %add3A_374 = arith.addi %rem3A_7, %add3A_373 : vector<16xi32>
        %gather3A_375 = tpu.vector_load_idx %arg9[%add3A_374, %add3A_212] : memref<32x64xf32, #tpu.memory_space<vmem>>[vector<16xi32>, vector<16xi32>], vector<16xf32>,
        %mul3A_376 = arith.constant 32 : i32
        %mul3A_377 = arith.muli %mul3A_210, %mul3A_376 : i32
        %add3A_378 = arith.constant 16 : i32
        %add3A_379 = arith.addi %mul3A_377, %add3A_378 : i32
        %add3A_380 = vector.broadcast %add3A_379 : i32 to vector<16xi32>
        %add3A_381 = arith.addi %add3A_101, %add3A_380 : vector<16xi32>
        tpu.vector_store_idx %arg10[%add3A_381], %gather3A_375 : memref<2048xf32, #tpu.memory_space<vmem>>[vector<16xi32>], vector<16xf32>,
        %add3A_382 = arith.constant 16 : i32
        %add3A_383 = vector.broadcast %add3A_382 : i32 to vector<16xi32>
        %add3A_384 = arith.addi %rem3A_13, %add3A_383 : vector<16xi32>
        %gather3A_385 = tpu.vector_load_idx %arg9[%add3A_384, %add3A_212] : memref<32x64xf32, #tpu.memory_space<vmem>>[vector<16xi32>, vector<16xi32>], vector<16xf32>,
        %mul3A_386 = arith.constant 32 : i32
        %mul3A_387 = arith.muli %mul3A_210, %mul3A_386 : i32
        %add3A_388 = arith.constant 16 : i32
        %add3A_389 = arith.addi %mul3A_387, %add3A_388 : i32
        %add3A_390 = vector.broadcast %add3A_389 : i32 to vector<16xi32>
        %add3A_391 = arith.addi %add3A_105, %add3A_390 : vector<16xi32>
        tpu.vector_store_idx %arg10[%add3A_391], %gather3A_385 : memref<2048xf32, #tpu.memory_space<vmem>>[vector<16xi32>], vector<16xf32>,
        %add3A_392 = arith.constant 16 : i32
        %add3A_393 = vector.broadcast %add3A_392 : i32 to vector<16xi32>
        %add3A_394 = arith.addi %rem3A_19, %add3A_393 : vector<16xi32>
        %gather3A_395 = tpu.vector_load_idx %arg9[%add3A_394, %add3A_212] : memref<32x64xf32, #tpu.memory_space<vmem>>[vector<16xi32>, vector<16xi32>], vector<16xf32>,
        %mul3A_396 = arith.constant 32 : i32
        %mul3A_397 = arith.muli %mul3A_210, %mul3A_396 : i32
        %add3A_398 = arith.constant 16 : i32
        %add3A_399 = arith.addi %mul3A_397, %add3A_398 : i32
        %add3A_400 = vector.broadcast %add3A_399 : i32 to vector<16xi32>
        %add3A_401 = arith.addi %add3A_109, %add3A_400 : vector<16xi32>
        tpu.vector_store_idx %arg10[%add3A_401], %gather3A_395 : memref<2048xf32, #tpu.memory_space<vmem>>[vector<16xi32>], vector<16xf32>,
        %add3A_402 = arith.constant 16 : i32
        %add3A_403 = vector.broadcast %add3A_402 : i32 to vector<16xi32>
        %add3A_404 = arith.addi %rem3A_25, %add3A_403 : vector<16xi32>
        %gather3A_405 = tpu.vector_load_idx %arg9[%add3A_404, %add3A_212] : memref<32x64xf32, #tpu.memory_space<vmem>>[vector<16xi32>, vector<16xi32>], vector<16xf32>,
        %mul3A_406 = arith.constant 32 : i32
        %mul3A_407 = arith.muli %mul3A_210, %mul3A_406 : i32
        %add3A_408 = arith.constant 16 : i32
        %add3A_409 = arith.addi %mul3A_407, %add3A_408 : i32
        %add3A_410 = vector.broadcast %add3A_409 : i32 to vector<16xi32>
        %add3A_411 = arith.addi %add3A_113, %add3A_410 : vector<16xi32>
        tpu.vector_store_idx %arg10[%add3A_411], %gather3A_405 : memref<2048xf32, #tpu.memory_space<vmem>>[vector<16xi32>], vector<16xf32>,
        %add3A_412 = arith.constant 16 : i32
        %add3A_413 = vector.broadcast %add3A_412 : i32 to vector<16xi32>
        %add3A_414 = arith.addi %rem3A_31, %add3A_413 : vector<16xi32>
        %gather3A_415 = tpu.vector_load_idx %arg9[%add3A_414, %add3A_212] : memref<32x64xf32, #tpu.memory_space<vmem>>[vector<16xi32>, vector<16xi32>], vector<16xf32>,
        %mul3A_416 = arith.constant 32 : i32
        %mul3A_417 = arith.muli %mul3A_210, %mul3A_416 : i32
        %add3A_418 = arith.constant 16 : i32
        %add3A_419 = arith.addi %mul3A_417, %add3A_418 : i32
        %add3A_420 = vector.broadcast %add3A_419 : i32 to vector<16xi32>
        %add3A_421 = arith.addi %add3A_117, %add3A_420 : vector<16xi32>
        tpu.vector_store_idx %arg10[%add3A_421], %gather3A_415 : memref<2048xf32, #tpu.memory_space<vmem>>[vector<16xi32>], vector<16xf32>,
        %add3A_422 = arith.constant 16 : i32
        %add3A_423 = vector.broadcast %add3A_422 : i32 to vector<16xi32>
        %add3A_424 = arith.addi %rem3A_37, %add3A_423 : vector<16xi32>
        %gather3A_425 = tpu.vector_load_idx %arg9[%add3A_424, %add3A_212] : memref<32x64xf32, #tpu.memory_space<vmem>>[vector<16xi32>, vector<16xi32>], vector<16xf32>,
        %mul3A_426 = arith.constant 32 : i32
        %mul3A_427 = arith.muli %mul3A_210, %mul3A_426 : i32
        %add3A_428 = arith.constant 16 : i32
        %add3A_429 = arith.addi %mul3A_427, %add3A_428 : i32
        %add3A_430 = vector.broadcast %add3A_429 : i32 to vector<16xi32>
        %add3A_431 = arith.addi %add3A_121, %add3A_430 : vector<16xi32>
        tpu.vector_store_idx %arg10[%add3A_431], %gather3A_425 : memref<2048xf32, #tpu.memory_space<vmem>>[vector<16xi32>], vector<16xf32>,
        %add3A_432 = arith.constant 16 : i32
        %add3A_433 = vector.broadcast %add3A_432 : i32 to vector<16xi32>
        %add3A_434 = arith.addi %rem3A_43, %add3A_433 : vector<16xi32>
        %gather3A_435 = tpu.vector_load_idx %arg9[%add3A_434, %add3A_212] : memref<32x64xf32, #tpu.memory_space<vmem>>[vector<16xi32>, vector<16xi32>], vector<16xf32>,
        %mul3A_436 = arith.constant 32 : i32
        %mul3A_437 = arith.muli %mul3A_210, %mul3A_436 : i32
        %add3A_438 = arith.constant 16 : i32
        %add3A_439 = arith.addi %mul3A_437, %add3A_438 : i32
        %add3A_440 = vector.broadcast %add3A_439 : i32 to vector<16xi32>
        %add3A_441 = arith.addi %add3A_125, %add3A_440 : vector<16xi32>
        tpu.vector_store_idx %arg10[%add3A_441], %gather3A_435 : memref<2048xf32, #tpu.memory_space<vmem>>[vector<16xi32>], vector<16xf32>,
        %add3A_442 = arith.constant 16 : i32
        %add3A_443 = vector.broadcast %add3A_442 : i32 to vector<16xi32>
        %add3A_444 = arith.addi %rem3A_49, %add3A_443 : vector<16xi32>
        %gather3A_445 = tpu.vector_load_idx %arg9[%add3A_444, %add3A_212] : memref<32x64xf32, #tpu.memory_space<vmem>>[vector<16xi32>, vector<16xi32>], vector<16xf32>,
        %mul3A_446 = arith.constant 32 : i32
        %mul3A_447 = arith.muli %mul3A_210, %mul3A_446 : i32
        %add3A_448 = arith.constant 16 : i32
        %add3A_449 = arith.addi %mul3A_447, %add3A_448 : i32
        %add3A_450 = vector.broadcast %add3A_449 : i32 to vector<16xi32>
        %add3A_451 = arith.addi %add3A_129, %add3A_450 : vector<16xi32>
        tpu.vector_store_idx %arg10[%add3A_451], %gather3A_445 : memref<2048xf32, #tpu.memory_space<vmem>>[vector<16xi32>], vector<16xf32>,
        %add3A_452 = arith.constant 16 : i32
        %add3A_453 = vector.broadcast %add3A_452 : i32 to vector<16xi32>
        %add3A_454 = arith.addi %rem3A_55, %add3A_453 : vector<16xi32>
        %gather3A_455 = tpu.vector_load_idx %arg9[%add3A_454, %add3A_212] : memref<32x64xf32, #tpu.memory_space<vmem>>[vector<16xi32>, vector<16xi32>], vector<16xf32>,
        %mul3A_456 = arith.constant 32 : i32
        %mul3A_457 = arith.muli %mul3A_210, %mul3A_456 : i32
        %add3A_458 = arith.constant 16 : i32
        %add3A_459 = arith.addi %mul3A_457, %add3A_458 : i32
        %add3A_460 = vector.broadcast %add3A_459 : i32 to vector<16xi32>
        %add3A_461 = arith.addi %add3A_133, %add3A_460 : vector<16xi32>
        tpu.vector_store_idx %arg10[%add3A_461], %gather3A_455 : memref<2048xf32, #tpu.memory_space<vmem>>[vector<16xi32>], vector<16xf32>,
        %add3A_462 = arith.constant 16 : i32
        %add3A_463 = vector.broadcast %add3A_462 : i32 to vector<16xi32>
        %add3A_464 = arith.addi %rem3A_61, %add3A_463 : vector<16xi32>
        %gather3A_465 = tpu.vector_load_idx %arg9[%add3A_464, %add3A_212] : memref<32x64xf32, #tpu.memory_space<vmem>>[vector<16xi32>, vector<16xi32>], vector<16xf32>,
        %mul3A_466 = arith.constant 32 : i32
        %mul3A_467 = arith.muli %mul3A_210, %mul3A_466 : i32
        %add3A_468 = arith.constant 16 : i32
        %add3A_469 = arith.addi %mul3A_467, %add3A_468 : i32
        %add3A_470 = vector.broadcast %add3A_469 : i32 to vector<16xi32>
        %add3A_471 = arith.addi %add3A_137, %add3A_470 : vector<16xi32>
        tpu.vector_store_idx %arg10[%add3A_471], %gather3A_465 : memref<2048xf32, #tpu.memory_space<vmem>>[vector<16xi32>], vector<16xf32>,
        %add3A_472 = arith.constant 16 : i32
        %add3A_473 = vector.broadcast %add3A_472 : i32 to vector<16xi32>
        %add3A_474 = arith.addi %rem3A_67, %add3A_473 : vector<16xi32>
        %gather3A_475 = tpu.vector_load_idx %arg9[%add3A_474, %add3A_212] : memref<32x64xf32, #tpu.memory_space<vmem>>[vector<16xi32>, vector<16xi32>], vector<16xf32>,
        %mul3A_476 = arith.constant 32 : i32
        %mul3A_477 = arith.muli %mul3A_210, %mul3A_476 : i32
        %add3A_478 = arith.constant 16 : i32
        %add3A_479 = arith.addi %mul3A_477, %add3A_478 : i32
        %add3A_480 = vector.broadcast %add3A_479 : i32 to vector<16xi32>
        %add3A_481 = arith.addi %add3A_141, %add3A_480 : vector<16xi32>
        tpu.vector_store_idx %arg10[%add3A_481], %gather3A_475 : memref<2048xf32, #tpu.memory_space<vmem>>[vector<16xi32>], vector<16xf32>,
        %add3A_482 = arith.constant 16 : i32
        %add3A_483 = vector.broadcast %add3A_482 : i32 to vector<16xi32>
        %add3A_484 = arith.addi %rem3A_73, %add3A_483 : vector<16xi32>
        %gather3A_485 = tpu.vector_load_idx %arg9[%add3A_484, %add3A_212] : memref<32x64xf32, #tpu.memory_space<vmem>>[vector<16xi32>, vector<16xi32>], vector<16xf32>,
        %mul3A_486 = arith.constant 32 : i32
        %mul3A_487 = arith.muli %mul3A_210, %mul3A_486 : i32
        %add3A_488 = arith.constant 16 : i32
        %add3A_489 = arith.addi %mul3A_487, %add3A_488 : i32
        %add3A_490 = vector.broadcast %add3A_489 : i32 to vector<16xi32>
        %add3A_491 = arith.addi %add3A_145, %add3A_490 : vector<16xi32>
        tpu.vector_store_idx %arg10[%add3A_491], %gather3A_485 : memref<2048xf32, #tpu.memory_space<vmem>>[vector<16xi32>], vector<16xf32>,
        %add3A_492 = arith.constant 16 : i32
        %add3A_493 = vector.broadcast %add3A_492 : i32 to vector<16xi32>
        %add3A_494 = arith.addi %rem3A_79, %add3A_493 : vector<16xi32>
        %gather3A_495 = tpu.vector_load_idx %arg9[%add3A_494, %add3A_212] : memref<32x64xf32, #tpu.memory_space<vmem>>[vector<16xi32>, vector<16xi32>], vector<16xf32>,
        %mul3A_496 = arith.constant 32 : i32
        %mul3A_497 = arith.muli %mul3A_210, %mul3A_496 : i32
        %add3A_498 = arith.constant 16 : i32
        %add3A_499 = arith.addi %mul3A_497, %add3A_498 : i32
        %add3A_500 = vector.broadcast %add3A_499 : i32 to vector<16xi32>
        %add3A_501 = arith.addi %add3A_149, %add3A_500 : vector<16xi32>
        tpu.vector_store_idx %arg10[%add3A_501], %gather3A_495 : memref<2048xf32, #tpu.memory_space<vmem>>[vector<16xi32>], vector<16xf32>,
        %add3A_502 = arith.constant 16 : i32
        %add3A_503 = vector.broadcast %add3A_502 : i32 to vector<16xi32>
        %add3A_504 = arith.addi %rem3A_85, %add3A_503 : vector<16xi32>
        %gather3A_505 = tpu.vector_load_idx %arg9[%add3A_504, %add3A_212] : memref<32x64xf32, #tpu.memory_space<vmem>>[vector<16xi32>, vector<16xi32>], vector<16xf32>,
        %mul3A_506 = arith.constant 32 : i32
        %mul3A_507 = arith.muli %mul3A_210, %mul3A_506 : i32
        %add3A_508 = arith.constant 16 : i32
        %add3A_509 = arith.addi %mul3A_507, %add3A_508 : i32
        %add3A_510 = vector.broadcast %add3A_509 : i32 to vector<16xi32>
        %add3A_511 = arith.addi %add3A_153, %add3A_510 : vector<16xi32>
        tpu.vector_store_idx %arg10[%add3A_511], %gather3A_505 : memref<2048xf32, #tpu.memory_space<vmem>>[vector<16xi32>], vector<16xf32>,
        %add3A_512 = arith.constant 16 : i32
        %add3A_513 = vector.broadcast %add3A_512 : i32 to vector<16xi32>
        %add3A_514 = arith.addi %rem3A_91, %add3A_513 : vector<16xi32>
        %gather3A_515 = tpu.vector_load_idx %arg9[%add3A_514, %add3A_212] : memref<32x64xf32, #tpu.memory_space<vmem>>[vector<16xi32>, vector<16xi32>], vector<16xf32>,
        %mul3A_516 = arith.constant 32 : i32
        %mul3A_517 = arith.muli %mul3A_210, %mul3A_516 : i32
        %add3A_518 = arith.constant 16 : i32
        %add3A_519 = arith.addi %mul3A_517, %add3A_518 : i32
        %add3A_520 = vector.broadcast %add3A_519 : i32 to vector<16xi32>
        %add3A_521 = arith.addi %add3A_157, %add3A_520 : vector<16xi32>
        tpu.vector_store_idx %arg10[%add3A_521], %gather3A_515 : memref<2048xf32, #tpu.memory_space<vmem>>[vector<16xi32>], vector<16xf32>,
        %add3A_522 = arith.constant 16 : i32
        %add3A_523 = vector.broadcast %add3A_522 : i32 to vector<16xi32>
        %add3A_524 = arith.addi %rem3A_97, %add3A_523 : vector<16xi32>
        %gather3A_525 = tpu.vector_load_idx %arg9[%add3A_524, %add3A_212] : memref<32x64xf32, #tpu.memory_space<vmem>>[vector<16xi32>, vector<16xi32>], vector<16xf32>,
        %mul3A_526 = arith.constant 32 : i32
        %mul3A_527 = arith.muli %mul3A_210, %mul3A_526 : i32
        %add3A_528 = arith.constant 16 : i32
        %add3A_529 = arith.addi %mul3A_527, %add3A_528 : i32
        %add3A_530 = vector.broadcast %add3A_529 : i32 to vector<16xi32>
        %add3A_531 = arith.addi %add3A_161, %add3A_530 : vector<16xi32>
        tpu.vector_store_idx %arg10[%add3A_531], %gather3A_525 : memref<2048xf32, #tpu.memory_space<vmem>>[vector<16xi32>], vector<16xf32>,
      }
      %scan3A_207 = arith.constant 4 : i32
      "tpu.region"() ({
        %run_scoped3A = tpu.sem_alloc : memref<!tpu.dma_semaphore, #tpu.memory_space<semaphore_mem>>
        %dma_start3A_208 = arith.constant 31997952 : i32
        %dma_start3A_209 = tpu.memref_slice %arg4[%dma_start3A_208] : memref<32000000xf32, #tpu.memory_space<hbm>> -> memref<2048xf32, #tpu.memory_space<hbm>>
        %dma_start3A_210 = arith.constant 31997952 : i32
        %dma_start3A_211 = tpu.memref_slice %arg4[%dma_start3A_210] : memref<32000000xf32, #tpu.memory_space<hbm>> -> memref<2048xf32, #tpu.memory_space<hbm>>
        tpu.enqueue_dma source(%arg10 : memref<2048xf32, #tpu.memory_space<vmem>>) target(%dma_start3A_211 : memref<2048xf32, #tpu.memory_space<hbm>>) target_semaphore(%run_scoped3A : memref<!tpu.dma_semaphore, #tpu.memory_space<semaphore_mem>>)
        %dma_wait3A_212 = arith.constant 31997952 : i32
        %dma_wait3A_213 = tpu.memref_slice %arg4[%dma_wait3A_212] : memref<32000000xf32, #tpu.memory_space<hbm>> -> memref<2048xf32, #tpu.memory_space<hbm>>
        %dma_wait3A_214 = arith.constant 31997952 : i32
        %dma_wait3A_215 = tpu.memref_slice %arg4[%dma_wait3A_214] : memref<32000000xf32, #tpu.memory_space<hbm>> -> memref<2048xf32, #tpu.memory_space<hbm>>
        tpu.wait_dma2 semaphore(%run_scoped3A : memref<!tpu.dma_semaphore, #tpu.memory_space<semaphore_mem>>) src(%arg10 : memref<2048xf32, #tpu.memory_space<vmem>>) dst(%dma_wait3A_215 : memref<2048xf32, #tpu.memory_space<hbm>>)
        tpu.yield
      }) : () -> ()
    } else {
    }
    %mul3A_164 = arith.constant 128 : i32
    %mul3A_165 = arith.muli %mul3A_2, %mul3A_164 : i32
    %dma_start3A = arith.constant 0 : i32
    %dma_start3A_166 = arith.constant 0 : i32
    %dma_start3A_167 = tpu.memref_slice %arg2[%dma_start3A_166, %mul3A_165] : memref<32x1000000xf32, #tpu.memory_space<hbm>> -> memref<32x128xf32, #tpu.memory_space<hbm>>
    %dma_start3A_168 = tpu.memref_slice %arg11[%dma_start3A] : memref<2x!tpu.dma_semaphore, #tpu.memory_space<semaphore_mem>> -> memref<1x!tpu.dma_semaphore, #tpu.memory_space<semaphore_mem>>
    %dma_start3A_169 = tpu.memref_squeeze %dma_start3A_168 : memref<1x!tpu.dma_semaphore, #tpu.memory_space<semaphore_mem>> -> memref<!tpu.dma_semaphore, #tpu.memory_space<semaphore_mem>>
    %dma_start3A_170 = arith.constant 0 : i32
    %dma_start3A_171 = tpu.memref_slice %arg2[%dma_start3A_170, %mul3A_165] : memref<32x1000000xf32, #tpu.memory_space<hbm>> -> memref<32x128xf32, #tpu.memory_space<hbm>>
    tpu.enqueue_dma source(%dma_start3A_171 : memref<32x128xf32, #tpu.memory_space<hbm>>) target(%arg5 : memref<32x128xf32, #tpu.memory_space<vmem>>) target_semaphore(%dma_start3A_169 : memref<!tpu.dma_semaphore, #tpu.memory_space<semaphore_mem>>)
    %add3A_172 = arith.constant 1 : i32
    %add3A_173 = arith.addi %mul3A_2, %add3A_172 : i32
    %mul3A_174 = arith.constant 128 : i32
    %mul3A_175 = arith.muli %add3A_173, %mul3A_174 : i32
    %dma_start3A_176 = arith.constant 1 : i32
    %dma_start3A_177 = arith.constant 0 : i32
    %dma_start3A_178 = tpu.memref_slice %arg2[%dma_start3A_177, %mul3A_175] : memref<32x1000000xf32, #tpu.memory_space<hbm>> -> memref<32x128xf32, #tpu.memory_space<hbm>>
    %dma_start3A_179 = tpu.memref_slice %arg11[%dma_start3A_176] : memref<2x!tpu.dma_semaphore, #tpu.memory_space<semaphore_mem>> -> memref<1x!tpu.dma_semaphore, #tpu.memory_space<semaphore_mem>>
    %dma_start3A_180 = tpu.memref_squeeze %dma_start3A_179 : memref<1x!tpu.dma_semaphore, #tpu.memory_space<semaphore_mem>> -> memref<!tpu.dma_semaphore, #tpu.memory_space<semaphore_mem>>
    %dma_start3A_181 = arith.constant 0 : i32
    %dma_start3A_182 = tpu.memref_slice %arg2[%dma_start3A_181, %mul3A_175] : memref<32x1000000xf32, #tpu.memory_space<hbm>> -> memref<32x128xf32, #tpu.memory_space<hbm>>
    tpu.enqueue_dma source(%dma_start3A_182 : memref<32x128xf32, #tpu.memory_space<hbm>>) target(%arg6 : memref<32x128xf32, #tpu.memory_space<vmem>>) target_semaphore(%dma_start3A_180 : memref<!tpu.dma_semaphore, #tpu.memory_space<semaphore_mem>>)
    %scan3A = arith.constant 0 : i32
    %scan3A_183 = arith.constant 0 : i32
    %scan3A_184 = arith.constant 122 : i32
    %scan3A_185 = arith.addi %scan3A_183, %scan3A_184 : i32
    %scan3A_186 = arith.constant 1 : i32
    scf.for %scan3A_202 = %scan3A_183 to %scan3A_185 step %scan3A_186  : i32 {
      %mul3A_203 = arith.constant 2 : i32
      %mul3A_204 = arith.muli %mul3A_203, %scan3A_202 : i32
      %add3A_205 = arith.addi %mul3A_2, %mul3A_204 : i32
      %eq3A_206 = arith.constant 0 : i32
      %eq3A_207 = arith.cmpi eq, %scan3A_202, %eq3A_206 : i32
      %mul3A_208 = arith.constant 2 : i32
      %mul3A_209 = arith.muli %mul3A_208, %scan3A_202 : i32
      %add3A_210 = arith.addi %mul3A_2, %mul3A_209 : i32
      %add3A_211 = arith.constant 2 : i32
      %add3A_212 = arith.addi %add3A_210, %add3A_211 : i32
      %mul3A_213 = arith.constant 128 : i32
      %mul3A_214 = arith.muli %add3A_205, %mul3A_213 : i32
      %dma_wait3A_215 = arith.constant 0 : i32
      %dma_wait3A_216 = arith.constant 0 : i32
      %dma_wait3A_217 = tpu.memref_slice %arg2[%dma_wait3A_216, %mul3A_214] : memref<32x1000000xf32, #tpu.memory_space<hbm>> -> memref<32x128xf32, #tpu.memory_space<hbm>>
      %dma_wait3A_218 = tpu.memref_slice %arg11[%dma_wait3A_215] : memref<2x!tpu.dma_semaphore, #tpu.memory_space<semaphore_mem>> -> memref<1x!tpu.dma_semaphore, #tpu.memory_space<semaphore_mem>>
      %dma_wait3A_219 = tpu.memref_squeeze %dma_wait3A_218 : memref<1x!tpu.dma_semaphore, #tpu.memory_space<semaphore_mem>> -> memref<!tpu.dma_semaphore, #tpu.memory_space<semaphore_mem>>
      %dma_wait3A_220 = arith.constant 0 : i32
      %dma_wait3A_221 = tpu.memref_slice %arg2[%dma_wait3A_220, %mul3A_214] : memref<32x1000000xf32, #tpu.memory_space<hbm>> -> memref<32x128xf32, #tpu.memory_space<hbm>>
      tpu.wait_dma2 semaphore(%dma_wait3A_219 : memref<!tpu.dma_semaphore, #tpu.memory_space<semaphore_mem>>) src(%dma_wait3A_221 : memref<32x128xf32, #tpu.memory_space<hbm>>) dst(%arg5 : memref<32x128xf32, #tpu.memory_space<vmem>>)
      %not3A = arith.constant true
      %not3A_222 = arith.xori %eq3A_207, %not3A : i1
      %convert_element_type3A_223 = arith.extui %not3A_222 : i1 to i32
      %cond3A_224 = arith.constant 0 : i32
      %cond3A_225 = arith.cmpi ne, %convert_element_type3A_223, %cond3A_224 : i32
      scf.if %cond3A_225 {
        %mul3A_294 = arith.constant 128 : i32
        %mul3A_295 = arith.muli %add3A_205, %mul3A_294 : i32
        %mul3A_296 = arith.constant 32 : i32
        %mul3A_297 = arith.muli %mul3A_295, %mul3A_296 : i32
        %dma_wait3A_298 = arith.constant 0 : i32
        %dma_wait3A_299 = tpu.memref_slice %arg4[%mul3A_297] : memref<32000000xf32, #tpu.memory_space<hbm>> -> memref<4096xf32, #tpu.memory_space<hbm>>
        %dma_wait3A_300 = tpu.memref_slice %arg12[%dma_wait3A_298] : memref<2x!tpu.dma_semaphore, #tpu.memory_space<semaphore_mem>> -> memref<1x!tpu.dma_semaphore, #tpu.memory_space<semaphore_mem>>
        %dma_wait3A_301 = tpu.memref_squeeze %dma_wait3A_300 : memref<1x!tpu.dma_semaphore, #tpu.memory_space<semaphore_mem>> -> memref<!tpu.dma_semaphore, #tpu.memory_space<semaphore_mem>>
        %dma_wait3A_302 = tpu.memref_slice %arg4[%mul3A_297] : memref<32000000xf32, #tpu.memory_space<hbm>> -> memref<4096xf32, #tpu.memory_space<hbm>>
        tpu.wait_dma2 semaphore(%dma_wait3A_301 : memref<!tpu.dma_semaphore, #tpu.memory_space<semaphore_mem>>) src(%arg7 : memref<4096xf32, #tpu.memory_space<vmem>>) dst(%dma_wait3A_302 : memref<4096xf32, #tpu.memory_space<hbm>>)
      } else {
      }
      %scan3A_226 = arith.constant 0 : i32
      %scan3A_227 = arith.constant 0 : i32
      %scan3A_228 = arith.constant 8 : i32
      %scan3A_229 = arith.addi %scan3A_227, %scan3A_228 : i32
      %scan3A_230 = arith.constant 1 : i32
      scf.for %scan3A_294 = %scan3A_227 to %scan3A_229 step %scan3A_230  : i32 {
        %mul3A_295 = arith.constant 16 : i32
        %mul3A_296 = arith.muli %scan3A_294, %mul3A_295 : i32
        %add3A_297 = vector.broadcast %mul3A_296 : i32 to vector<16xi32>
        %add3A_298 = arith.addi %iota3A, %add3A_297 : vector<16xi32>
        %add3A_299 = arith.constant 0 : i32
        %add3A_300 = vector.broadcast %add3A_299 : i32 to vector<16xi32>
        %add3A_301 = arith.addi %rem3A_7, %add3A_300 : vector<16xi32>
        %gather3A = tpu.vector_load_idx %arg5[%add3A_301, %add3A_298] : memref<32x128xf32, #tpu.memory_space<vmem>>[vector<16xi32>, vector<16xi32>], vector<16xf32>,
        %mul3A_302 = arith.constant 32 : i32
        %mul3A_303 = arith.muli %mul3A_296, %mul3A_302 : i32
        %add3A_304 = arith.constant 0 : i32
        %add3A_305 = arith.addi %mul3A_303, %add3A_304 : i32
        %add3A_306 = vector.broadcast %add3A_305 : i32 to vector<16xi32>
        %add3A_307 = arith.addi %add3A_101, %add3A_306 : vector<16xi32>
        tpu.vector_store_idx %arg7[%add3A_307], %gather3A : memref<4096xf32, #tpu.memory_space<vmem>>[vector<16xi32>], vector<16xf32>,
        %add3A_308 = arith.constant 0 : i32
        %add3A_309 = vector.broadcast %add3A_308 : i32 to vector<16xi32>
        %add3A_310 = arith.addi %rem3A_13, %add3A_309 : vector<16xi32>
        %gather3A_311 = tpu.vector_load_idx %arg5[%add3A_310, %add3A_298] : memref<32x128xf32, #tpu.memory_space<vmem>>[vector<16xi32>, vector<16xi32>], vector<16xf32>,
        %mul3A_312 = arith.constant 32 : i32
        %mul3A_313 = arith.muli %mul3A_296, %mul3A_312 : i32
        %add3A_314 = arith.constant 0 : i32
        %add3A_315 = arith.addi %mul3A_313, %add3A_314 : i32
        %add3A_316 = vector.broadcast %add3A_315 : i32 to vector<16xi32>
        %add3A_317 = arith.addi %add3A_105, %add3A_316 : vector<16xi32>
        tpu.vector_store_idx %arg7[%add3A_317], %gather3A_311 : memref<4096xf32, #tpu.memory_space<vmem>>[vector<16xi32>], vector<16xf32>,
        %add3A_318 = arith.constant 0 : i32
        %add3A_319 = vector.broadcast %add3A_318 : i32 to vector<16xi32>
        %add3A_320 = arith.addi %rem3A_19, %add3A_319 : vector<16xi32>
        %gather3A_321 = tpu.vector_load_idx %arg5[%add3A_320, %add3A_298] : memref<32x128xf32, #tpu.memory_space<vmem>>[vector<16xi32>, vector<16xi32>], vector<16xf32>,
        %mul3A_322 = arith.constant 32 : i32
        %mul3A_323 = arith.muli %mul3A_296, %mul3A_322 : i32
        %add3A_324 = arith.constant 0 : i32
        %add3A_325 = arith.addi %mul3A_323, %add3A_324 : i32
        %add3A_326 = vector.broadcast %add3A_325 : i32 to vector<16xi32>
        %add3A_327 = arith.addi %add3A_109, %add3A_326 : vector<16xi32>
        tpu.vector_store_idx %arg7[%add3A_327], %gather3A_321 : memref<4096xf32, #tpu.memory_space<vmem>>[vector<16xi32>], vector<16xf32>,
        %add3A_328 = arith.constant 0 : i32
        %add3A_329 = vector.broadcast %add3A_328 : i32 to vector<16xi32>
        %add3A_330 = arith.addi %rem3A_25, %add3A_329 : vector<16xi32>
        %gather3A_331 = tpu.vector_load_idx %arg5[%add3A_330, %add3A_298] : memref<32x128xf32, #tpu.memory_space<vmem>>[vector<16xi32>, vector<16xi32>], vector<16xf32>,
        %mul3A_332 = arith.constant 32 : i32
        %mul3A_333 = arith.muli %mul3A_296, %mul3A_332 : i32
        %add3A_334 = arith.constant 0 : i32
        %add3A_335 = arith.addi %mul3A_333, %add3A_334 : i32
        %add3A_336 = vector.broadcast %add3A_335 : i32 to vector<16xi32>
        %add3A_337 = arith.addi %add3A_113, %add3A_336 : vector<16xi32>
        tpu.vector_store_idx %arg7[%add3A_337], %gather3A_331 : memref<4096xf32, #tpu.memory_space<vmem>>[vector<16xi32>], vector<16xf32>,
        %add3A_338 = arith.constant 0 : i32
        %add3A_339 = vector.broadcast %add3A_338 : i32 to vector<16xi32>
        %add3A_340 = arith.addi %rem3A_31, %add3A_339 : vector<16xi32>
        %gather3A_341 = tpu.vector_load_idx %arg5[%add3A_340, %add3A_298] : memref<32x128xf32, #tpu.memory_space<vmem>>[vector<16xi32>, vector<16xi32>], vector<16xf32>,
        %mul3A_342 = arith.constant 32 : i32
        %mul3A_343 = arith.muli %mul3A_296, %mul3A_342 : i32
        %add3A_344 = arith.constant 0 : i32
        %add3A_345 = arith.addi %mul3A_343, %add3A_344 : i32
        %add3A_346 = vector.broadcast %add3A_345 : i32 to vector<16xi32>
        %add3A_347 = arith.addi %add3A_117, %add3A_346 : vector<16xi32>
        tpu.vector_store_idx %arg7[%add3A_347], %gather3A_341 : memref<4096xf32, #tpu.memory_space<vmem>>[vector<16xi32>], vector<16xf32>,
        %add3A_348 = arith.constant 0 : i32
        %add3A_349 = vector.broadcast %add3A_348 : i32 to vector<16xi32>
        %add3A_350 = arith.addi %rem3A_37, %add3A_349 : vector<16xi32>
        %gather3A_351 = tpu.vector_load_idx %arg5[%add3A_350, %add3A_298] : memref<32x128xf32, #tpu.memory_space<vmem>>[vector<16xi32>, vector<16xi32>], vector<16xf32>,
        %mul3A_352 = arith.constant 32 : i32
        %mul3A_353 = arith.muli %mul3A_296, %mul3A_352 : i32
        %add3A_354 = arith.constant 0 : i32
        %add3A_355 = arith.addi %mul3A_353, %add3A_354 : i32
        %add3A_356 = vector.broadcast %add3A_355 : i32 to vector<16xi32>
        %add3A_357 = arith.addi %add3A_121, %add3A_356 : vector<16xi32>
        tpu.vector_store_idx %arg7[%add3A_357], %gather3A_351 : memref<4096xf32, #tpu.memory_space<vmem>>[vector<16xi32>], vector<16xf32>,
        %add3A_358 = arith.constant 0 : i32
        %add3A_359 = vector.broadcast %add3A_358 : i32 to vector<16xi32>
        %add3A_360 = arith.addi %rem3A_43, %add3A_359 : vector<16xi32>
        %gather3A_361 = tpu.vector_load_idx %arg5[%add3A_360, %add3A_298] : memref<32x128xf32, #tpu.memory_space<vmem>>[vector<16xi32>, vector<16xi32>], vector<16xf32>,
        %mul3A_362 = arith.constant 32 : i32
        %mul3A_363 = arith.muli %mul3A_296, %mul3A_362 : i32
        %add3A_364 = arith.constant 0 : i32
        %add3A_365 = arith.addi %mul3A_363, %add3A_364 : i32
        %add3A_366 = vector.broadcast %add3A_365 : i32 to vector<16xi32>
        %add3A_367 = arith.addi %add3A_125, %add3A_366 : vector<16xi32>
        tpu.vector_store_idx %arg7[%add3A_367], %gather3A_361 : memref<4096xf32, #tpu.memory_space<vmem>>[vector<16xi32>], vector<16xf32>,
        %add3A_368 = arith.constant 0 : i32
        %add3A_369 = vector.broadcast %add3A_368 : i32 to vector<16xi32>
        %add3A_370 = arith.addi %rem3A_49, %add3A_369 : vector<16xi32>
        %gather3A_371 = tpu.vector_load_idx %arg5[%add3A_370, %add3A_298] : memref<32x128xf32, #tpu.memory_space<vmem>>[vector<16xi32>, vector<16xi32>], vector<16xf32>,
        %mul3A_372 = arith.constant 32 : i32
        %mul3A_373 = arith.muli %mul3A_296, %mul3A_372 : i32
        %add3A_374 = arith.constant 0 : i32
        %add3A_375 = arith.addi %mul3A_373, %add3A_374 : i32
        %add3A_376 = vector.broadcast %add3A_375 : i32 to vector<16xi32>
        %add3A_377 = arith.addi %add3A_129, %add3A_376 : vector<16xi32>
        tpu.vector_store_idx %arg7[%add3A_377], %gather3A_371 : memref<4096xf32, #tpu.memory_space<vmem>>[vector<16xi32>], vector<16xf32>,
        %add3A_378 = arith.constant 0 : i32
        %add3A_379 = vector.broadcast %add3A_378 : i32 to vector<16xi32>
        %add3A_380 = arith.addi %rem3A_55, %add3A_379 : vector<16xi32>
        %gather3A_381 = tpu.vector_load_idx %arg5[%add3A_380, %add3A_298] : memref<32x128xf32, #tpu.memory_space<vmem>>[vector<16xi32>, vector<16xi32>], vector<16xf32>,
        %mul3A_382 = arith.constant 32 : i32
        %mul3A_383 = arith.muli %mul3A_296, %mul3A_382 : i32
        %add3A_384 = arith.constant 0 : i32
        %add3A_385 = arith.addi %mul3A_383, %add3A_384 : i32
        %add3A_386 = vector.broadcast %add3A_385 : i32 to vector<16xi32>
        %add3A_387 = arith.addi %add3A_133, %add3A_386 : vector<16xi32>
        tpu.vector_store_idx %arg7[%add3A_387], %gather3A_381 : memref<4096xf32, #tpu.memory_space<vmem>>[vector<16xi32>], vector<16xf32>,
        %add3A_388 = arith.constant 0 : i32
        %add3A_389 = vector.broadcast %add3A_388 : i32 to vector<16xi32>
        %add3A_390 = arith.addi %rem3A_61, %add3A_389 : vector<16xi32>
        %gather3A_391 = tpu.vector_load_idx %arg5[%add3A_390, %add3A_298] : memref<32x128xf32, #tpu.memory_space<vmem>>[vector<16xi32>, vector<16xi32>], vector<16xf32>,
        %mul3A_392 = arith.constant 32 : i32
        %mul3A_393 = arith.muli %mul3A_296, %mul3A_392 : i32
        %add3A_394 = arith.constant 0 : i32
        %add3A_395 = arith.addi %mul3A_393, %add3A_394 : i32
        %add3A_396 = vector.broadcast %add3A_395 : i32 to vector<16xi32>
        %add3A_397 = arith.addi %add3A_137, %add3A_396 : vector<16xi32>
        tpu.vector_store_idx %arg7[%add3A_397], %gather3A_391 : memref<4096xf32, #tpu.memory_space<vmem>>[vector<16xi32>], vector<16xf32>,
        %add3A_398 = arith.constant 0 : i32
        %add3A_399 = vector.broadcast %add3A_398 : i32 to vector<16xi32>
        %add3A_400 = arith.addi %rem3A_67, %add3A_399 : vector<16xi32>
        %gather3A_401 = tpu.vector_load_idx %arg5[%add3A_400, %add3A_298] : memref<32x128xf32, #tpu.memory_space<vmem>>[vector<16xi32>, vector<16xi32>], vector<16xf32>,
        %mul3A_402 = arith.constant 32 : i32
        %mul3A_403 = arith.muli %mul3A_296, %mul3A_402 : i32
        %add3A_404 = arith.constant 0 : i32
        %add3A_405 = arith.addi %mul3A_403, %add3A_404 : i32
        %add3A_406 = vector.broadcast %add3A_405 : i32 to vector<16xi32>
        %add3A_407 = arith.addi %add3A_141, %add3A_406 : vector<16xi32>
        tpu.vector_store_idx %arg7[%add3A_407], %gather3A_401 : memref<4096xf32, #tpu.memory_space<vmem>>[vector<16xi32>], vector<16xf32>,
        %add3A_408 = arith.constant 0 : i32
        %add3A_409 = vector.broadcast %add3A_408 : i32 to vector<16xi32>
        %add3A_410 = arith.addi %rem3A_73, %add3A_409 : vector<16xi32>
        %gather3A_411 = tpu.vector_load_idx %arg5[%add3A_410, %add3A_298] : memref<32x128xf32, #tpu.memory_space<vmem>>[vector<16xi32>, vector<16xi32>], vector<16xf32>,
        %mul3A_412 = arith.constant 32 : i32
        %mul3A_413 = arith.muli %mul3A_296, %mul3A_412 : i32
        %add3A_414 = arith.constant 0 : i32
        %add3A_415 = arith.addi %mul3A_413, %add3A_414 : i32
        %add3A_416 = vector.broadcast %add3A_415 : i32 to vector<16xi32>
        %add3A_417 = arith.addi %add3A_145, %add3A_416 : vector<16xi32>
        tpu.vector_store_idx %arg7[%add3A_417], %gather3A_411 : memref<4096xf32, #tpu.memory_space<vmem>>[vector<16xi32>], vector<16xf32>,
        %add3A_418 = arith.constant 0 : i32
        %add3A_419 = vector.broadcast %add3A_418 : i32 to vector<16xi32>
        %add3A_420 = arith.addi %rem3A_79, %add3A_419 : vector<16xi32>
        %gather3A_421 = tpu.vector_load_idx %arg5[%add3A_420, %add3A_298] : memref<32x128xf32, #tpu.memory_space<vmem>>[vector<16xi32>, vector<16xi32>], vector<16xf32>,
        %mul3A_422 = arith.constant 32 : i32
        %mul3A_423 = arith.muli %mul3A_296, %mul3A_422 : i32
        %add3A_424 = arith.constant 0 : i32
        %add3A_425 = arith.addi %mul3A_423, %add3A_424 : i32
        %add3A_426 = vector.broadcast %add3A_425 : i32 to vector<16xi32>
        %add3A_427 = arith.addi %add3A_149, %add3A_426 : vector<16xi32>
        tpu.vector_store_idx %arg7[%add3A_427], %gather3A_421 : memref<4096xf32, #tpu.memory_space<vmem>>[vector<16xi32>], vector<16xf32>,
        %add3A_428 = arith.constant 0 : i32
        %add3A_429 = vector.broadcast %add3A_428 : i32 to vector<16xi32>
        %add3A_430 = arith.addi %rem3A_85, %add3A_429 : vector<16xi32>
        %gather3A_431 = tpu.vector_load_idx %arg5[%add3A_430, %add3A_298] : memref<32x128xf32, #tpu.memory_space<vmem>>[vector<16xi32>, vector<16xi32>], vector<16xf32>,
        %mul3A_432 = arith.constant 32 : i32
        %mul3A_433 = arith.muli %mul3A_296, %mul3A_432 : i32
        %add3A_434 = arith.constant 0 : i32
        %add3A_435 = arith.addi %mul3A_433, %add3A_434 : i32
        %add3A_436 = vector.broadcast %add3A_435 : i32 to vector<16xi32>
        %add3A_437 = arith.addi %add3A_153, %add3A_436 : vector<16xi32>
        tpu.vector_store_idx %arg7[%add3A_437], %gather3A_431 : memref<4096xf32, #tpu.memory_space<vmem>>[vector<16xi32>], vector<16xf32>,
        %add3A_438 = arith.constant 0 : i32
        %add3A_439 = vector.broadcast %add3A_438 : i32 to vector<16xi32>
        %add3A_440 = arith.addi %rem3A_91, %add3A_439 : vector<16xi32>
        %gather3A_441 = tpu.vector_load_idx %arg5[%add3A_440, %add3A_298] : memref<32x128xf32, #tpu.memory_space<vmem>>[vector<16xi32>, vector<16xi32>], vector<16xf32>,
        %mul3A_442 = arith.constant 32 : i32
        %mul3A_443 = arith.muli %mul3A_296, %mul3A_442 : i32
        %add3A_444 = arith.constant 0 : i32
        %add3A_445 = arith.addi %mul3A_443, %add3A_444 : i32
        %add3A_446 = vector.broadcast %add3A_445 : i32 to vector<16xi32>
        %add3A_447 = arith.addi %add3A_157, %add3A_446 : vector<16xi32>
        tpu.vector_store_idx %arg7[%add3A_447], %gather3A_441 : memref<4096xf32, #tpu.memory_space<vmem>>[vector<16xi32>], vector<16xf32>,
        %add3A_448 = arith.constant 0 : i32
        %add3A_449 = vector.broadcast %add3A_448 : i32 to vector<16xi32>
        %add3A_450 = arith.addi %rem3A_97, %add3A_449 : vector<16xi32>
        %gather3A_451 = tpu.vector_load_idx %arg5[%add3A_450, %add3A_298] : memref<32x128xf32, #tpu.memory_space<vmem>>[vector<16xi32>, vector<16xi32>], vector<16xf32>,
        %mul3A_452 = arith.constant 32 : i32
        %mul3A_453 = arith.muli %mul3A_296, %mul3A_452 : i32
        %add3A_454 = arith.constant 0 : i32
        %add3A_455 = arith.addi %mul3A_453, %add3A_454 : i32
        %add3A_456 = vector.broadcast %add3A_455 : i32 to vector<16xi32>
        %add3A_457 = arith.addi %add3A_161, %add3A_456 : vector<16xi32>
        tpu.vector_store_idx %arg7[%add3A_457], %gather3A_451 : memref<4096xf32, #tpu.memory_space<vmem>>[vector<16xi32>], vector<16xf32>,
        %add3A_458 = arith.constant 16 : i32
        %add3A_459 = vector.broadcast %add3A_458 : i32 to vector<16xi32>
        %add3A_460 = arith.addi %rem3A_7, %add3A_459 : vector<16xi32>
        %gather3A_461 = tpu.vector_load_idx %arg5[%add3A_460, %add3A_298] : memref<32x128xf32, #tpu.memory_space<vmem>>[vector<16xi32>, vector<16xi32>], vector<16xf32>,
        %mul3A_462 = arith.constant 32 : i32
        %mul3A_463 = arith.muli %mul3A_296, %mul3A_462 : i32
        %add3A_464 = arith.constant 16 : i32
        %add3A_465 = arith.addi %mul3A_463, %add3A_464 : i32
        %add3A_466 = vector.broadcast %add3A_465 : i32 to vector<16xi32>
        %add3A_467 = arith.addi %add3A_101, %add3A_466 : vector<16xi32>
        tpu.vector_store_idx %arg7[%add3A_467], %gather3A_461 : memref<4096xf32, #tpu.memory_space<vmem>>[vector<16xi32>], vector<16xf32>,
        %add3A_468 = arith.constant 16 : i32
        %add3A_469 = vector.broadcast %add3A_468 : i32 to vector<16xi32>
        %add3A_470 = arith.addi %rem3A_13, %add3A_469 : vector<16xi32>
        %gather3A_471 = tpu.vector_load_idx %arg5[%add3A_470, %add3A_298] : memref<32x128xf32, #tpu.memory_space<vmem>>[vector<16xi32>, vector<16xi32>], vector<16xf32>,
        %mul3A_472 = arith.constant 32 : i32
        %mul3A_473 = arith.muli %mul3A_296, %mul3A_472 : i32
        %add3A_474 = arith.constant 16 : i32
        %add3A_475 = arith.addi %mul3A_473, %add3A_474 : i32
        %add3A_476 = vector.broadcast %add3A_475 : i32 to vector<16xi32>
        %add3A_477 = arith.addi %add3A_105, %add3A_476 : vector<16xi32>
        tpu.vector_store_idx %arg7[%add3A_477], %gather3A_471 : memref<4096xf32, #tpu.memory_space<vmem>>[vector<16xi32>], vector<16xf32>,
        %add3A_478 = arith.constant 16 : i32
        %add3A_479 = vector.broadcast %add3A_478 : i32 to vector<16xi32>
        %add3A_480 = arith.addi %rem3A_19, %add3A_479 : vector<16xi32>
        %gather3A_481 = tpu.vector_load_idx %arg5[%add3A_480, %add3A_298] : memref<32x128xf32, #tpu.memory_space<vmem>>[vector<16xi32>, vector<16xi32>], vector<16xf32>,
        %mul3A_482 = arith.constant 32 : i32
        %mul3A_483 = arith.muli %mul3A_296, %mul3A_482 : i32
        %add3A_484 = arith.constant 16 : i32
        %add3A_485 = arith.addi %mul3A_483, %add3A_484 : i32
        %add3A_486 = vector.broadcast %add3A_485 : i32 to vector<16xi32>
        %add3A_487 = arith.addi %add3A_109, %add3A_486 : vector<16xi32>
        tpu.vector_store_idx %arg7[%add3A_487], %gather3A_481 : memref<4096xf32, #tpu.memory_space<vmem>>[vector<16xi32>], vector<16xf32>,
        %add3A_488 = arith.constant 16 : i32
        %add3A_489 = vector.broadcast %add3A_488 : i32 to vector<16xi32>
        %add3A_490 = arith.addi %rem3A_25, %add3A_489 : vector<16xi32>
        %gather3A_491 = tpu.vector_load_idx %arg5[%add3A_490, %add3A_298] : memref<32x128xf32, #tpu.memory_space<vmem>>[vector<16xi32>, vector<16xi32>], vector<16xf32>,
        %mul3A_492 = arith.constant 32 : i32
        %mul3A_493 = arith.muli %mul3A_296, %mul3A_492 : i32
        %add3A_494 = arith.constant 16 : i32
        %add3A_495 = arith.addi %mul3A_493, %add3A_494 : i32
        %add3A_496 = vector.broadcast %add3A_495 : i32 to vector<16xi32>
        %add3A_497 = arith.addi %add3A_113, %add3A_496 : vector<16xi32>
        tpu.vector_store_idx %arg7[%add3A_497], %gather3A_491 : memref<4096xf32, #tpu.memory_space<vmem>>[vector<16xi32>], vector<16xf32>,
        %add3A_498 = arith.constant 16 : i32
        %add3A_499 = vector.broadcast %add3A_498 : i32 to vector<16xi32>
        %add3A_500 = arith.addi %rem3A_31, %add3A_499 : vector<16xi32>
        %gather3A_501 = tpu.vector_load_idx %arg5[%add3A_500, %add3A_298] : memref<32x128xf32, #tpu.memory_space<vmem>>[vector<16xi32>, vector<16xi32>], vector<16xf32>,
        %mul3A_502 = arith.constant 32 : i32
        %mul3A_503 = arith.muli %mul3A_296, %mul3A_502 : i32
        %add3A_504 = arith.constant 16 : i32
        %add3A_505 = arith.addi %mul3A_503, %add3A_504 : i32
        %add3A_506 = vector.broadcast %add3A_505 : i32 to vector<16xi32>
        %add3A_507 = arith.addi %add3A_117, %add3A_506 : vector<16xi32>
        tpu.vector_store_idx %arg7[%add3A_507], %gather3A_501 : memref<4096xf32, #tpu.memory_space<vmem>>[vector<16xi32>], vector<16xf32>,
        %add3A_508 = arith.constant 16 : i32
        %add3A_509 = vector.broadcast %add3A_508 : i32 to vector<16xi32>
        %add3A_510 = arith.addi %rem3A_37, %add3A_509 : vector<16xi32>
        %gather3A_511 = tpu.vector_load_idx %arg5[%add3A_510, %add3A_298] : memref<32x128xf32, #tpu.memory_space<vmem>>[vector<16xi32>, vector<16xi32>], vector<16xf32>,
        %mul3A_512 = arith.constant 32 : i32
        %mul3A_513 = arith.muli %mul3A_296, %mul3A_512 : i32
        %add3A_514 = arith.constant 16 : i32
        %add3A_515 = arith.addi %mul3A_513, %add3A_514 : i32
        %add3A_516 = vector.broadcast %add3A_515 : i32 to vector<16xi32>
        %add3A_517 = arith.addi %add3A_121, %add3A_516 : vector<16xi32>
        tpu.vector_store_idx %arg7[%add3A_517], %gather3A_511 : memref<4096xf32, #tpu.memory_space<vmem>>[vector<16xi32>], vector<16xf32>,
        %add3A_518 = arith.constant 16 : i32
        %add3A_519 = vector.broadcast %add3A_518 : i32 to vector<16xi32>
        %add3A_520 = arith.addi %rem3A_43, %add3A_519 : vector<16xi32>
        %gather3A_521 = tpu.vector_load_idx %arg5[%add3A_520, %add3A_298] : memref<32x128xf32, #tpu.memory_space<vmem>>[vector<16xi32>, vector<16xi32>], vector<16xf32>,
        %mul3A_522 = arith.constant 32 : i32
        %mul3A_523 = arith.muli %mul3A_296, %mul3A_522 : i32
        %add3A_524 = arith.constant 16 : i32
        %add3A_525 = arith.addi %mul3A_523, %add3A_524 : i32
        %add3A_526 = vector.broadcast %add3A_525 : i32 to vector<16xi32>
        %add3A_527 = arith.addi %add3A_125, %add3A_526 : vector<16xi32>
        tpu.vector_store_idx %arg7[%add3A_527], %gather3A_521 : memref<4096xf32, #tpu.memory_space<vmem>>[vector<16xi32>], vector<16xf32>,
        %add3A_528 = arith.constant 16 : i32
        %add3A_529 = vector.broadcast %add3A_528 : i32 to vector<16xi32>
        %add3A_530 = arith.addi %rem3A_49, %add3A_529 : vector<16xi32>
        %gather3A_531 = tpu.vector_load_idx %arg5[%add3A_530, %add3A_298] : memref<32x128xf32, #tpu.memory_space<vmem>>[vector<16xi32>, vector<16xi32>], vector<16xf32>,
        %mul3A_532 = arith.constant 32 : i32
        %mul3A_533 = arith.muli %mul3A_296, %mul3A_532 : i32
        %add3A_534 = arith.constant 16 : i32
        %add3A_535 = arith.addi %mul3A_533, %add3A_534 : i32
        %add3A_536 = vector.broadcast %add3A_535 : i32 to vector<16xi32>
        %add3A_537 = arith.addi %add3A_129, %add3A_536 : vector<16xi32>
        tpu.vector_store_idx %arg7[%add3A_537], %gather3A_531 : memref<4096xf32, #tpu.memory_space<vmem>>[vector<16xi32>], vector<16xf32>,
        %add3A_538 = arith.constant 16 : i32
        %add3A_539 = vector.broadcast %add3A_538 : i32 to vector<16xi32>
        %add3A_540 = arith.addi %rem3A_55, %add3A_539 : vector<16xi32>
        %gather3A_541 = tpu.vector_load_idx %arg5[%add3A_540, %add3A_298] : memref<32x128xf32, #tpu.memory_space<vmem>>[vector<16xi32>, vector<16xi32>], vector<16xf32>,
        %mul3A_542 = arith.constant 32 : i32
        %mul3A_543 = arith.muli %mul3A_296, %mul3A_542 : i32
        %add3A_544 = arith.constant 16 : i32
        %add3A_545 = arith.addi %mul3A_543, %add3A_544 : i32
        %add3A_546 = vector.broadcast %add3A_545 : i32 to vector<16xi32>
        %add3A_547 = arith.addi %add3A_133, %add3A_546 : vector<16xi32>
        tpu.vector_store_idx %arg7[%add3A_547], %gather3A_541 : memref<4096xf32, #tpu.memory_space<vmem>>[vector<16xi32>], vector<16xf32>,
        %add3A_548 = arith.constant 16 : i32
        %add3A_549 = vector.broadcast %add3A_548 : i32 to vector<16xi32>
        %add3A_550 = arith.addi %rem3A_61, %add3A_549 : vector<16xi32>
        %gather3A_551 = tpu.vector_load_idx %arg5[%add3A_550, %add3A_298] : memref<32x128xf32, #tpu.memory_space<vmem>>[vector<16xi32>, vector<16xi32>], vector<16xf32>,
        %mul3A_552 = arith.constant 32 : i32
        %mul3A_553 = arith.muli %mul3A_296, %mul3A_552 : i32
        %add3A_554 = arith.constant 16 : i32
        %add3A_555 = arith.addi %mul3A_553, %add3A_554 : i32
        %add3A_556 = vector.broadcast %add3A_555 : i32 to vector<16xi32>
        %add3A_557 = arith.addi %add3A_137, %add3A_556 : vector<16xi32>
        tpu.vector_store_idx %arg7[%add3A_557], %gather3A_551 : memref<4096xf32, #tpu.memory_space<vmem>>[vector<16xi32>], vector<16xf32>,
        %add3A_558 = arith.constant 16 : i32
        %add3A_559 = vector.broadcast %add3A_558 : i32 to vector<16xi32>
        %add3A_560 = arith.addi %rem3A_67, %add3A_559 : vector<16xi32>
        %gather3A_561 = tpu.vector_load_idx %arg5[%add3A_560, %add3A_298] : memref<32x128xf32, #tpu.memory_space<vmem>>[vector<16xi32>, vector<16xi32>], vector<16xf32>,
        %mul3A_562 = arith.constant 32 : i32
        %mul3A_563 = arith.muli %mul3A_296, %mul3A_562 : i32
        %add3A_564 = arith.constant 16 : i32
        %add3A_565 = arith.addi %mul3A_563, %add3A_564 : i32
        %add3A_566 = vector.broadcast %add3A_565 : i32 to vector<16xi32>
        %add3A_567 = arith.addi %add3A_141, %add3A_566 : vector<16xi32>
        tpu.vector_store_idx %arg7[%add3A_567], %gather3A_561 : memref<4096xf32, #tpu.memory_space<vmem>>[vector<16xi32>], vector<16xf32>,
        %add3A_568 = arith.constant 16 : i32
        %add3A_569 = vector.broadcast %add3A_568 : i32 to vector<16xi32>
        %add3A_570 = arith.addi %rem3A_73, %add3A_569 : vector<16xi32>
        %gather3A_571 = tpu.vector_load_idx %arg5[%add3A_570, %add3A_298] : memref<32x128xf32, #tpu.memory_space<vmem>>[vector<16xi32>, vector<16xi32>], vector<16xf32>,
        %mul3A_572 = arith.constant 32 : i32
        %mul3A_573 = arith.muli %mul3A_296, %mul3A_572 : i32
        %add3A_574 = arith.constant 16 : i32
        %add3A_575 = arith.addi %mul3A_573, %add3A_574 : i32
        %add3A_576 = vector.broadcast %add3A_575 : i32 to vector<16xi32>
        %add3A_577 = arith.addi %add3A_145, %add3A_576 : vector<16xi32>
        tpu.vector_store_idx %arg7[%add3A_577], %gather3A_571 : memref<4096xf32, #tpu.memory_space<vmem>>[vector<16xi32>], vector<16xf32>,
        %add3A_578 = arith.constant 16 : i32
        %add3A_579 = vector.broadcast %add3A_578 : i32 to vector<16xi32>
        %add3A_580 = arith.addi %rem3A_79, %add3A_579 : vector<16xi32>
        %gather3A_581 = tpu.vector_load_idx %arg5[%add3A_580, %add3A_298] : memref<32x128xf32, #tpu.memory_space<vmem>>[vector<16xi32>, vector<16xi32>], vector<16xf32>,
        %mul3A_582 = arith.constant 32 : i32
        %mul3A_583 = arith.muli %mul3A_296, %mul3A_582 : i32
        %add3A_584 = arith.constant 16 : i32
        %add3A_585 = arith.addi %mul3A_583, %add3A_584 : i32
        %add3A_586 = vector.broadcast %add3A_585 : i32 to vector<16xi32>
        %add3A_587 = arith.addi %add3A_149, %add3A_586 : vector<16xi32>
        tpu.vector_store_idx %arg7[%add3A_587], %gather3A_581 : memref<4096xf32, #tpu.memory_space<vmem>>[vector<16xi32>], vector<16xf32>,
        %add3A_588 = arith.constant 16 : i32
        %add3A_589 = vector.broadcast %add3A_588 : i32 to vector<16xi32>
        %add3A_590 = arith.addi %rem3A_85, %add3A_589 : vector<16xi32>
        %gather3A_591 = tpu.vector_load_idx %arg5[%add3A_590, %add3A_298] : memref<32x128xf32, #tpu.memory_space<vmem>>[vector<16xi32>, vector<16xi32>], vector<16xf32>,
        %mul3A_592 = arith.constant 32 : i32
        %mul3A_593 = arith.muli %mul3A_296, %mul3A_592 : i32
        %add3A_594 = arith.constant 16 : i32
        %add3A_595 = arith.addi %mul3A_593, %add3A_594 : i32
        %add3A_596 = vector.broadcast %add3A_595 : i32 to vector<16xi32>
        %add3A_597 = arith.addi %add3A_153, %add3A_596 : vector<16xi32>
        tpu.vector_store_idx %arg7[%add3A_597], %gather3A_591 : memref<4096xf32, #tpu.memory_space<vmem>>[vector<16xi32>], vector<16xf32>,
        %add3A_598 = arith.constant 16 : i32
        %add3A_599 = vector.broadcast %add3A_598 : i32 to vector<16xi32>
        %add3A_600 = arith.addi %rem3A_91, %add3A_599 : vector<16xi32>
        %gather3A_601 = tpu.vector_load_idx %arg5[%add3A_600, %add3A_298] : memref<32x128xf32, #tpu.memory_space<vmem>>[vector<16xi32>, vector<16xi32>], vector<16xf32>,
        %mul3A_602 = arith.constant 32 : i32
        %mul3A_603 = arith.muli %mul3A_296, %mul3A_602 : i32
        %add3A_604 = arith.constant 16 : i32
        %add3A_605 = arith.addi %mul3A_603, %add3A_604 : i32
        %add3A_606 = vector.broadcast %add3A_605 : i32 to vector<16xi32>
        %add3A_607 = arith.addi %add3A_157, %add3A_606 : vector<16xi32>
        tpu.vector_store_idx %arg7[%add3A_607], %gather3A_601 : memref<4096xf32, #tpu.memory_space<vmem>>[vector<16xi32>], vector<16xf32>,
        %add3A_608 = arith.constant 16 : i32
        %add3A_609 = vector.broadcast %add3A_608 : i32 to vector<16xi32>
        %add3A_610 = arith.addi %rem3A_97, %add3A_609 : vector<16xi32>
        %gather3A_611 = tpu.vector_load_idx %arg5[%add3A_610, %add3A_298] : memref<32x128xf32, #tpu.memory_space<vmem>>[vector<16xi32>, vector<16xi32>], vector<16xf32>,
        %mul3A_612 = arith.constant 32 : i32
        %mul3A_613 = arith.muli %mul3A_296, %mul3A_612 : i32
        %add3A_614 = arith.constant 16 : i32
        %add3A_615 = arith.addi %mul3A_613, %add3A_614 : i32
        %add3A_616 = vector.broadcast %add3A_615 : i32 to vector<16xi32>
        %add3A_617 = arith.addi %add3A_161, %add3A_616 : vector<16xi32>
        tpu.vector_store_idx %arg7[%add3A_617], %gather3A_611 : memref<4096xf32, #tpu.memory_space<vmem>>[vector<16xi32>], vector<16xf32>,
      }
      %scan3A_231 = arith.constant 8 : i32
      %mul3A_232 = arith.constant 128 : i32
      %mul3A_233 = arith.muli %add3A_205, %mul3A_232 : i32
      %mul3A_234 = arith.constant 32 : i32
      %mul3A_235 = arith.muli %mul3A_233, %mul3A_234 : i32
      %dma_start3A_236 = arith.constant 0 : i32
      %dma_start3A_237 = tpu.memref_slice %arg4[%mul3A_235] : memref<32000000xf32, #tpu.memory_space<hbm>> -> memref<4096xf32, #tpu.memory_space<hbm>>
      %dma_start3A_238 = tpu.memref_slice %arg12[%dma_start3A_236] : memref<2x!tpu.dma_semaphore, #tpu.memory_space<semaphore_mem>> -> memref<1x!tpu.dma_semaphore, #tpu.memory_space<semaphore_mem>>
      %dma_start3A_239 = tpu.memref_squeeze %dma_start3A_238 : memref<1x!tpu.dma_semaphore, #tpu.memory_space<semaphore_mem>> -> memref<!tpu.dma_semaphore, #tpu.memory_space<semaphore_mem>>
      %dma_start3A_240 = tpu.memref_slice %arg4[%mul3A_235] : memref<32000000xf32, #tpu.memory_space<hbm>> -> memref<4096xf32, #tpu.memory_space<hbm>>
      tpu.enqueue_dma source(%arg7 : memref<4096xf32, #tpu.memory_space<vmem>>) target(%dma_start3A_240 : memref<4096xf32, #tpu.memory_space<hbm>>) target_semaphore(%dma_start3A_239 : memref<!tpu.dma_semaphore, #tpu.memory_space<semaphore_mem>>)
      %add3A_241 = arith.constant 244 : i32
      %add3A_242 = arith.addi %mul3A_2, %add3A_241 : i32
      %lt3A_243 = arith.cmpi slt, %add3A_212, %add3A_242 : i32
      %convert_element_type3A_244 = arith.extui %lt3A_243 : i1 to i32
      %cond3A_245 = arith.constant 0 : i32
      %cond3A_246 = arith.cmpi ne, %convert_element_type3A_244, %cond3A_245 : i32
      scf.if %cond3A_246 {
        %mul3A_294 = arith.constant 128 : i32
        %mul3A_295 = arith.muli %add3A_212, %mul3A_294 : i32
        %dma_start3A_296 = arith.constant 0 : i32
        %dma_start3A_297 = arith.constant 0 : i32
        %dma_start3A_298 = tpu.memref_slice %arg2[%dma_start3A_297, %mul3A_295] : memref<32x1000000xf32, #tpu.memory_space<hbm>> -> memref<32x128xf32, #tpu.memory_space<hbm>>
        %dma_start3A_299 = tpu.memref_slice %arg11[%dma_start3A_296] : memref<2x!tpu.dma_semaphore, #tpu.memory_space<semaphore_mem>> -> memref<1x!tpu.dma_semaphore, #tpu.memory_space<semaphore_mem>>
        %dma_start3A_300 = tpu.memref_squeeze %dma_start3A_299 : memref<1x!tpu.dma_semaphore, #tpu.memory_space<semaphore_mem>> -> memref<!tpu.dma_semaphore, #tpu.memory_space<semaphore_mem>>
        %dma_start3A_301 = arith.constant 0 : i32
        %dma_start3A_302 = tpu.memref_slice %arg2[%dma_start3A_301, %mul3A_295] : memref<32x1000000xf32, #tpu.memory_space<hbm>> -> memref<32x128xf32, #tpu.memory_space<hbm>>
        tpu.enqueue_dma source(%dma_start3A_302 : memref<32x128xf32, #tpu.memory_space<hbm>>) target(%arg5 : memref<32x128xf32, #tpu.memory_space<vmem>>) target_semaphore(%dma_start3A_300 : memref<!tpu.dma_semaphore, #tpu.memory_space<semaphore_mem>>)
      } else {
      }
      %mul3A_247 = arith.constant 2 : i32
      %mul3A_248 = arith.muli %mul3A_247, %scan3A_202 : i32
      %add3A_249 = arith.addi %mul3A_2, %mul3A_248 : i32
      %add3A_250 = arith.constant 1 : i32
      %add3A_251 = arith.addi %add3A_249, %add3A_250 : i32
      %eq3A_252 = arith.constant 0 : i32
      %eq3A_253 = arith.cmpi eq, %scan3A_202, %eq3A_252 : i32
      %mul3A_254 = arith.constant 2 : i32
      %mul3A_255 = arith.muli %mul3A_254, %scan3A_202 : i32
      %add3A_256 = arith.addi %mul3A_2, %mul3A_255 : i32
      %add3A_257 = arith.constant 3 : i32
      %add3A_258 = arith.addi %add3A_256, %add3A_257 : i32
      %mul3A_259 = arith.constant 128 : i32
      %mul3A_260 = arith.muli %add3A_251, %mul3A_259 : i32
      %dma_wait3A_261 = arith.constant 1 : i32
      %dma_wait3A_262 = arith.constant 0 : i32
      %dma_wait3A_263 = tpu.memref_slice %arg2[%dma_wait3A_262, %mul3A_260] : memref<32x1000000xf32, #tpu.memory_space<hbm>> -> memref<32x128xf32, #tpu.memory_space<hbm>>
      %dma_wait3A_264 = tpu.memref_slice %arg11[%dma_wait3A_261] : memref<2x!tpu.dma_semaphore, #tpu.memory_space<semaphore_mem>> -> memref<1x!tpu.dma_semaphore, #tpu.memory_space<semaphore_mem>>
      %dma_wait3A_265 = tpu.memref_squeeze %dma_wait3A_264 : memref<1x!tpu.dma_semaphore, #tpu.memory_space<semaphore_mem>> -> memref<!tpu.dma_semaphore, #tpu.memory_space<semaphore_mem>>
      %dma_wait3A_266 = arith.constant 0 : i32
      %dma_wait3A_267 = tpu.memref_slice %arg2[%dma_wait3A_266, %mul3A_260] : memref<32x1000000xf32, #tpu.memory_space<hbm>> -> memref<32x128xf32, #tpu.memory_space<hbm>>
      tpu.wait_dma2 semaphore(%dma_wait3A_265 : memref<!tpu.dma_semaphore, #tpu.memory_space<semaphore_mem>>) src(%dma_wait3A_267 : memref<32x128xf32, #tpu.memory_space<hbm>>) dst(%arg6 : memref<32x128xf32, #tpu.memory_space<vmem>>)
      %not3A_268 = arith.constant true
      %not3A_269 = arith.xori %eq3A_253, %not3A_268 : i1
      %convert_element_type3A_270 = arith.extui %not3A_269 : i1 to i32
      %cond3A_271 = arith.constant 0 : i32
      %cond3A_272 = arith.cmpi ne, %convert_element_type3A_270, %cond3A_271 : i32
      scf.if %cond3A_272 {
        %mul3A_294 = arith.constant 128 : i32
        %mul3A_295 = arith.muli %add3A_251, %mul3A_294 : i32
        %mul3A_296 = arith.constant 32 : i32
        %mul3A_297 = arith.muli %mul3A_295, %mul3A_296 : i32
        %dma_wait3A_298 = arith.constant 1 : i32
        %dma_wait3A_299 = tpu.memref_slice %arg4[%mul3A_297] : memref<32000000xf32, #tpu.memory_space<hbm>> -> memref<4096xf32, #tpu.memory_space<hbm>>
        %dma_wait3A_300 = tpu.memref_slice %arg12[%dma_wait3A_298] : memref<2x!tpu.dma_semaphore, #tpu.memory_space<semaphore_mem>> -> memref<1x!tpu.dma_semaphore, #tpu.memory_space<semaphore_mem>>
        %dma_wait3A_301 = tpu.memref_squeeze %dma_wait3A_300 : memref<1x!tpu.dma_semaphore, #tpu.memory_space<semaphore_mem>> -> memref<!tpu.dma_semaphore, #tpu.memory_space<semaphore_mem>>
        %dma_wait3A_302 = tpu.memref_slice %arg4[%mul3A_297] : memref<32000000xf32, #tpu.memory_space<hbm>> -> memref<4096xf32, #tpu.memory_space<hbm>>
        tpu.wait_dma2 semaphore(%dma_wait3A_301 : memref<!tpu.dma_semaphore, #tpu.memory_space<semaphore_mem>>) src(%arg8 : memref<4096xf32, #tpu.memory_space<vmem>>) dst(%dma_wait3A_302 : memref<4096xf32, #tpu.memory_space<hbm>>)
      } else {
      }
      %scan3A_273 = arith.constant 0 : i32
      %scan3A_274 = arith.constant 0 : i32
      %scan3A_275 = arith.constant 8 : i32
      %scan3A_276 = arith.addi %scan3A_274, %scan3A_275 : i32
      %scan3A_277 = arith.constant 1 : i32
      scf.for %scan3A_294 = %scan3A_274 to %scan3A_276 step %scan3A_277  : i32 {
        %mul3A_295 = arith.constant 16 : i32
        %mul3A_296 = arith.muli %scan3A_294, %mul3A_295 : i32
        %add3A_297 = vector.broadcast %mul3A_296 : i32 to vector<16xi32>
        %add3A_298 = arith.addi %iota3A, %add3A_297 : vector<16xi32>
        %add3A_299 = arith.constant 0 : i32
        %add3A_300 = vector.broadcast %add3A_299 : i32 to vector<16xi32>
        %add3A_301 = arith.addi %rem3A_7, %add3A_300 : vector<16xi32>
        %gather3A = tpu.vector_load_idx %arg6[%add3A_301, %add3A_298] : memref<32x128xf32, #tpu.memory_space<vmem>>[vector<16xi32>, vector<16xi32>], vector<16xf32>,
        %mul3A_302 = arith.constant 32 : i32
        %mul3A_303 = arith.muli %mul3A_296, %mul3A_302 : i32
        %add3A_304 = arith.constant 0 : i32
        %add3A_305 = arith.addi %mul3A_303, %add3A_304 : i32
        %add3A_306 = vector.broadcast %add3A_305 : i32 to vector<16xi32>
        %add3A_307 = arith.addi %add3A_101, %add3A_306 : vector<16xi32>
        tpu.vector_store_idx %arg8[%add3A_307], %gather3A : memref<4096xf32, #tpu.memory_space<vmem>>[vector<16xi32>], vector<16xf32>,
        %add3A_308 = arith.constant 0 : i32
        %add3A_309 = vector.broadcast %add3A_308 : i32 to vector<16xi32>
        %add3A_310 = arith.addi %rem3A_13, %add3A_309 : vector<16xi32>
        %gather3A_311 = tpu.vector_load_idx %arg6[%add3A_310, %add3A_298] : memref<32x128xf32, #tpu.memory_space<vmem>>[vector<16xi32>, vector<16xi32>], vector<16xf32>,
        %mul3A_312 = arith.constant 32 : i32
        %mul3A_313 = arith.muli %mul3A_296, %mul3A_312 : i32
        %add3A_314 = arith.constant 0 : i32
        %add3A_315 = arith.addi %mul3A_313, %add3A_314 : i32
        %add3A_316 = vector.broadcast %add3A_315 : i32 to vector<16xi32>
        %add3A_317 = arith.addi %add3A_105, %add3A_316 : vector<16xi32>
        tpu.vector_store_idx %arg8[%add3A_317], %gather3A_311 : memref<4096xf32, #tpu.memory_space<vmem>>[vector<16xi32>], vector<16xf32>,
        %add3A_318 = arith.constant 0 : i32
        %add3A_319 = vector.broadcast %add3A_318 : i32 to vector<16xi32>
        %add3A_320 = arith.addi %rem3A_19, %add3A_319 : vector<16xi32>
        %gather3A_321 = tpu.vector_load_idx %arg6[%add3A_320, %add3A_298] : memref<32x128xf32, #tpu.memory_space<vmem>>[vector<16xi32>, vector<16xi32>], vector<16xf32>,
        %mul3A_322 = arith.constant 32 : i32
        %mul3A_323 = arith.muli %mul3A_296, %mul3A_322 : i32
        %add3A_324 = arith.constant 0 : i32
        %add3A_325 = arith.addi %mul3A_323, %add3A_324 : i32
        %add3A_326 = vector.broadcast %add3A_325 : i32 to vector<16xi32>
        %add3A_327 = arith.addi %add3A_109, %add3A_326 : vector<16xi32>
        tpu.vector_store_idx %arg8[%add3A_327], %gather3A_321 : memref<4096xf32, #tpu.memory_space<vmem>>[vector<16xi32>], vector<16xf32>,
        %add3A_328 = arith.constant 0 : i32
        %add3A_329 = vector.broadcast %add3A_328 : i32 to vector<16xi32>
        %add3A_330 = arith.addi %rem3A_25, %add3A_329 : vector<16xi32>
        %gather3A_331 = tpu.vector_load_idx %arg6[%add3A_330, %add3A_298] : memref<32x128xf32, #tpu.memory_space<vmem>>[vector<16xi32>, vector<16xi32>], vector<16xf32>,
        %mul3A_332 = arith.constant 32 : i32
        %mul3A_333 = arith.muli %mul3A_296, %mul3A_332 : i32
        %add3A_334 = arith.constant 0 : i32
        %add3A_335 = arith.addi %mul3A_333, %add3A_334 : i32
        %add3A_336 = vector.broadcast %add3A_335 : i32 to vector<16xi32>
        %add3A_337 = arith.addi %add3A_113, %add3A_336 : vector<16xi32>
        tpu.vector_store_idx %arg8[%add3A_337], %gather3A_331 : memref<4096xf32, #tpu.memory_space<vmem>>[vector<16xi32>], vector<16xf32>,
        %add3A_338 = arith.constant 0 : i32
        %add3A_339 = vector.broadcast %add3A_338 : i32 to vector<16xi32>
        %add3A_340 = arith.addi %rem3A_31, %add3A_339 : vector<16xi32>
        %gather3A_341 = tpu.vector_load_idx %arg6[%add3A_340, %add3A_298] : memref<32x128xf32, #tpu.memory_space<vmem>>[vector<16xi32>, vector<16xi32>], vector<16xf32>,
        %mul3A_342 = arith.constant 32 : i32
        %mul3A_343 = arith.muli %mul3A_296, %mul3A_342 : i32
        %add3A_344 = arith.constant 0 : i32
        %add3A_345 = arith.addi %mul3A_343, %add3A_344 : i32
        %add3A_346 = vector.broadcast %add3A_345 : i32 to vector<16xi32>
        %add3A_347 = arith.addi %add3A_117, %add3A_346 : vector<16xi32>
        tpu.vector_store_idx %arg8[%add3A_347], %gather3A_341 : memref<4096xf32, #tpu.memory_space<vmem>>[vector<16xi32>], vector<16xf32>,
        %add3A_348 = arith.constant 0 : i32
        %add3A_349 = vector.broadcast %add3A_348 : i32 to vector<16xi32>
        %add3A_350 = arith.addi %rem3A_37, %add3A_349 : vector<16xi32>
        %gather3A_351 = tpu.vector_load_idx %arg6[%add3A_350, %add3A_298] : memref<32x128xf32, #tpu.memory_space<vmem>>[vector<16xi32>, vector<16xi32>], vector<16xf32>,
        %mul3A_352 = arith.constant 32 : i32
        %mul3A_353 = arith.muli %mul3A_296, %mul3A_352 : i32
        %add3A_354 = arith.constant 0 : i32
        %add3A_355 = arith.addi %mul3A_353, %add3A_354 : i32
        %add3A_356 = vector.broadcast %add3A_355 : i32 to vector<16xi32>
        %add3A_357 = arith.addi %add3A_121, %add3A_356 : vector<16xi32>
        tpu.vector_store_idx %arg8[%add3A_357], %gather3A_351 : memref<4096xf32, #tpu.memory_space<vmem>>[vector<16xi32>], vector<16xf32>,
        %add3A_358 = arith.constant 0 : i32
        %add3A_359 = vector.broadcast %add3A_358 : i32 to vector<16xi32>
        %add3A_360 = arith.addi %rem3A_43, %add3A_359 : vector<16xi32>
        %gather3A_361 = tpu.vector_load_idx %arg6[%add3A_360, %add3A_298] : memref<32x128xf32, #tpu.memory_space<vmem>>[vector<16xi32>, vector<16xi32>], vector<16xf32>,
        %mul3A_362 = arith.constant 32 : i32
        %mul3A_363 = arith.muli %mul3A_296, %mul3A_362 : i32
        %add3A_364 = arith.constant 0 : i32
        %add3A_365 = arith.addi %mul3A_363, %add3A_364 : i32
        %add3A_366 = vector.broadcast %add3A_365 : i32 to vector<16xi32>
        %add3A_367 = arith.addi %add3A_125, %add3A_366 : vector<16xi32>
        tpu.vector_store_idx %arg8[%add3A_367], %gather3A_361 : memref<4096xf32, #tpu.memory_space<vmem>>[vector<16xi32>], vector<16xf32>,
        %add3A_368 = arith.constant 0 : i32
        %add3A_369 = vector.broadcast %add3A_368 : i32 to vector<16xi32>
        %add3A_370 = arith.addi %rem3A_49, %add3A_369 : vector<16xi32>
        %gather3A_371 = tpu.vector_load_idx %arg6[%add3A_370, %add3A_298] : memref<32x128xf32, #tpu.memory_space<vmem>>[vector<16xi32>, vector<16xi32>], vector<16xf32>,
        %mul3A_372 = arith.constant 32 : i32
        %mul3A_373 = arith.muli %mul3A_296, %mul3A_372 : i32
        %add3A_374 = arith.constant 0 : i32
        %add3A_375 = arith.addi %mul3A_373, %add3A_374 : i32
        %add3A_376 = vector.broadcast %add3A_375 : i32 to vector<16xi32>
        %add3A_377 = arith.addi %add3A_129, %add3A_376 : vector<16xi32>
        tpu.vector_store_idx %arg8[%add3A_377], %gather3A_371 : memref<4096xf32, #tpu.memory_space<vmem>>[vector<16xi32>], vector<16xf32>,
        %add3A_378 = arith.constant 0 : i32
        %add3A_379 = vector.broadcast %add3A_378 : i32 to vector<16xi32>
        %add3A_380 = arith.addi %rem3A_55, %add3A_379 : vector<16xi32>
        %gather3A_381 = tpu.vector_load_idx %arg6[%add3A_380, %add3A_298] : memref<32x128xf32, #tpu.memory_space<vmem>>[vector<16xi32>, vector<16xi32>], vector<16xf32>,
        %mul3A_382 = arith.constant 32 : i32
        %mul3A_383 = arith.muli %mul3A_296, %mul3A_382 : i32
        %add3A_384 = arith.constant 0 : i32
        %add3A_385 = arith.addi %mul3A_383, %add3A_384 : i32
        %add3A_386 = vector.broadcast %add3A_385 : i32 to vector<16xi32>
        %add3A_387 = arith.addi %add3A_133, %add3A_386 : vector<16xi32>
        tpu.vector_store_idx %arg8[%add3A_387], %gather3A_381 : memref<4096xf32, #tpu.memory_space<vmem>>[vector<16xi32>], vector<16xf32>,
        %add3A_388 = arith.constant 0 : i32
        %add3A_389 = vector.broadcast %add3A_388 : i32 to vector<16xi32>
        %add3A_390 = arith.addi %rem3A_61, %add3A_389 : vector<16xi32>
        %gather3A_391 = tpu.vector_load_idx %arg6[%add3A_390, %add3A_298] : memref<32x128xf32, #tpu.memory_space<vmem>>[vector<16xi32>, vector<16xi32>], vector<16xf32>,
        %mul3A_392 = arith.constant 32 : i32
        %mul3A_393 = arith.muli %mul3A_296, %mul3A_392 : i32
        %add3A_394 = arith.constant 0 : i32
        %add3A_395 = arith.addi %mul3A_393, %add3A_394 : i32
        %add3A_396 = vector.broadcast %add3A_395 : i32 to vector<16xi32>
        %add3A_397 = arith.addi %add3A_137, %add3A_396 : vector<16xi32>
        tpu.vector_store_idx %arg8[%add3A_397], %gather3A_391 : memref<4096xf32, #tpu.memory_space<vmem>>[vector<16xi32>], vector<16xf32>,
        %add3A_398 = arith.constant 0 : i32
        %add3A_399 = vector.broadcast %add3A_398 : i32 to vector<16xi32>
        %add3A_400 = arith.addi %rem3A_67, %add3A_399 : vector<16xi32>
        %gather3A_401 = tpu.vector_load_idx %arg6[%add3A_400, %add3A_298] : memref<32x128xf32, #tpu.memory_space<vmem>>[vector<16xi32>, vector<16xi32>], vector<16xf32>,
        %mul3A_402 = arith.constant 32 : i32
        %mul3A_403 = arith.muli %mul3A_296, %mul3A_402 : i32
        %add3A_404 = arith.constant 0 : i32
        %add3A_405 = arith.addi %mul3A_403, %add3A_404 : i32
        %add3A_406 = vector.broadcast %add3A_405 : i32 to vector<16xi32>
        %add3A_407 = arith.addi %add3A_141, %add3A_406 : vector<16xi32>
        tpu.vector_store_idx %arg8[%add3A_407], %gather3A_401 : memref<4096xf32, #tpu.memory_space<vmem>>[vector<16xi32>], vector<16xf32>,
        %add3A_408 = arith.constant 0 : i32
        %add3A_409 = vector.broadcast %add3A_408 : i32 to vector<16xi32>
        %add3A_410 = arith.addi %rem3A_73, %add3A_409 : vector<16xi32>
        %gather3A_411 = tpu.vector_load_idx %arg6[%add3A_410, %add3A_298] : memref<32x128xf32, #tpu.memory_space<vmem>>[vector<16xi32>, vector<16xi32>], vector<16xf32>,
        %mul3A_412 = arith.constant 32 : i32
        %mul3A_413 = arith.muli %mul3A_296, %mul3A_412 : i32
        %add3A_414 = arith.constant 0 : i32
        %add3A_415 = arith.addi %mul3A_413, %add3A_414 : i32
        %add3A_416 = vector.broadcast %add3A_415 : i32 to vector<16xi32>
        %add3A_417 = arith.addi %add3A_145, %add3A_416 : vector<16xi32>
        tpu.vector_store_idx %arg8[%add3A_417], %gather3A_411 : memref<4096xf32, #tpu.memory_space<vmem>>[vector<16xi32>], vector<16xf32>,
        %add3A_418 = arith.constant 0 : i32
        %add3A_419 = vector.broadcast %add3A_418 : i32 to vector<16xi32>
        %add3A_420 = arith.addi %rem3A_79, %add3A_419 : vector<16xi32>
        %gather3A_421 = tpu.vector_load_idx %arg6[%add3A_420, %add3A_298] : memref<32x128xf32, #tpu.memory_space<vmem>>[vector<16xi32>, vector<16xi32>], vector<16xf32>,
        %mul3A_422 = arith.constant 32 : i32
        %mul3A_423 = arith.muli %mul3A_296, %mul3A_422 : i32
        %add3A_424 = arith.constant 0 : i32
        %add3A_425 = arith.addi %mul3A_423, %add3A_424 : i32
        %add3A_426 = vector.broadcast %add3A_425 : i32 to vector<16xi32>
        %add3A_427 = arith.addi %add3A_149, %add3A_426 : vector<16xi32>
        tpu.vector_store_idx %arg8[%add3A_427], %gather3A_421 : memref<4096xf32, #tpu.memory_space<vmem>>[vector<16xi32>], vector<16xf32>,
        %add3A_428 = arith.constant 0 : i32
        %add3A_429 = vector.broadcast %add3A_428 : i32 to vector<16xi32>
        %add3A_430 = arith.addi %rem3A_85, %add3A_429 : vector<16xi32>
        %gather3A_431 = tpu.vector_load_idx %arg6[%add3A_430, %add3A_298] : memref<32x128xf32, #tpu.memory_space<vmem>>[vector<16xi32>, vector<16xi32>], vector<16xf32>,
        %mul3A_432 = arith.constant 32 : i32
        %mul3A_433 = arith.muli %mul3A_296, %mul3A_432 : i32
        %add3A_434 = arith.constant 0 : i32
        %add3A_435 = arith.addi %mul3A_433, %add3A_434 : i32
        %add3A_436 = vector.broadcast %add3A_435 : i32 to vector<16xi32>
        %add3A_437 = arith.addi %add3A_153, %add3A_436 : vector<16xi32>
        tpu.vector_store_idx %arg8[%add3A_437], %gather3A_431 : memref<4096xf32, #tpu.memory_space<vmem>>[vector<16xi32>], vector<16xf32>,
        %add3A_438 = arith.constant 0 : i32
        %add3A_439 = vector.broadcast %add3A_438 : i32 to vector<16xi32>
        %add3A_440 = arith.addi %rem3A_91, %add3A_439 : vector<16xi32>
        %gather3A_441 = tpu.vector_load_idx %arg6[%add3A_440, %add3A_298] : memref<32x128xf32, #tpu.memory_space<vmem>>[vector<16xi32>, vector<16xi32>], vector<16xf32>,
        %mul3A_442 = arith.constant 32 : i32
        %mul3A_443 = arith.muli %mul3A_296, %mul3A_442 : i32
        %add3A_444 = arith.constant 0 : i32
        %add3A_445 = arith.addi %mul3A_443, %add3A_444 : i32
        %add3A_446 = vector.broadcast %add3A_445 : i32 to vector<16xi32>
        %add3A_447 = arith.addi %add3A_157, %add3A_446 : vector<16xi32>
        tpu.vector_store_idx %arg8[%add3A_447], %gather3A_441 : memref<4096xf32, #tpu.memory_space<vmem>>[vector<16xi32>], vector<16xf32>,
        %add3A_448 = arith.constant 0 : i32
        %add3A_449 = vector.broadcast %add3A_448 : i32 to vector<16xi32>
        %add3A_450 = arith.addi %rem3A_97, %add3A_449 : vector<16xi32>
        %gather3A_451 = tpu.vector_load_idx %arg6[%add3A_450, %add3A_298] : memref<32x128xf32, #tpu.memory_space<vmem>>[vector<16xi32>, vector<16xi32>], vector<16xf32>,
        %mul3A_452 = arith.constant 32 : i32
        %mul3A_453 = arith.muli %mul3A_296, %mul3A_452 : i32
        %add3A_454 = arith.constant 0 : i32
        %add3A_455 = arith.addi %mul3A_453, %add3A_454 : i32
        %add3A_456 = vector.broadcast %add3A_455 : i32 to vector<16xi32>
        %add3A_457 = arith.addi %add3A_161, %add3A_456 : vector<16xi32>
        tpu.vector_store_idx %arg8[%add3A_457], %gather3A_451 : memref<4096xf32, #tpu.memory_space<vmem>>[vector<16xi32>], vector<16xf32>,
        %add3A_458 = arith.constant 16 : i32
        %add3A_459 = vector.broadcast %add3A_458 : i32 to vector<16xi32>
        %add3A_460 = arith.addi %rem3A_7, %add3A_459 : vector<16xi32>
        %gather3A_461 = tpu.vector_load_idx %arg6[%add3A_460, %add3A_298] : memref<32x128xf32, #tpu.memory_space<vmem>>[vector<16xi32>, vector<16xi32>], vector<16xf32>,
        %mul3A_462 = arith.constant 32 : i32
        %mul3A_463 = arith.muli %mul3A_296, %mul3A_462 : i32
        %add3A_464 = arith.constant 16 : i32
        %add3A_465 = arith.addi %mul3A_463, %add3A_464 : i32
        %add3A_466 = vector.broadcast %add3A_465 : i32 to vector<16xi32>
        %add3A_467 = arith.addi %add3A_101, %add3A_466 : vector<16xi32>
        tpu.vector_store_idx %arg8[%add3A_467], %gather3A_461 : memref<4096xf32, #tpu.memory_space<vmem>>[vector<16xi32>], vector<16xf32>,
        %add3A_468 = arith.constant 16 : i32
        %add3A_469 = vector.broadcast %add3A_468 : i32 to vector<16xi32>
        %add3A_470 = arith.addi %rem3A_13, %add3A_469 : vector<16xi32>
        %gather3A_471 = tpu.vector_load_idx %arg6[%add3A_470, %add3A_298] : memref<32x128xf32, #tpu.memory_space<vmem>>[vector<16xi32>, vector<16xi32>], vector<16xf32>,
        %mul3A_472 = arith.constant 32 : i32
        %mul3A_473 = arith.muli %mul3A_296, %mul3A_472 : i32
        %add3A_474 = arith.constant 16 : i32
        %add3A_475 = arith.addi %mul3A_473, %add3A_474 : i32
        %add3A_476 = vector.broadcast %add3A_475 : i32 to vector<16xi32>
        %add3A_477 = arith.addi %add3A_105, %add3A_476 : vector<16xi32>
        tpu.vector_store_idx %arg8[%add3A_477], %gather3A_471 : memref<4096xf32, #tpu.memory_space<vmem>>[vector<16xi32>], vector<16xf32>,
        %add3A_478 = arith.constant 16 : i32
        %add3A_479 = vector.broadcast %add3A_478 : i32 to vector<16xi32>
        %add3A_480 = arith.addi %rem3A_19, %add3A_479 : vector<16xi32>
        %gather3A_481 = tpu.vector_load_idx %arg6[%add3A_480, %add3A_298] : memref<32x128xf32, #tpu.memory_space<vmem>>[vector<16xi32>, vector<16xi32>], vector<16xf32>,
        %mul3A_482 = arith.constant 32 : i32
        %mul3A_483 = arith.muli %mul3A_296, %mul3A_482 : i32
        %add3A_484 = arith.constant 16 : i32
        %add3A_485 = arith.addi %mul3A_483, %add3A_484 : i32
        %add3A_486 = vector.broadcast %add3A_485 : i32 to vector<16xi32>
        %add3A_487 = arith.addi %add3A_109, %add3A_486 : vector<16xi32>
        tpu.vector_store_idx %arg8[%add3A_487], %gather3A_481 : memref<4096xf32, #tpu.memory_space<vmem>>[vector<16xi32>], vector<16xf32>,
        %add3A_488 = arith.constant 16 : i32
        %add3A_489 = vector.broadcast %add3A_488 : i32 to vector<16xi32>
        %add3A_490 = arith.addi %rem3A_25, %add3A_489 : vector<16xi32>
        %gather3A_491 = tpu.vector_load_idx %arg6[%add3A_490, %add3A_298] : memref<32x128xf32, #tpu.memory_space<vmem>>[vector<16xi32>, vector<16xi32>], vector<16xf32>,
        %mul3A_492 = arith.constant 32 : i32
        %mul3A_493 = arith.muli %mul3A_296, %mul3A_492 : i32
        %add3A_494 = arith.constant 16 : i32
        %add3A_495 = arith.addi %mul3A_493, %add3A_494 : i32
        %add3A_496 = vector.broadcast %add3A_495 : i32 to vector<16xi32>
        %add3A_497 = arith.addi %add3A_113, %add3A_496 : vector<16xi32>
        tpu.vector_store_idx %arg8[%add3A_497], %gather3A_491 : memref<4096xf32, #tpu.memory_space<vmem>>[vector<16xi32>], vector<16xf32>,
        %add3A_498 = arith.constant 16 : i32
        %add3A_499 = vector.broadcast %add3A_498 : i32 to vector<16xi32>
        %add3A_500 = arith.addi %rem3A_31, %add3A_499 : vector<16xi32>
        %gather3A_501 = tpu.vector_load_idx %arg6[%add3A_500, %add3A_298] : memref<32x128xf32, #tpu.memory_space<vmem>>[vector<16xi32>, vector<16xi32>], vector<16xf32>,
        %mul3A_502 = arith.constant 32 : i32
        %mul3A_503 = arith.muli %mul3A_296, %mul3A_502 : i32
        %add3A_504 = arith.constant 16 : i32
        %add3A_505 = arith.addi %mul3A_503, %add3A_504 : i32
        %add3A_506 = vector.broadcast %add3A_505 : i32 to vector<16xi32>
        %add3A_507 = arith.addi %add3A_117, %add3A_506 : vector<16xi32>
        tpu.vector_store_idx %arg8[%add3A_507], %gather3A_501 : memref<4096xf32, #tpu.memory_space<vmem>>[vector<16xi32>], vector<16xf32>,
        %add3A_508 = arith.constant 16 : i32
        %add3A_509 = vector.broadcast %add3A_508 : i32 to vector<16xi32>
        %add3A_510 = arith.addi %rem3A_37, %add3A_509 : vector<16xi32>
        %gather3A_511 = tpu.vector_load_idx %arg6[%add3A_510, %add3A_298] : memref<32x128xf32, #tpu.memory_space<vmem>>[vector<16xi32>, vector<16xi32>], vector<16xf32>,
        %mul3A_512 = arith.constant 32 : i32
        %mul3A_513 = arith.muli %mul3A_296, %mul3A_512 : i32
        %add3A_514 = arith.constant 16 : i32
        %add3A_515 = arith.addi %mul3A_513, %add3A_514 : i32
        %add3A_516 = vector.broadcast %add3A_515 : i32 to vector<16xi32>
        %add3A_517 = arith.addi %add3A_121, %add3A_516 : vector<16xi32>
        tpu.vector_store_idx %arg8[%add3A_517], %gather3A_511 : memref<4096xf32, #tpu.memory_space<vmem>>[vector<16xi32>], vector<16xf32>,
        %add3A_518 = arith.constant 16 : i32
        %add3A_519 = vector.broadcast %add3A_518 : i32 to vector<16xi32>
        %add3A_520 = arith.addi %rem3A_43, %add3A_519 : vector<16xi32>
        %gather3A_521 = tpu.vector_load_idx %arg6[%add3A_520, %add3A_298] : memref<32x128xf32, #tpu.memory_space<vmem>>[vector<16xi32>, vector<16xi32>], vector<16xf32>,
        %mul3A_522 = arith.constant 32 : i32
        %mul3A_523 = arith.muli %mul3A_296, %mul3A_522 : i32
        %add3A_524 = arith.constant 16 : i32
        %add3A_525 = arith.addi %mul3A_523, %add3A_524 : i32
        %add3A_526 = vector.broadcast %add3A_525 : i32 to vector<16xi32>
        %add3A_527 = arith.addi %add3A_125, %add3A_526 : vector<16xi32>
        tpu.vector_store_idx %arg8[%add3A_527], %gather3A_521 : memref<4096xf32, #tpu.memory_space<vmem>>[vector<16xi32>], vector<16xf32>,
        %add3A_528 = arith.constant 16 : i32
        %add3A_529 = vector.broadcast %add3A_528 : i32 to vector<16xi32>
        %add3A_530 = arith.addi %rem3A_49, %add3A_529 : vector<16xi32>
        %gather3A_531 = tpu.vector_load_idx %arg6[%add3A_530, %add3A_298] : memref<32x128xf32, #tpu.memory_space<vmem>>[vector<16xi32>, vector<16xi32>], vector<16xf32>,
        %mul3A_532 = arith.constant 32 : i32
        %mul3A_533 = arith.muli %mul3A_296, %mul3A_532 : i32
        %add3A_534 = arith.constant 16 : i32
        %add3A_535 = arith.addi %mul3A_533, %add3A_534 : i32
        %add3A_536 = vector.broadcast %add3A_535 : i32 to vector<16xi32>
        %add3A_537 = arith.addi %add3A_129, %add3A_536 : vector<16xi32>
        tpu.vector_store_idx %arg8[%add3A_537], %gather3A_531 : memref<4096xf32, #tpu.memory_space<vmem>>[vector<16xi32>], vector<16xf32>,
        %add3A_538 = arith.constant 16 : i32
        %add3A_539 = vector.broadcast %add3A_538 : i32 to vector<16xi32>
        %add3A_540 = arith.addi %rem3A_55, %add3A_539 : vector<16xi32>
        %gather3A_541 = tpu.vector_load_idx %arg6[%add3A_540, %add3A_298] : memref<32x128xf32, #tpu.memory_space<vmem>>[vector<16xi32>, vector<16xi32>], vector<16xf32>,
        %mul3A_542 = arith.constant 32 : i32
        %mul3A_543 = arith.muli %mul3A_296, %mul3A_542 : i32
        %add3A_544 = arith.constant 16 : i32
        %add3A_545 = arith.addi %mul3A_543, %add3A_544 : i32
        %add3A_546 = vector.broadcast %add3A_545 : i32 to vector<16xi32>
        %add3A_547 = arith.addi %add3A_133, %add3A_546 : vector<16xi32>
        tpu.vector_store_idx %arg8[%add3A_547], %gather3A_541 : memref<4096xf32, #tpu.memory_space<vmem>>[vector<16xi32>], vector<16xf32>,
        %add3A_548 = arith.constant 16 : i32
        %add3A_549 = vector.broadcast %add3A_548 : i32 to vector<16xi32>
        %add3A_550 = arith.addi %rem3A_61, %add3A_549 : vector<16xi32>
        %gather3A_551 = tpu.vector_load_idx %arg6[%add3A_550, %add3A_298] : memref<32x128xf32, #tpu.memory_space<vmem>>[vector<16xi32>, vector<16xi32>], vector<16xf32>,
        %mul3A_552 = arith.constant 32 : i32
        %mul3A_553 = arith.muli %mul3A_296, %mul3A_552 : i32
        %add3A_554 = arith.constant 16 : i32
        %add3A_555 = arith.addi %mul3A_553, %add3A_554 : i32
        %add3A_556 = vector.broadcast %add3A_555 : i32 to vector<16xi32>
        %add3A_557 = arith.addi %add3A_137, %add3A_556 : vector<16xi32>
        tpu.vector_store_idx %arg8[%add3A_557], %gather3A_551 : memref<4096xf32, #tpu.memory_space<vmem>>[vector<16xi32>], vector<16xf32>,
        %add3A_558 = arith.constant 16 : i32
        %add3A_559 = vector.broadcast %add3A_558 : i32 to vector<16xi32>
        %add3A_560 = arith.addi %rem3A_67, %add3A_559 : vector<16xi32>
        %gather3A_561 = tpu.vector_load_idx %arg6[%add3A_560, %add3A_298] : memref<32x128xf32, #tpu.memory_space<vmem>>[vector<16xi32>, vector<16xi32>], vector<16xf32>,
        %mul3A_562 = arith.constant 32 : i32
        %mul3A_563 = arith.muli %mul3A_296, %mul3A_562 : i32
        %add3A_564 = arith.constant 16 : i32
        %add3A_565 = arith.addi %mul3A_563, %add3A_564 : i32
        %add3A_566 = vector.broadcast %add3A_565 : i32 to vector<16xi32>
        %add3A_567 = arith.addi %add3A_141, %add3A_566 : vector<16xi32>
        tpu.vector_store_idx %arg8[%add3A_567], %gather3A_561 : memref<4096xf32, #tpu.memory_space<vmem>>[vector<16xi32>], vector<16xf32>,
        %add3A_568 = arith.constant 16 : i32
        %add3A_569 = vector.broadcast %add3A_568 : i32 to vector<16xi32>
        %add3A_570 = arith.addi %rem3A_73, %add3A_569 : vector<16xi32>
        %gather3A_571 = tpu.vector_load_idx %arg6[%add3A_570, %add3A_298] : memref<32x128xf32, #tpu.memory_space<vmem>>[vector<16xi32>, vector<16xi32>], vector<16xf32>,
        %mul3A_572 = arith.constant 32 : i32
        %mul3A_573 = arith.muli %mul3A_296, %mul3A_572 : i32
        %add3A_574 = arith.constant 16 : i32
        %add3A_575 = arith.addi %mul3A_573, %add3A_574 : i32
        %add3A_576 = vector.broadcast %add3A_575 : i32 to vector<16xi32>
        %add3A_577 = arith.addi %add3A_145, %add3A_576 : vector<16xi32>
        tpu.vector_store_idx %arg8[%add3A_577], %gather3A_571 : memref<4096xf32, #tpu.memory_space<vmem>>[vector<16xi32>], vector<16xf32>,
        %add3A_578 = arith.constant 16 : i32
        %add3A_579 = vector.broadcast %add3A_578 : i32 to vector<16xi32>
        %add3A_580 = arith.addi %rem3A_79, %add3A_579 : vector<16xi32>
        %gather3A_581 = tpu.vector_load_idx %arg6[%add3A_580, %add3A_298] : memref<32x128xf32, #tpu.memory_space<vmem>>[vector<16xi32>, vector<16xi32>], vector<16xf32>,
        %mul3A_582 = arith.constant 32 : i32
        %mul3A_583 = arith.muli %mul3A_296, %mul3A_582 : i32
        %add3A_584 = arith.constant 16 : i32
        %add3A_585 = arith.addi %mul3A_583, %add3A_584 : i32
        %add3A_586 = vector.broadcast %add3A_585 : i32 to vector<16xi32>
        %add3A_587 = arith.addi %add3A_149, %add3A_586 : vector<16xi32>
        tpu.vector_store_idx %arg8[%add3A_587], %gather3A_581 : memref<4096xf32, #tpu.memory_space<vmem>>[vector<16xi32>], vector<16xf32>,
        %add3A_588 = arith.constant 16 : i32
        %add3A_589 = vector.broadcast %add3A_588 : i32 to vector<16xi32>
        %add3A_590 = arith.addi %rem3A_85, %add3A_589 : vector<16xi32>
        %gather3A_591 = tpu.vector_load_idx %arg6[%add3A_590, %add3A_298] : memref<32x128xf32, #tpu.memory_space<vmem>>[vector<16xi32>, vector<16xi32>], vector<16xf32>,
        %mul3A_592 = arith.constant 32 : i32
        %mul3A_593 = arith.muli %mul3A_296, %mul3A_592 : i32
        %add3A_594 = arith.constant 16 : i32
        %add3A_595 = arith.addi %mul3A_593, %add3A_594 : i32
        %add3A_596 = vector.broadcast %add3A_595 : i32 to vector<16xi32>
        %add3A_597 = arith.addi %add3A_153, %add3A_596 : vector<16xi32>
        tpu.vector_store_idx %arg8[%add3A_597], %gather3A_591 : memref<4096xf32, #tpu.memory_space<vmem>>[vector<16xi32>], vector<16xf32>,
        %add3A_598 = arith.constant 16 : i32
        %add3A_599 = vector.broadcast %add3A_598 : i32 to vector<16xi32>
        %add3A_600 = arith.addi %rem3A_91, %add3A_599 : vector<16xi32>
        %gather3A_601 = tpu.vector_load_idx %arg6[%add3A_600, %add3A_298] : memref<32x128xf32, #tpu.memory_space<vmem>>[vector<16xi32>, vector<16xi32>], vector<16xf32>,
        %mul3A_602 = arith.constant 32 : i32
        %mul3A_603 = arith.muli %mul3A_296, %mul3A_602 : i32
        %add3A_604 = arith.constant 16 : i32
        %add3A_605 = arith.addi %mul3A_603, %add3A_604 : i32
        %add3A_606 = vector.broadcast %add3A_605 : i32 to vector<16xi32>
        %add3A_607 = arith.addi %add3A_157, %add3A_606 : vector<16xi32>
        tpu.vector_store_idx %arg8[%add3A_607], %gather3A_601 : memref<4096xf32, #tpu.memory_space<vmem>>[vector<16xi32>], vector<16xf32>,
        %add3A_608 = arith.constant 16 : i32
        %add3A_609 = vector.broadcast %add3A_608 : i32 to vector<16xi32>
        %add3A_610 = arith.addi %rem3A_97, %add3A_609 : vector<16xi32>
        %gather3A_611 = tpu.vector_load_idx %arg6[%add3A_610, %add3A_298] : memref<32x128xf32, #tpu.memory_space<vmem>>[vector<16xi32>, vector<16xi32>], vector<16xf32>,
        %mul3A_612 = arith.constant 32 : i32
        %mul3A_613 = arith.muli %mul3A_296, %mul3A_612 : i32
        %add3A_614 = arith.constant 16 : i32
        %add3A_615 = arith.addi %mul3A_613, %add3A_614 : i32
        %add3A_616 = vector.broadcast %add3A_615 : i32 to vector<16xi32>
        %add3A_617 = arith.addi %add3A_161, %add3A_616 : vector<16xi32>
        tpu.vector_store_idx %arg8[%add3A_617], %gather3A_611 : memref<4096xf32, #tpu.memory_space<vmem>>[vector<16xi32>], vector<16xf32>,
      }
      %scan3A_278 = arith.constant 8 : i32
      %mul3A_279 = arith.constant 128 : i32
      %mul3A_280 = arith.muli %add3A_251, %mul3A_279 : i32
      %mul3A_281 = arith.constant 32 : i32
      %mul3A_282 = arith.muli %mul3A_280, %mul3A_281 : i32
      %dma_start3A_283 = arith.constant 1 : i32
      %dma_start3A_284 = tpu.memref_slice %arg4[%mul3A_282] : memref<32000000xf32, #tpu.memory_space<hbm>> -> memref<4096xf32, #tpu.memory_space<hbm>>
      %dma_start3A_285 = tpu.memref_slice %arg12[%dma_start3A_283] : memref<2x!tpu.dma_semaphore, #tpu.memory_space<semaphore_mem>> -> memref<1x!tpu.dma_semaphore, #tpu.memory_space<semaphore_mem>>
      %dma_start3A_286 = tpu.memref_squeeze %dma_start3A_285 : memref<1x!tpu.dma_semaphore, #tpu.memory_space<semaphore_mem>> -> memref<!tpu.dma_semaphore, #tpu.memory_space<semaphore_mem>>
      %dma_start3A_287 = tpu.memref_slice %arg4[%mul3A_282] : memref<32000000xf32, #tpu.memory_space<hbm>> -> memref<4096xf32, #tpu.memory_space<hbm>>
      tpu.enqueue_dma source(%arg8 : memref<4096xf32, #tpu.memory_space<vmem>>) target(%dma_start3A_287 : memref<4096xf32, #tpu.memory_space<hbm>>) target_semaphore(%dma_start3A_286 : memref<!tpu.dma_semaphore, #tpu.memory_space<semaphore_mem>>)
      %add3A_288 = arith.constant 244 : i32
      %add3A_289 = arith.addi %mul3A_2, %add3A_288 : i32
      %lt3A_290 = arith.cmpi slt, %add3A_258, %add3A_289 : i32
      %convert_element_type3A_291 = arith.extui %lt3A_290 : i1 to i32
      %cond3A_292 = arith.constant 0 : i32
      %cond3A_293 = arith.cmpi ne, %convert_element_type3A_291, %cond3A_292 : i32
      scf.if %cond3A_293 {
        %mul3A_294 = arith.constant 128 : i32
        %mul3A_295 = arith.muli %add3A_258, %mul3A_294 : i32
        %dma_start3A_296 = arith.constant 1 : i32
        %dma_start3A_297 = arith.constant 0 : i32
        %dma_start3A_298 = tpu.memref_slice %arg2[%dma_start3A_297, %mul3A_295] : memref<32x1000000xf32, #tpu.memory_space<hbm>> -> memref<32x128xf32, #tpu.memory_space<hbm>>
        %dma_start3A_299 = tpu.memref_slice %arg11[%dma_start3A_296] : memref<2x!tpu.dma_semaphore, #tpu.memory_space<semaphore_mem>> -> memref<1x!tpu.dma_semaphore, #tpu.memory_space<semaphore_mem>>
        %dma_start3A_300 = tpu.memref_squeeze %dma_start3A_299 : memref<1x!tpu.dma_semaphore, #tpu.memory_space<semaphore_mem>> -> memref<!tpu.dma_semaphore, #tpu.memory_space<semaphore_mem>>
        %dma_start3A_301 = arith.constant 0 : i32
        %dma_start3A_302 = tpu.memref_slice %arg2[%dma_start3A_301, %mul3A_295] : memref<32x1000000xf32, #tpu.memory_space<hbm>> -> memref<32x128xf32, #tpu.memory_space<hbm>>
        tpu.enqueue_dma source(%dma_start3A_302 : memref<32x128xf32, #tpu.memory_space<hbm>>) target(%arg6 : memref<32x128xf32, #tpu.memory_space<vmem>>) target_semaphore(%dma_start3A_300 : memref<!tpu.dma_semaphore, #tpu.memory_space<semaphore_mem>>)
      } else {
      }
    }
    %scan3A_187 = arith.constant 122 : i32
    %lt3A = arith.constant 4 : i32
    %lt3A_188 = arith.cmpi slt, %add3A, %lt3A : i32
    %convert_element_type3A_189 = arith.extui %lt3A_188 : i1 to i32
    %cond3A_190 = arith.constant 0 : i32
    %cond3A_191 = arith.cmpi ne, %convert_element_type3A_189, %cond3A_190 : i32
    scf.if %cond3A_191 {
      %add3A_202 = arith.constant 7808 : i32
      %add3A_203 = arith.addi %add3A_202, %add3A : i32
      %mul3A_204 = arith.constant 128 : i32
      %mul3A_205 = arith.muli %add3A_203, %mul3A_204 : i32
      %mul3A_206 = arith.constant 32 : i32
      %mul3A_207 = arith.muli %mul3A_205, %mul3A_206 : i32
      %dma_wait3A_208 = arith.constant 0 : i32
      %dma_wait3A_209 = tpu.memref_slice %arg4[%mul3A_207] : memref<32000000xf32, #tpu.memory_space<hbm>> -> memref<4096xf32, #tpu.memory_space<hbm>>
      %dma_wait3A_210 = tpu.memref_slice %arg12[%dma_wait3A_208] : memref<2x!tpu.dma_semaphore, #tpu.memory_space<semaphore_mem>> -> memref<1x!tpu.dma_semaphore, #tpu.memory_space<semaphore_mem>>
      %dma_wait3A_211 = tpu.memref_squeeze %dma_wait3A_210 : memref<1x!tpu.dma_semaphore, #tpu.memory_space<semaphore_mem>> -> memref<!tpu.dma_semaphore, #tpu.memory_space<semaphore_mem>>
      %dma_wait3A_212 = tpu.memref_slice %arg4[%mul3A_207] : memref<32000000xf32, #tpu.memory_space<hbm>> -> memref<4096xf32, #tpu.memory_space<hbm>>
      tpu.wait_dma2 semaphore(%dma_wait3A_211 : memref<!tpu.dma_semaphore, #tpu.memory_space<semaphore_mem>>) src(%arg7 : memref<4096xf32, #tpu.memory_space<vmem>>) dst(%dma_wait3A_212 : memref<4096xf32, #tpu.memory_space<hbm>>)
      %mul3A_213 = arith.constant 128 : i32
      %mul3A_214 = arith.muli %add3A_203, %mul3A_213 : i32
      %dma_start3A_215 = arith.constant 0 : i32
      %dma_start3A_216 = arith.constant 0 : i32
      %dma_start3A_217 = tpu.memref_slice %arg2[%dma_start3A_216, %mul3A_214] : memref<32x1000000xf32, #tpu.memory_space<hbm>> -> memref<32x128xf32, #tpu.memory_space<hbm>>
      %dma_start3A_218 = tpu.memref_slice %arg11[%dma_start3A_215] : memref<2x!tpu.dma_semaphore, #tpu.memory_space<semaphore_mem>> -> memref<1x!tpu.dma_semaphore, #tpu.memory_space<semaphore_mem>>
      %dma_start3A_219 = tpu.memref_squeeze %dma_start3A_218 : memref<1x!tpu.dma_semaphore, #tpu.memory_space<semaphore_mem>> -> memref<!tpu.dma_semaphore, #tpu.memory_space<semaphore_mem>>
      %dma_start3A_220 = arith.constant 0 : i32
      %dma_start3A_221 = tpu.memref_slice %arg2[%dma_start3A_220, %mul3A_214] : memref<32x1000000xf32, #tpu.memory_space<hbm>> -> memref<32x128xf32, #tpu.memory_space<hbm>>
      tpu.enqueue_dma source(%dma_start3A_221 : memref<32x128xf32, #tpu.memory_space<hbm>>) target(%arg5 : memref<32x128xf32, #tpu.memory_space<vmem>>) target_semaphore(%dma_start3A_219 : memref<!tpu.dma_semaphore, #tpu.memory_space<semaphore_mem>>)
      %mul3A_222 = arith.constant 128 : i32
      %mul3A_223 = arith.muli %add3A_203, %mul3A_222 : i32
      %dma_wait3A_224 = arith.constant 0 : i32
      %dma_wait3A_225 = arith.constant 0 : i32
      %dma_wait3A_226 = tpu.memref_slice %arg2[%dma_wait3A_225, %mul3A_223] : memref<32x1000000xf32, #tpu.memory_space<hbm>> -> memref<32x128xf32, #tpu.memory_space<hbm>>
      %dma_wait3A_227 = tpu.memref_slice %arg11[%dma_wait3A_224] : memref<2x!tpu.dma_semaphore, #tpu.memory_space<semaphore_mem>> -> memref<1x!tpu.dma_semaphore, #tpu.memory_space<semaphore_mem>>
      %dma_wait3A_228 = tpu.memref_squeeze %dma_wait3A_227 : memref<1x!tpu.dma_semaphore, #tpu.memory_space<semaphore_mem>> -> memref<!tpu.dma_semaphore, #tpu.memory_space<semaphore_mem>>
      %dma_wait3A_229 = arith.constant 0 : i32
      %dma_wait3A_230 = tpu.memref_slice %arg2[%dma_wait3A_229, %mul3A_223] : memref<32x1000000xf32, #tpu.memory_space<hbm>> -> memref<32x128xf32, #tpu.memory_space<hbm>>
      tpu.wait_dma2 semaphore(%dma_wait3A_228 : memref<!tpu.dma_semaphore, #tpu.memory_space<semaphore_mem>>) src(%dma_wait3A_230 : memref<32x128xf32, #tpu.memory_space<hbm>>) dst(%arg5 : memref<32x128xf32, #tpu.memory_space<vmem>>)
      %scan3A_231 = arith.constant 0 : i32
      %scan3A_232 = arith.constant 0 : i32
      %scan3A_233 = arith.constant 8 : i32
      %scan3A_234 = arith.addi %scan3A_232, %scan3A_233 : i32
      %scan3A_235 = arith.constant 1 : i32
      scf.for %scan3A_255 = %scan3A_232 to %scan3A_234 step %scan3A_235  : i32 {
        %mul3A_256 = arith.constant 16 : i32
        %mul3A_257 = arith.muli %scan3A_255, %mul3A_256 : i32
        %add3A_258 = vector.broadcast %mul3A_257 : i32 to vector<16xi32>
        %add3A_259 = arith.addi %iota3A, %add3A_258 : vector<16xi32>
        %add3A_260 = arith.constant 0 : i32
        %add3A_261 = vector.broadcast %add3A_260 : i32 to vector<16xi32>
        %add3A_262 = arith.addi %rem3A_7, %add3A_261 : vector<16xi32>
        %gather3A = tpu.vector_load_idx %arg5[%add3A_262, %add3A_259] : memref<32x128xf32, #tpu.memory_space<vmem>>[vector<16xi32>, vector<16xi32>], vector<16xf32>,
        %mul3A_263 = arith.constant 32 : i32
        %mul3A_264 = arith.muli %mul3A_257, %mul3A_263 : i32
        %add3A_265 = arith.constant 0 : i32
        %add3A_266 = arith.addi %mul3A_264, %add3A_265 : i32
        %add3A_267 = vector.broadcast %add3A_266 : i32 to vector<16xi32>
        %add3A_268 = arith.addi %add3A_101, %add3A_267 : vector<16xi32>
        tpu.vector_store_idx %arg7[%add3A_268], %gather3A : memref<4096xf32, #tpu.memory_space<vmem>>[vector<16xi32>], vector<16xf32>,
        %add3A_269 = arith.constant 0 : i32
        %add3A_270 = vector.broadcast %add3A_269 : i32 to vector<16xi32>
        %add3A_271 = arith.addi %rem3A_13, %add3A_270 : vector<16xi32>
        %gather3A_272 = tpu.vector_load_idx %arg5[%add3A_271, %add3A_259] : memref<32x128xf32, #tpu.memory_space<vmem>>[vector<16xi32>, vector<16xi32>], vector<16xf32>,
        %mul3A_273 = arith.constant 32 : i32
        %mul3A_274 = arith.muli %mul3A_257, %mul3A_273 : i32
        %add3A_275 = arith.constant 0 : i32
        %add3A_276 = arith.addi %mul3A_274, %add3A_275 : i32
        %add3A_277 = vector.broadcast %add3A_276 : i32 to vector<16xi32>
        %add3A_278 = arith.addi %add3A_105, %add3A_277 : vector<16xi32>
        tpu.vector_store_idx %arg7[%add3A_278], %gather3A_272 : memref<4096xf32, #tpu.memory_space<vmem>>[vector<16xi32>], vector<16xf32>,
        %add3A_279 = arith.constant 0 : i32
        %add3A_280 = vector.broadcast %add3A_279 : i32 to vector<16xi32>
        %add3A_281 = arith.addi %rem3A_19, %add3A_280 : vector<16xi32>
        %gather3A_282 = tpu.vector_load_idx %arg5[%add3A_281, %add3A_259] : memref<32x128xf32, #tpu.memory_space<vmem>>[vector<16xi32>, vector<16xi32>], vector<16xf32>,
        %mul3A_283 = arith.constant 32 : i32
        %mul3A_284 = arith.muli %mul3A_257, %mul3A_283 : i32
        %add3A_285 = arith.constant 0 : i32
        %add3A_286 = arith.addi %mul3A_284, %add3A_285 : i32
        %add3A_287 = vector.broadcast %add3A_286 : i32 to vector<16xi32>
        %add3A_288 = arith.addi %add3A_109, %add3A_287 : vector<16xi32>
        tpu.vector_store_idx %arg7[%add3A_288], %gather3A_282 : memref<4096xf32, #tpu.memory_space<vmem>>[vector<16xi32>], vector<16xf32>,
        %add3A_289 = arith.constant 0 : i32
        %add3A_290 = vector.broadcast %add3A_289 : i32 to vector<16xi32>
        %add3A_291 = arith.addi %rem3A_25, %add3A_290 : vector<16xi32>
        %gather3A_292 = tpu.vector_load_idx %arg5[%add3A_291, %add3A_259] : memref<32x128xf32, #tpu.memory_space<vmem>>[vector<16xi32>, vector<16xi32>], vector<16xf32>,
        %mul3A_293 = arith.constant 32 : i32
        %mul3A_294 = arith.muli %mul3A_257, %mul3A_293 : i32
        %add3A_295 = arith.constant 0 : i32
        %add3A_296 = arith.addi %mul3A_294, %add3A_295 : i32
        %add3A_297 = vector.broadcast %add3A_296 : i32 to vector<16xi32>
        %add3A_298 = arith.addi %add3A_113, %add3A_297 : vector<16xi32>
        tpu.vector_store_idx %arg7[%add3A_298], %gather3A_292 : memref<4096xf32, #tpu.memory_space<vmem>>[vector<16xi32>], vector<16xf32>,
        %add3A_299 = arith.constant 0 : i32
        %add3A_300 = vector.broadcast %add3A_299 : i32 to vector<16xi32>
        %add3A_301 = arith.addi %rem3A_31, %add3A_300 : vector<16xi32>
        %gather3A_302 = tpu.vector_load_idx %arg5[%add3A_301, %add3A_259] : memref<32x128xf32, #tpu.memory_space<vmem>>[vector<16xi32>, vector<16xi32>], vector<16xf32>,
        %mul3A_303 = arith.constant 32 : i32
        %mul3A_304 = arith.muli %mul3A_257, %mul3A_303 : i32
        %add3A_305 = arith.constant 0 : i32
        %add3A_306 = arith.addi %mul3A_304, %add3A_305 : i32
        %add3A_307 = vector.broadcast %add3A_306 : i32 to vector<16xi32>
        %add3A_308 = arith.addi %add3A_117, %add3A_307 : vector<16xi32>
        tpu.vector_store_idx %arg7[%add3A_308], %gather3A_302 : memref<4096xf32, #tpu.memory_space<vmem>>[vector<16xi32>], vector<16xf32>,
        %add3A_309 = arith.constant 0 : i32
        %add3A_310 = vector.broadcast %add3A_309 : i32 to vector<16xi32>
        %add3A_311 = arith.addi %rem3A_37, %add3A_310 : vector<16xi32>
        %gather3A_312 = tpu.vector_load_idx %arg5[%add3A_311, %add3A_259] : memref<32x128xf32, #tpu.memory_space<vmem>>[vector<16xi32>, vector<16xi32>], vector<16xf32>,
        %mul3A_313 = arith.constant 32 : i32
        %mul3A_314 = arith.muli %mul3A_257, %mul3A_313 : i32
        %add3A_315 = arith.constant 0 : i32
        %add3A_316 = arith.addi %mul3A_314, %add3A_315 : i32
        %add3A_317 = vector.broadcast %add3A_316 : i32 to vector<16xi32>
        %add3A_318 = arith.addi %add3A_121, %add3A_317 : vector<16xi32>
        tpu.vector_store_idx %arg7[%add3A_318], %gather3A_312 : memref<4096xf32, #tpu.memory_space<vmem>>[vector<16xi32>], vector<16xf32>,
        %add3A_319 = arith.constant 0 : i32
        %add3A_320 = vector.broadcast %add3A_319 : i32 to vector<16xi32>
        %add3A_321 = arith.addi %rem3A_43, %add3A_320 : vector<16xi32>
        %gather3A_322 = tpu.vector_load_idx %arg5[%add3A_321, %add3A_259] : memref<32x128xf32, #tpu.memory_space<vmem>>[vector<16xi32>, vector<16xi32>], vector<16xf32>,
        %mul3A_323 = arith.constant 32 : i32
        %mul3A_324 = arith.muli %mul3A_257, %mul3A_323 : i32
        %add3A_325 = arith.constant 0 : i32
        %add3A_326 = arith.addi %mul3A_324, %add3A_325 : i32
        %add3A_327 = vector.broadcast %add3A_326 : i32 to vector<16xi32>
        %add3A_328 = arith.addi %add3A_125, %add3A_327 : vector<16xi32>
        tpu.vector_store_idx %arg7[%add3A_328], %gather3A_322 : memref<4096xf32, #tpu.memory_space<vmem>>[vector<16xi32>], vector<16xf32>,
        %add3A_329 = arith.constant 0 : i32
        %add3A_330 = vector.broadcast %add3A_329 : i32 to vector<16xi32>
        %add3A_331 = arith.addi %rem3A_49, %add3A_330 : vector<16xi32>
        %gather3A_332 = tpu.vector_load_idx %arg5[%add3A_331, %add3A_259] : memref<32x128xf32, #tpu.memory_space<vmem>>[vector<16xi32>, vector<16xi32>], vector<16xf32>,
        %mul3A_333 = arith.constant 32 : i32
        %mul3A_334 = arith.muli %mul3A_257, %mul3A_333 : i32
        %add3A_335 = arith.constant 0 : i32
        %add3A_336 = arith.addi %mul3A_334, %add3A_335 : i32
        %add3A_337 = vector.broadcast %add3A_336 : i32 to vector<16xi32>
        %add3A_338 = arith.addi %add3A_129, %add3A_337 : vector<16xi32>
        tpu.vector_store_idx %arg7[%add3A_338], %gather3A_332 : memref<4096xf32, #tpu.memory_space<vmem>>[vector<16xi32>], vector<16xf32>,
        %add3A_339 = arith.constant 0 : i32
        %add3A_340 = vector.broadcast %add3A_339 : i32 to vector<16xi32>
        %add3A_341 = arith.addi %rem3A_55, %add3A_340 : vector<16xi32>
        %gather3A_342 = tpu.vector_load_idx %arg5[%add3A_341, %add3A_259] : memref<32x128xf32, #tpu.memory_space<vmem>>[vector<16xi32>, vector<16xi32>], vector<16xf32>,
        %mul3A_343 = arith.constant 32 : i32
        %mul3A_344 = arith.muli %mul3A_257, %mul3A_343 : i32
        %add3A_345 = arith.constant 0 : i32
        %add3A_346 = arith.addi %mul3A_344, %add3A_345 : i32
        %add3A_347 = vector.broadcast %add3A_346 : i32 to vector<16xi32>
        %add3A_348 = arith.addi %add3A_133, %add3A_347 : vector<16xi32>
        tpu.vector_store_idx %arg7[%add3A_348], %gather3A_342 : memref<4096xf32, #tpu.memory_space<vmem>>[vector<16xi32>], vector<16xf32>,
        %add3A_349 = arith.constant 0 : i32
        %add3A_350 = vector.broadcast %add3A_349 : i32 to vector<16xi32>
        %add3A_351 = arith.addi %rem3A_61, %add3A_350 : vector<16xi32>
        %gather3A_352 = tpu.vector_load_idx %arg5[%add3A_351, %add3A_259] : memref<32x128xf32, #tpu.memory_space<vmem>>[vector<16xi32>, vector<16xi32>], vector<16xf32>,
        %mul3A_353 = arith.constant 32 : i32
        %mul3A_354 = arith.muli %mul3A_257, %mul3A_353 : i32
        %add3A_355 = arith.constant 0 : i32
        %add3A_356 = arith.addi %mul3A_354, %add3A_355 : i32
        %add3A_357 = vector.broadcast %add3A_356 : i32 to vector<16xi32>
        %add3A_358 = arith.addi %add3A_137, %add3A_357 : vector<16xi32>
        tpu.vector_store_idx %arg7[%add3A_358], %gather3A_352 : memref<4096xf32, #tpu.memory_space<vmem>>[vector<16xi32>], vector<16xf32>,
        %add3A_359 = arith.constant 0 : i32
        %add3A_360 = vector.broadcast %add3A_359 : i32 to vector<16xi32>
        %add3A_361 = arith.addi %rem3A_67, %add3A_360 : vector<16xi32>
        %gather3A_362 = tpu.vector_load_idx %arg5[%add3A_361, %add3A_259] : memref<32x128xf32, #tpu.memory_space<vmem>>[vector<16xi32>, vector<16xi32>], vector<16xf32>,
        %mul3A_363 = arith.constant 32 : i32
        %mul3A_364 = arith.muli %mul3A_257, %mul3A_363 : i32
        %add3A_365 = arith.constant 0 : i32
        %add3A_366 = arith.addi %mul3A_364, %add3A_365 : i32
        %add3A_367 = vector.broadcast %add3A_366 : i32 to vector<16xi32>
        %add3A_368 = arith.addi %add3A_141, %add3A_367 : vector<16xi32>
        tpu.vector_store_idx %arg7[%add3A_368], %gather3A_362 : memref<4096xf32, #tpu.memory_space<vmem>>[vector<16xi32>], vector<16xf32>,
        %add3A_369 = arith.constant 0 : i32
        %add3A_370 = vector.broadcast %add3A_369 : i32 to vector<16xi32>
        %add3A_371 = arith.addi %rem3A_73, %add3A_370 : vector<16xi32>
        %gather3A_372 = tpu.vector_load_idx %arg5[%add3A_371, %add3A_259] : memref<32x128xf32, #tpu.memory_space<vmem>>[vector<16xi32>, vector<16xi32>], vector<16xf32>,
        %mul3A_373 = arith.constant 32 : i32
        %mul3A_374 = arith.muli %mul3A_257, %mul3A_373 : i32
        %add3A_375 = arith.constant 0 : i32
        %add3A_376 = arith.addi %mul3A_374, %add3A_375 : i32
        %add3A_377 = vector.broadcast %add3A_376 : i32 to vector<16xi32>
        %add3A_378 = arith.addi %add3A_145, %add3A_377 : vector<16xi32>
        tpu.vector_store_idx %arg7[%add3A_378], %gather3A_372 : memref<4096xf32, #tpu.memory_space<vmem>>[vector<16xi32>], vector<16xf32>,
        %add3A_379 = arith.constant 0 : i32
        %add3A_380 = vector.broadcast %add3A_379 : i32 to vector<16xi32>
        %add3A_381 = arith.addi %rem3A_79, %add3A_380 : vector<16xi32>
        %gather3A_382 = tpu.vector_load_idx %arg5[%add3A_381, %add3A_259] : memref<32x128xf32, #tpu.memory_space<vmem>>[vector<16xi32>, vector<16xi32>], vector<16xf32>,
        %mul3A_383 = arith.constant 32 : i32
        %mul3A_384 = arith.muli %mul3A_257, %mul3A_383 : i32
        %add3A_385 = arith.constant 0 : i32
        %add3A_386 = arith.addi %mul3A_384, %add3A_385 : i32
        %add3A_387 = vector.broadcast %add3A_386 : i32 to vector<16xi32>
        %add3A_388 = arith.addi %add3A_149, %add3A_387 : vector<16xi32>
        tpu.vector_store_idx %arg7[%add3A_388], %gather3A_382 : memref<4096xf32, #tpu.memory_space<vmem>>[vector<16xi32>], vector<16xf32>,
        %add3A_389 = arith.constant 0 : i32
        %add3A_390 = vector.broadcast %add3A_389 : i32 to vector<16xi32>
        %add3A_391 = arith.addi %rem3A_85, %add3A_390 : vector<16xi32>
        %gather3A_392 = tpu.vector_load_idx %arg5[%add3A_391, %add3A_259] : memref<32x128xf32, #tpu.memory_space<vmem>>[vector<16xi32>, vector<16xi32>], vector<16xf32>,
        %mul3A_393 = arith.constant 32 : i32
        %mul3A_394 = arith.muli %mul3A_257, %mul3A_393 : i32
        %add3A_395 = arith.constant 0 : i32
        %add3A_396 = arith.addi %mul3A_394, %add3A_395 : i32
        %add3A_397 = vector.broadcast %add3A_396 : i32 to vector<16xi32>
        %add3A_398 = arith.addi %add3A_153, %add3A_397 : vector<16xi32>
        tpu.vector_store_idx %arg7[%add3A_398], %gather3A_392 : memref<4096xf32, #tpu.memory_space<vmem>>[vector<16xi32>], vector<16xf32>,
        %add3A_399 = arith.constant 0 : i32
        %add3A_400 = vector.broadcast %add3A_399 : i32 to vector<16xi32>
        %add3A_401 = arith.addi %rem3A_91, %add3A_400 : vector<16xi32>
        %gather3A_402 = tpu.vector_load_idx %arg5[%add3A_401, %add3A_259] : memref<32x128xf32, #tpu.memory_space<vmem>>[vector<16xi32>, vector<16xi32>], vector<16xf32>,
        %mul3A_403 = arith.constant 32 : i32
        %mul3A_404 = arith.muli %mul3A_257, %mul3A_403 : i32
        %add3A_405 = arith.constant 0 : i32
        %add3A_406 = arith.addi %mul3A_404, %add3A_405 : i32
        %add3A_407 = vector.broadcast %add3A_406 : i32 to vector<16xi32>
        %add3A_408 = arith.addi %add3A_157, %add3A_407 : vector<16xi32>
        tpu.vector_store_idx %arg7[%add3A_408], %gather3A_402 : memref<4096xf32, #tpu.memory_space<vmem>>[vector<16xi32>], vector<16xf32>,
        %add3A_409 = arith.constant 0 : i32
        %add3A_410 = vector.broadcast %add3A_409 : i32 to vector<16xi32>
        %add3A_411 = arith.addi %rem3A_97, %add3A_410 : vector<16xi32>
        %gather3A_412 = tpu.vector_load_idx %arg5[%add3A_411, %add3A_259] : memref<32x128xf32, #tpu.memory_space<vmem>>[vector<16xi32>, vector<16xi32>], vector<16xf32>,
        %mul3A_413 = arith.constant 32 : i32
        %mul3A_414 = arith.muli %mul3A_257, %mul3A_413 : i32
        %add3A_415 = arith.constant 0 : i32
        %add3A_416 = arith.addi %mul3A_414, %add3A_415 : i32
        %add3A_417 = vector.broadcast %add3A_416 : i32 to vector<16xi32>
        %add3A_418 = arith.addi %add3A_161, %add3A_417 : vector<16xi32>
        tpu.vector_store_idx %arg7[%add3A_418], %gather3A_412 : memref<4096xf32, #tpu.memory_space<vmem>>[vector<16xi32>], vector<16xf32>,
        %add3A_419 = arith.constant 16 : i32
        %add3A_420 = vector.broadcast %add3A_419 : i32 to vector<16xi32>
        %add3A_421 = arith.addi %rem3A_7, %add3A_420 : vector<16xi32>
        %gather3A_422 = tpu.vector_load_idx %arg5[%add3A_421, %add3A_259] : memref<32x128xf32, #tpu.memory_space<vmem>>[vector<16xi32>, vector<16xi32>], vector<16xf32>,
        %mul3A_423 = arith.constant 32 : i32
        %mul3A_424 = arith.muli %mul3A_257, %mul3A_423 : i32
        %add3A_425 = arith.constant 16 : i32
        %add3A_426 = arith.addi %mul3A_424, %add3A_425 : i32
        %add3A_427 = vector.broadcast %add3A_426 : i32 to vector<16xi32>
        %add3A_428 = arith.addi %add3A_101, %add3A_427 : vector<16xi32>
        tpu.vector_store_idx %arg7[%add3A_428], %gather3A_422 : memref<4096xf32, #tpu.memory_space<vmem>>[vector<16xi32>], vector<16xf32>,
        %add3A_429 = arith.constant 16 : i32
        %add3A_430 = vector.broadcast %add3A_429 : i32 to vector<16xi32>
        %add3A_431 = arith.addi %rem3A_13, %add3A_430 : vector<16xi32>
        %gather3A_432 = tpu.vector_load_idx %arg5[%add3A_431, %add3A_259] : memref<32x128xf32, #tpu.memory_space<vmem>>[vector<16xi32>, vector<16xi32>], vector<16xf32>,
        %mul3A_433 = arith.constant 32 : i32
        %mul3A_434 = arith.muli %mul3A_257, %mul3A_433 : i32
        %add3A_435 = arith.constant 16 : i32
        %add3A_436 = arith.addi %mul3A_434, %add3A_435 : i32
        %add3A_437 = vector.broadcast %add3A_436 : i32 to vector<16xi32>
        %add3A_438 = arith.addi %add3A_105, %add3A_437 : vector<16xi32>
        tpu.vector_store_idx %arg7[%add3A_438], %gather3A_432 : memref<4096xf32, #tpu.memory_space<vmem>>[vector<16xi32>], vector<16xf32>,
        %add3A_439 = arith.constant 16 : i32
        %add3A_440 = vector.broadcast %add3A_439 : i32 to vector<16xi32>
        %add3A_441 = arith.addi %rem3A_19, %add3A_440 : vector<16xi32>
        %gather3A_442 = tpu.vector_load_idx %arg5[%add3A_441, %add3A_259] : memref<32x128xf32, #tpu.memory_space<vmem>>[vector<16xi32>, vector<16xi32>], vector<16xf32>,
        %mul3A_443 = arith.constant 32 : i32
        %mul3A_444 = arith.muli %mul3A_257, %mul3A_443 : i32
        %add3A_445 = arith.constant 16 : i32
        %add3A_446 = arith.addi %mul3A_444, %add3A_445 : i32
        %add3A_447 = vector.broadcast %add3A_446 : i32 to vector<16xi32>
        %add3A_448 = arith.addi %add3A_109, %add3A_447 : vector<16xi32>
        tpu.vector_store_idx %arg7[%add3A_448], %gather3A_442 : memref<4096xf32, #tpu.memory_space<vmem>>[vector<16xi32>], vector<16xf32>,
        %add3A_449 = arith.constant 16 : i32
        %add3A_450 = vector.broadcast %add3A_449 : i32 to vector<16xi32>
        %add3A_451 = arith.addi %rem3A_25, %add3A_450 : vector<16xi32>
        %gather3A_452 = tpu.vector_load_idx %arg5[%add3A_451, %add3A_259] : memref<32x128xf32, #tpu.memory_space<vmem>>[vector<16xi32>, vector<16xi32>], vector<16xf32>,
        %mul3A_453 = arith.constant 32 : i32
        %mul3A_454 = arith.muli %mul3A_257, %mul3A_453 : i32
        %add3A_455 = arith.constant 16 : i32
        %add3A_456 = arith.addi %mul3A_454, %add3A_455 : i32
        %add3A_457 = vector.broadcast %add3A_456 : i32 to vector<16xi32>
        %add3A_458 = arith.addi %add3A_113, %add3A_457 : vector<16xi32>
        tpu.vector_store_idx %arg7[%add3A_458], %gather3A_452 : memref<4096xf32, #tpu.memory_space<vmem>>[vector<16xi32>], vector<16xf32>,
        %add3A_459 = arith.constant 16 : i32
        %add3A_460 = vector.broadcast %add3A_459 : i32 to vector<16xi32>
        %add3A_461 = arith.addi %rem3A_31, %add3A_460 : vector<16xi32>
        %gather3A_462 = tpu.vector_load_idx %arg5[%add3A_461, %add3A_259] : memref<32x128xf32, #tpu.memory_space<vmem>>[vector<16xi32>, vector<16xi32>], vector<16xf32>,
        %mul3A_463 = arith.constant 32 : i32
        %mul3A_464 = arith.muli %mul3A_257, %mul3A_463 : i32
        %add3A_465 = arith.constant 16 : i32
        %add3A_466 = arith.addi %mul3A_464, %add3A_465 : i32
        %add3A_467 = vector.broadcast %add3A_466 : i32 to vector<16xi32>
        %add3A_468 = arith.addi %add3A_117, %add3A_467 : vector<16xi32>
        tpu.vector_store_idx %arg7[%add3A_468], %gather3A_462 : memref<4096xf32, #tpu.memory_space<vmem>>[vector<16xi32>], vector<16xf32>,
        %add3A_469 = arith.constant 16 : i32
        %add3A_470 = vector.broadcast %add3A_469 : i32 to vector<16xi32>
        %add3A_471 = arith.addi %rem3A_37, %add3A_470 : vector<16xi32>
        %gather3A_472 = tpu.vector_load_idx %arg5[%add3A_471, %add3A_259] : memref<32x128xf32, #tpu.memory_space<vmem>>[vector<16xi32>, vector<16xi32>], vector<16xf32>,
        %mul3A_473 = arith.constant 32 : i32
        %mul3A_474 = arith.muli %mul3A_257, %mul3A_473 : i32
        %add3A_475 = arith.constant 16 : i32
        %add3A_476 = arith.addi %mul3A_474, %add3A_475 : i32
        %add3A_477 = vector.broadcast %add3A_476 : i32 to vector<16xi32>
        %add3A_478 = arith.addi %add3A_121, %add3A_477 : vector<16xi32>
        tpu.vector_store_idx %arg7[%add3A_478], %gather3A_472 : memref<4096xf32, #tpu.memory_space<vmem>>[vector<16xi32>], vector<16xf32>,
        %add3A_479 = arith.constant 16 : i32
        %add3A_480 = vector.broadcast %add3A_479 : i32 to vector<16xi32>
        %add3A_481 = arith.addi %rem3A_43, %add3A_480 : vector<16xi32>
        %gather3A_482 = tpu.vector_load_idx %arg5[%add3A_481, %add3A_259] : memref<32x128xf32, #tpu.memory_space<vmem>>[vector<16xi32>, vector<16xi32>], vector<16xf32>,
        %mul3A_483 = arith.constant 32 : i32
        %mul3A_484 = arith.muli %mul3A_257, %mul3A_483 : i32
        %add3A_485 = arith.constant 16 : i32
        %add3A_486 = arith.addi %mul3A_484, %add3A_485 : i32
        %add3A_487 = vector.broadcast %add3A_486 : i32 to vector<16xi32>
        %add3A_488 = arith.addi %add3A_125, %add3A_487 : vector<16xi32>
        tpu.vector_store_idx %arg7[%add3A_488], %gather3A_482 : memref<4096xf32, #tpu.memory_space<vmem>>[vector<16xi32>], vector<16xf32>,
        %add3A_489 = arith.constant 16 : i32
        %add3A_490 = vector.broadcast %add3A_489 : i32 to vector<16xi32>
        %add3A_491 = arith.addi %rem3A_49, %add3A_490 : vector<16xi32>
        %gather3A_492 = tpu.vector_load_idx %arg5[%add3A_491, %add3A_259] : memref<32x128xf32, #tpu.memory_space<vmem>>[vector<16xi32>, vector<16xi32>], vector<16xf32>,
        %mul3A_493 = arith.constant 32 : i32
        %mul3A_494 = arith.muli %mul3A_257, %mul3A_493 : i32
        %add3A_495 = arith.constant 16 : i32
        %add3A_496 = arith.addi %mul3A_494, %add3A_495 : i32
        %add3A_497 = vector.broadcast %add3A_496 : i32 to vector<16xi32>
        %add3A_498 = arith.addi %add3A_129, %add3A_497 : vector<16xi32>
        tpu.vector_store_idx %arg7[%add3A_498], %gather3A_492 : memref<4096xf32, #tpu.memory_space<vmem>>[vector<16xi32>], vector<16xf32>,
        %add3A_499 = arith.constant 16 : i32
        %add3A_500 = vector.broadcast %add3A_499 : i32 to vector<16xi32>
        %add3A_501 = arith.addi %rem3A_55, %add3A_500 : vector<16xi32>
        %gather3A_502 = tpu.vector_load_idx %arg5[%add3A_501, %add3A_259] : memref<32x128xf32, #tpu.memory_space<vmem>>[vector<16xi32>, vector<16xi32>], vector<16xf32>,
        %mul3A_503 = arith.constant 32 : i32
        %mul3A_504 = arith.muli %mul3A_257, %mul3A_503 : i32
        %add3A_505 = arith.constant 16 : i32
        %add3A_506 = arith.addi %mul3A_504, %add3A_505 : i32
        %add3A_507 = vector.broadcast %add3A_506 : i32 to vector<16xi32>
        %add3A_508 = arith.addi %add3A_133, %add3A_507 : vector<16xi32>
        tpu.vector_store_idx %arg7[%add3A_508], %gather3A_502 : memref<4096xf32, #tpu.memory_space<vmem>>[vector<16xi32>], vector<16xf32>,
        %add3A_509 = arith.constant 16 : i32
        %add3A_510 = vector.broadcast %add3A_509 : i32 to vector<16xi32>
        %add3A_511 = arith.addi %rem3A_61, %add3A_510 : vector<16xi32>
        %gather3A_512 = tpu.vector_load_idx %arg5[%add3A_511, %add3A_259] : memref<32x128xf32, #tpu.memory_space<vmem>>[vector<16xi32>, vector<16xi32>], vector<16xf32>,
        %mul3A_513 = arith.constant 32 : i32
        %mul3A_514 = arith.muli %mul3A_257, %mul3A_513 : i32
        %add3A_515 = arith.constant 16 : i32
        %add3A_516 = arith.addi %mul3A_514, %add3A_515 : i32
        %add3A_517 = vector.broadcast %add3A_516 : i32 to vector<16xi32>
        %add3A_518 = arith.addi %add3A_137, %add3A_517 : vector<16xi32>
        tpu.vector_store_idx %arg7[%add3A_518], %gather3A_512 : memref<4096xf32, #tpu.memory_space<vmem>>[vector<16xi32>], vector<16xf32>,
        %add3A_519 = arith.constant 16 : i32
        %add3A_520 = vector.broadcast %add3A_519 : i32 to vector<16xi32>
        %add3A_521 = arith.addi %rem3A_67, %add3A_520 : vector<16xi32>
        %gather3A_522 = tpu.vector_load_idx %arg5[%add3A_521, %add3A_259] : memref<32x128xf32, #tpu.memory_space<vmem>>[vector<16xi32>, vector<16xi32>], vector<16xf32>,
        %mul3A_523 = arith.constant 32 : i32
        %mul3A_524 = arith.muli %mul3A_257, %mul3A_523 : i32
        %add3A_525 = arith.constant 16 : i32
        %add3A_526 = arith.addi %mul3A_524, %add3A_525 : i32
        %add3A_527 = vector.broadcast %add3A_526 : i32 to vector<16xi32>
        %add3A_528 = arith.addi %add3A_141, %add3A_527 : vector<16xi32>
        tpu.vector_store_idx %arg7[%add3A_528], %gather3A_522 : memref<4096xf32, #tpu.memory_space<vmem>>[vector<16xi32>], vector<16xf32>,
        %add3A_529 = arith.constant 16 : i32
        %add3A_530 = vector.broadcast %add3A_529 : i32 to vector<16xi32>
        %add3A_531 = arith.addi %rem3A_73, %add3A_530 : vector<16xi32>
        %gather3A_532 = tpu.vector_load_idx %arg5[%add3A_531, %add3A_259] : memref<32x128xf32, #tpu.memory_space<vmem>>[vector<16xi32>, vector<16xi32>], vector<16xf32>,
        %mul3A_533 = arith.constant 32 : i32
        %mul3A_534 = arith.muli %mul3A_257, %mul3A_533 : i32
        %add3A_535 = arith.constant 16 : i32
        %add3A_536 = arith.addi %mul3A_534, %add3A_535 : i32
        %add3A_537 = vector.broadcast %add3A_536 : i32 to vector<16xi32>
        %add3A_538 = arith.addi %add3A_145, %add3A_537 : vector<16xi32>
        tpu.vector_store_idx %arg7[%add3A_538], %gather3A_532 : memref<4096xf32, #tpu.memory_space<vmem>>[vector<16xi32>], vector<16xf32>,
        %add3A_539 = arith.constant 16 : i32
        %add3A_540 = vector.broadcast %add3A_539 : i32 to vector<16xi32>
        %add3A_541 = arith.addi %rem3A_79, %add3A_540 : vector<16xi32>
        %gather3A_542 = tpu.vector_load_idx %arg5[%add3A_541, %add3A_259] : memref<32x128xf32, #tpu.memory_space<vmem>>[vector<16xi32>, vector<16xi32>], vector<16xf32>,
        %mul3A_543 = arith.constant 32 : i32
        %mul3A_544 = arith.muli %mul3A_257, %mul3A_543 : i32
        %add3A_545 = arith.constant 16 : i32
        %add3A_546 = arith.addi %mul3A_544, %add3A_545 : i32
        %add3A_547 = vector.broadcast %add3A_546 : i32 to vector<16xi32>
        %add3A_548 = arith.addi %add3A_149, %add3A_547 : vector<16xi32>
        tpu.vector_store_idx %arg7[%add3A_548], %gather3A_542 : memref<4096xf32, #tpu.memory_space<vmem>>[vector<16xi32>], vector<16xf32>,
        %add3A_549 = arith.constant 16 : i32
        %add3A_550 = vector.broadcast %add3A_549 : i32 to vector<16xi32>
        %add3A_551 = arith.addi %rem3A_85, %add3A_550 : vector<16xi32>
        %gather3A_552 = tpu.vector_load_idx %arg5[%add3A_551, %add3A_259] : memref<32x128xf32, #tpu.memory_space<vmem>>[vector<16xi32>, vector<16xi32>], vector<16xf32>,
        %mul3A_553 = arith.constant 32 : i32
        %mul3A_554 = arith.muli %mul3A_257, %mul3A_553 : i32
        %add3A_555 = arith.constant 16 : i32
        %add3A_556 = arith.addi %mul3A_554, %add3A_555 : i32
        %add3A_557 = vector.broadcast %add3A_556 : i32 to vector<16xi32>
        %add3A_558 = arith.addi %add3A_153, %add3A_557 : vector<16xi32>
        tpu.vector_store_idx %arg7[%add3A_558], %gather3A_552 : memref<4096xf32, #tpu.memory_space<vmem>>[vector<16xi32>], vector<16xf32>,
        %add3A_559 = arith.constant 16 : i32
        %add3A_560 = vector.broadcast %add3A_559 : i32 to vector<16xi32>
        %add3A_561 = arith.addi %rem3A_91, %add3A_560 : vector<16xi32>
        %gather3A_562 = tpu.vector_load_idx %arg5[%add3A_561, %add3A_259] : memref<32x128xf32, #tpu.memory_space<vmem>>[vector<16xi32>, vector<16xi32>], vector<16xf32>,
        %mul3A_563 = arith.constant 32 : i32
        %mul3A_564 = arith.muli %mul3A_257, %mul3A_563 : i32
        %add3A_565 = arith.constant 16 : i32
        %add3A_566 = arith.addi %mul3A_564, %add3A_565 : i32
        %add3A_567 = vector.broadcast %add3A_566 : i32 to vector<16xi32>
        %add3A_568 = arith.addi %add3A_157, %add3A_567 : vector<16xi32>
        tpu.vector_store_idx %arg7[%add3A_568], %gather3A_562 : memref<4096xf32, #tpu.memory_space<vmem>>[vector<16xi32>], vector<16xf32>,
        %add3A_569 = arith.constant 16 : i32
        %add3A_570 = vector.broadcast %add3A_569 : i32 to vector<16xi32>
        %add3A_571 = arith.addi %rem3A_97, %add3A_570 : vector<16xi32>
        %gather3A_572 = tpu.vector_load_idx %arg5[%add3A_571, %add3A_259] : memref<32x128xf32, #tpu.memory_space<vmem>>[vector<16xi32>, vector<16xi32>], vector<16xf32>,
        %mul3A_573 = arith.constant 32 : i32
        %mul3A_574 = arith.muli %mul3A_257, %mul3A_573 : i32
        %add3A_575 = arith.constant 16 : i32
        %add3A_576 = arith.addi %mul3A_574, %add3A_575 : i32
        %add3A_577 = vector.broadcast %add3A_576 : i32 to vector<16xi32>
        %add3A_578 = arith.addi %add3A_161, %add3A_577 : vector<16xi32>
        tpu.vector_store_idx %arg7[%add3A_578], %gather3A_572 : memref<4096xf32, #tpu.memory_space<vmem>>[vector<16xi32>], vector<16xf32>,
      }
      %scan3A_236 = arith.constant 8 : i32
      %mul3A_237 = arith.constant 128 : i32
      %mul3A_238 = arith.muli %add3A_203, %mul3A_237 : i32
      %mul3A_239 = arith.constant 32 : i32
      %mul3A_240 = arith.muli %mul3A_238, %mul3A_239 : i32
      %dma_start3A_241 = arith.constant 0 : i32
      %dma_start3A_242 = tpu.memref_slice %arg4[%mul3A_240] : memref<32000000xf32, #tpu.memory_space<hbm>> -> memref<4096xf32, #tpu.memory_space<hbm>>
      %dma_start3A_243 = tpu.memref_slice %arg12[%dma_start3A_241] : memref<2x!tpu.dma_semaphore, #tpu.memory_space<semaphore_mem>> -> memref<1x!tpu.dma_semaphore, #tpu.memory_space<semaphore_mem>>
      %dma_start3A_244 = tpu.memref_squeeze %dma_start3A_243 : memref<1x!tpu.dma_semaphore, #tpu.memory_space<semaphore_mem>> -> memref<!tpu.dma_semaphore, #tpu.memory_space<semaphore_mem>>
      %dma_start3A_245 = tpu.memref_slice %arg4[%mul3A_240] : memref<32000000xf32, #tpu.memory_space<hbm>> -> memref<4096xf32, #tpu.memory_space<hbm>>
      tpu.enqueue_dma source(%arg7 : memref<4096xf32, #tpu.memory_space<vmem>>) target(%dma_start3A_245 : memref<4096xf32, #tpu.memory_space<hbm>>) target_semaphore(%dma_start3A_244 : memref<!tpu.dma_semaphore, #tpu.memory_space<semaphore_mem>>)
      %mul3A_246 = arith.constant 128 : i32
      %mul3A_247 = arith.muli %add3A_203, %mul3A_246 : i32
      %mul3A_248 = arith.constant 32 : i32
      %mul3A_249 = arith.muli %mul3A_247, %mul3A_248 : i32
      %dma_wait3A_250 = arith.constant 0 : i32
      %dma_wait3A_251 = tpu.memref_slice %arg4[%mul3A_249] : memref<32000000xf32, #tpu.memory_space<hbm>> -> memref<4096xf32, #tpu.memory_space<hbm>>
      %dma_wait3A_252 = tpu.memref_slice %arg12[%dma_wait3A_250] : memref<2x!tpu.dma_semaphore, #tpu.memory_space<semaphore_mem>> -> memref<1x!tpu.dma_semaphore, #tpu.memory_space<semaphore_mem>>
      %dma_wait3A_253 = tpu.memref_squeeze %dma_wait3A_252 : memref<1x!tpu.dma_semaphore, #tpu.memory_space<semaphore_mem>> -> memref<!tpu.dma_semaphore, #tpu.memory_space<semaphore_mem>>
      %dma_wait3A_254 = tpu.memref_slice %arg4[%mul3A_249] : memref<32000000xf32, #tpu.memory_space<hbm>> -> memref<4096xf32, #tpu.memory_space<hbm>>
      tpu.wait_dma2 semaphore(%dma_wait3A_253 : memref<!tpu.dma_semaphore, #tpu.memory_space<semaphore_mem>>) src(%arg7 : memref<4096xf32, #tpu.memory_space<vmem>>) dst(%dma_wait3A_254 : memref<4096xf32, #tpu.memory_space<hbm>>)
    } else {
    }
    %ge3A = arith.constant 4 : i32
    %ge3A_192 = arith.cmpi sge, %add3A, %ge3A : i32
    %convert_element_type3A_193 = arith.extui %ge3A_192 : i1 to i32
    %cond3A_194 = arith.constant 0 : i32
    %cond3A_195 = arith.cmpi ne, %convert_element_type3A_193, %cond3A_194 : i32
    scf.if %cond3A_195 {
      %dma_wait3A_202 = arith.constant 0 : i32
      %dma_wait3A_203 = arith.constant 0 : i32
      %dma_wait3A_204 = tpu.memref_slice %arg4[%dma_wait3A_203] : memref<32000000xf32, #tpu.memory_space<hbm>> -> memref<4096xf32, #tpu.memory_space<hbm>>
      %dma_wait3A_205 = tpu.memref_slice %arg12[%dma_wait3A_202] : memref<2x!tpu.dma_semaphore, #tpu.memory_space<semaphore_mem>> -> memref<1x!tpu.dma_semaphore, #tpu.memory_space<semaphore_mem>>
      %dma_wait3A_206 = tpu.memref_squeeze %dma_wait3A_205 : memref<1x!tpu.dma_semaphore, #tpu.memory_space<semaphore_mem>> -> memref<!tpu.dma_semaphore, #tpu.memory_space<semaphore_mem>>
      %dma_wait3A_207 = arith.constant 0 : i32
      %dma_wait3A_208 = tpu.memref_slice %arg4[%dma_wait3A_207] : memref<32000000xf32, #tpu.memory_space<hbm>> -> memref<4096xf32, #tpu.memory_space<hbm>>
      tpu.wait_dma2 semaphore(%dma_wait3A_206 : memref<!tpu.dma_semaphore, #tpu.memory_space<semaphore_mem>>) src(%arg7 : memref<4096xf32, #tpu.memory_space<vmem>>) dst(%dma_wait3A_208 : memref<4096xf32, #tpu.memory_space<hbm>>)
    } else {
    }
    %dma_wait3A = arith.constant 1 : i32
    %dma_wait3A_196 = arith.constant 0 : i32
    %dma_wait3A_197 = tpu.memref_slice %arg4[%dma_wait3A_196] : memref<32000000xf32, #tpu.memory_space<hbm>> -> memref<4096xf32, #tpu.memory_space<hbm>>
    %dma_wait3A_198 = tpu.memref_slice %arg12[%dma_wait3A] : memref<2x!tpu.dma_semaphore, #tpu.memory_space<semaphore_mem>> -> memref<1x!tpu.dma_semaphore, #tpu.memory_space<semaphore_mem>>
    %dma_wait3A_199 = tpu.memref_squeeze %dma_wait3A_198 : memref<1x!tpu.dma_semaphore, #tpu.memory_space<semaphore_mem>> -> memref<!tpu.dma_semaphore, #tpu.memory_space<semaphore_mem>>
    %dma_wait3A_200 = arith.constant 0 : i32
    %dma_wait3A_201 = tpu.memref_slice %arg4[%dma_wait3A_200] : memref<32000000xf32, #tpu.memory_space<hbm>> -> memref<4096xf32, #tpu.memory_space<hbm>>
    tpu.wait_dma2 semaphore(%dma_wait3A_199 : memref<!tpu.dma_semaphore, #tpu.memory_space<semaphore_mem>>) src(%arg8 : memref<4096xf32, #tpu.memory_space<vmem>>) dst(%dma_wait3A_201 : memref<4096xf32, #tpu.memory_space<hbm>>)
    return
  }
}

</mosaic_0001>

<sc_bundles>
// kernel: _transpose_table.3.cloned.1.call-start
scs
__scs_entry_jumppad:
0x0: {  	(pc) =	sbr.rel $0x88, $3  }
0x1: {  	(tag) =	ssettag $0x0;
	lr =	simm.s32 $0x1  }
0x2: {  	[smem:$0x3F9F] =	sst lr;
	_ =	strace $0xD0000000  }
0x3: {  	_ = 	snop  }
0x4: {  	_ = 	snop  }
0x5: {  	_ = 	snop  }
0x6: {  	_ = 	snop  }
0x7: {  	_ = 	snop  }
__scs_overlays_trampoline_lowered:
0x8: {  	[smem:$0x3FAE] =	sst s0  }
0x9: {  	[smem:$0x3FAF] =	sst s1  }
0xa: {  	[smem:$0x3FB0] =	sst s2  }
0xb: {  	[smem:$0x3FB1] =	sst s3  }
0xc: {  	[smem:$0x3FB2] =	sst s4  }
0xd: {  	[smem:$0x3FB3] =	sst s5  }
0xe: {  	[smem:$0x3FB4] =	sst s6  }
0xf: {  	[smem:$0x3FB5] =	sst s7  }
0x10: {  	[smem:$0x3FB6] =	sst s8  }
0x11: {  	[smem:$0x3FB7] =	sst s9;
	s0 =	simm.s32 @!p0 $0x0  }
0x12: {  	s1 =	sld [smem:$0x3F9D];
	s0 =	simm.s32 @p0 $0x1  }
0x13: {  	[smem:$0x3FB8] =	sst s0;
	s0 =	simm.s32 @!p1 $0x0  }
0x14: {  	s2 =	sld [smem:$0x3F9C];
	s0 =	simm.s32 @p1 $0x1  }
0x15: {  	[smem:$0x3FB9] =	sst s0;
	s0 =	simm.s32 @!p2 $0x0  }
0x16: {  	s3 =	sld [smem:$0x3FDB];
	s0 =	simm.s32 @p2 $0x1  }
0x17: {  	s4 =	simm.s32 $0x1BF5;
	[smem:$0x3FBB] =	sst s0  }
0x18: {  	s0 =	sld [smem:$0x3F9E];
	_ =	swait.ge [sflag:s4], $0x0  }
0x19: {  	s7 =	sld [smem:$0x3F9F]  }
0x1a: {  	s8 =	sadd.s32 $0xFFFFE003, lr  }
0x1b: {  	s9 =	sadd.s32 $0xFFFFFEF7, lr;
	s5 =	simm.s32 $0xFFFFFFFF;
	p2 =	slt.u32 s8, $0xFFFFF086  }
0x1c: {  	p1 =	slt.u32 s9, $0xF7A;
	s5 =	simm.s32 @!p2 $0x0  }
0x1d: {  	s5 =	simm.s32 @p1 $0x1;
	p0 =	seq.s32 s7, s2  }
0x1e: {  	s7 =	smul.u32 @!p0 $0xF7A, s2;
	p2 =	seq.s32 @!p0 s5, $0x0  }
0x1f: {  	s9 =	smul.u32 $0xF7A, s1;
	s8 =	simm.s32 @!p0 $0x1BF5;
	p2 =	por !p2, p0  }
0x20: {  	[sflag:s8] =	ssyncset.s32 @!p0 $0xFFFFF086;
	s6 =	sadd.s32 @!p0 s3, s7;
	s7 =	simm.s32 @!p0 $0x108  }
0x21: {  	s3 =	sadd.s32 s3, s9;
	s6 =	sadd.s32 @!p0 $0x88, s6;
	s7 =	simm.s32 @p2 $0x1082  }
0x22: {  	[simem:s7], [sflag:s8] =	dma.local @!p0 [hbm:s6], $0xF7A  }
0x23: {  	s9 =	sor.u32 $0xD0000000, s2;
	s6 =	simm.s32 $0x108;
	_ =	swait.ge @!p0 [sflag:s8], $0x0  }
0x24: {  	s3 =	sadd.s32 $0x88, s3;
	s6 =	simm.s32 @!p1 $0x1082;
	[sflag:s4] =	ssyncset.s32 $0xFFFFF086  }
0x25: {  	[simem:s6], [sflag:s4] =	dma.local [hbm:s3], $0xF7A  }
0x26: {  	[smem:$0x3F9F] =	sst s1;
	(tag) =	ssettag s2;
	_ =	strace s9  }
0x27: {  	s1 =	sld [smem:$0x3FAF]  }
0x28: {  	s2 =	sld [smem:$0x3FB0]  }
0x29: {  	s4 =	sld [smem:$0x3FB2]  }
0x2a: {  	p0 =	seq.s32 s5, $0x0;
	s5 =	sld [smem:$0x3FB3]  }
0x2b: {  	s6 =	sld [smem:$0x3FB4]  }
0x2c: {  	s7 =	sld [smem:$0x3FB5]  }
0x2d: {  	s3 =	simm.s32 $0x108;
	s8 =	sld [smem:$0x3FB6]  }
0x2e: {  	s3 =	simm.s32 @!p0 $0x1082;
	s9 =	sld [smem:$0x3FB7]  }
0x2f: {  	lr =	sadd.s32 s0, s3;
	s0 =	sld [smem:$0x3FAE]  }
0x30: {  	s3 =	sld [smem:$0x3FB1]  }
0x31: {  	[smem:$0x3FBA] =	sst s10  }
0x32: {  	s10 =	sld [smem:$0x3FB8];
	_ =	sdelay $0x3  }
0x33: {  	p0 =	seq.s32 s10, $0x1;
	s10 =	sld [smem:$0x3FBA];
	_ =	sdelay $0x3  }
0x34: {  	[smem:$0x3FBA] =	sst s10  }
0x35: {  	s10 =	sld [smem:$0x3FB9];
	_ =	sdelay $0x3  }
0x36: {  	p1 =	seq.s32 s10, $0x1;
	s10 =	sld [smem:$0x3FBA];
	_ =	sdelay $0x3  }
0x37: {  	[smem:$0x3FBA] =	sst s10  }
0x38: {  	s10 =	sld [smem:$0x3FBB]  }
0x39: {  	_ = 	snop;
	(pc) =	sbr.ind lr, $3  }
0x3a: {  	_ = 	snop  }
0x3b: {  	_ = 	snop  }
0x3c: {  	p2 =	seq.s32 s10, $0x1;
	s10 =	sld [smem:$0x3FBA]  }
0x3d: {  	_ =	shalt  }
0x3e: {  	_ =	shalt  }
0x3f: {  	_ =	shalt  }
0x40: {  	_ =	shalt  }
0x41: {  	_ =	shalt  }
0x42: {  	_ =	shalt  }
0x43: {  	_ =	shalt  }
0x44: {  	_ =	shalt  }
0x45: {  	_ =	shalt  }
0x46: {  	_ =	shalt  }
0x47: {  	_ =	shalt  }
0x48: {  	_ =	shalt  }
0x49: {  	_ =	shalt  }
0x4a: {  	_ =	shalt  }
0x4b: {  	_ =	shalt  }
0x4c: {  	_ =	shalt  }
0x4d: {  	_ =	shalt  }
0x4e: {  	_ =	shalt  }
0x4f: {  	_ =	shalt  }
0x50: {  	_ =	shalt  }
0x51: {  	_ =	shalt  }
0x52: {  	_ =	shalt  }
0x53: {  	_ =	shalt  }
0x54: {  	_ =	shalt  }
0x55: {  	_ =	shalt  }
0x56: {  	_ =	shalt  }
0x57: {  	_ =	shalt  }
0x58: {  	_ =	shalt  }
0x59: {  	_ =	shalt  }
0x5a: {  	_ =	shalt  }
0x5b: {  	_ =	shalt  }
0x5c: {  	_ =	shalt  }
0x5d: {  	_ =	shalt  }
0x5e: {  	_ =	shalt  }
0x5f: {  	_ =	shalt  }
0x60: {  	_ =	shalt  }
0x61: {  	_ =	shalt  }
0x62: {  	_ =	shalt  }
0x63: {  	_ =	shalt  }
0x64: {  	_ =	shalt  }
0x65: {  	_ =	shalt  }
0x66: {  	_ =	shalt  }
0x67: {  	_ =	shalt  }
0x68: {  	_ =	shalt  }
0x69: {  	_ =	shalt  }
0x6a: {  	_ =	shalt  }
0x6b: {  	_ =	shalt  }
0x6c: {  	_ =	shalt  }
0x6d: {  	_ =	shalt  }
0x6e: {  	_ =	shalt  }
0x6f: {  	_ =	shalt  }
0x70: {  	_ =	shalt  }
0x71: {  	_ =	shalt  }
0x72: {  	_ =	shalt  }
0x73: {  	_ =	shalt  }
0x74: {  	_ =	shalt  }
0x75: {  	_ =	shalt  }
0x76: {  	_ =	shalt  }
0x77: {  	_ =	shalt  }
0x78: {  	_ =	shalt  }
0x79: {  	_ =	shalt  }
0x7a: {  	_ =	shalt  }
0x7b: {  	_ =	shalt  }
0x7c: {  	_ =	shalt  }
0x7d: {  	_ =	shalt  }
0x7e: {  	_ =	shalt  }
0x7f: {  	_ =	shalt  }
0x80: {  	_ =	shalt  }
0x81: {  	_ =	shalt  }
0x82: {  	_ =	shalt  }
0x83: {  	_ =	shalt  }
0x84: {  	_ =	shalt  }
0x85: {  	_ =	shalt  }
0x86: {  	_ =	shalt  }
0x87: {  	_ =	shalt  }
.Lfunc_end0:
.L_simem_size_0:
called_computation_lowered:
.L_overlay_start_0:
0x88: {  	s2 =	sld [smem:$0x3FD9]  }
0x89: {  	s3 =	sld [smem:$0x3FFE];
	_ =	sdelay $0x1  }
0x8a: {  	s1 =	srdreg.scid  }
0x8b: {  	s0 =	sand.u32 $0x1, s1  }
0x8c: {  	s18 =	sshll.u32 s0, $0xA;
	s2 =	sadd.s32 s3, s2  }
0x8d: {  	s2 =	sadd.s32 s2, s18  }
0x8e: {  	[smem:$0x3FC6] =	sst s2  }
0x8f: {  	_ = 	snop  }
0x90: {  	s2 =	sld [smem:$0x3FC9]  }
0x91: {  	s19 =	sld [smem:$0x3FC8]  }
0x92: {  	s4 =	sld [smem:$0x3FD0];
	(tm) =	ssettm $0x1  }
0x93: {  	s5 =	sld [smem:$0x3FFB];
	_ =	sdelay $0x3  }
0x94: {  	_ =	strace s5  }
0x95: {  	s5 =	sld [smem:$0x3FFC];
	_ =	sdelay $0x3  }
0x96: {  	_ =	strace s5  }
0x97: {  	s5 =	sld [smem:$0x3FFD];
	_ =	sdelay $0x3  }
0x98: {  	_ =	strace s5  }
0x99: {  	_ =	strace $0x8FFFFFFF  }
0x9a: {  	s20 =	sld [smem:$0x3FDB];
	_ =	sdelay $0x1  }
0x9b: {  	s6 =	simm.s32 $_scs_section_size  }
0x9c: {  	s7 =	simm.s32 $_size__tile_overlayer_lowered;
	s8 =	simm.s32 $_tile_overlayer_lowered  }
0x9d: {  	s23 =	simm.s32 $0x1BFF;
	s22 =	sshll.u32 s8, $0x1;
	s5 =	sadd.s32 s6, s20  }
0x9e: {  	s9 =	simm.s32 $0x0;
	s21 =	sshll.u32 s7, $0x1;
	s7 =	sadd.s32 s22, s5  }
0x9f: {  	[timem:s9], [sflag:s23] =	dma.local [hbm:s7], s21  }
0xa0: {  	_ =	swait.ge [sflag:s23], s21  }
0xa1: {  	s6 =	ssub.s32 $0x0, s21;
	[sflag:s23] =	ssyncset.done $0x0  }
0xa2: {  	[sflag:s23] =	ssyncadd.s32 s6;
	_ =	sdelay $0x1  }
0xa3: {  	s24 =	simm.s32 $0x1B8B  }
0xa4: {  	_ =	swait.ge [sflag:s24], $0x1  }
0xa5: {  	[sflag:s24] =	ssyncset.done $0x0  }
0xa6: {  	s25 =	simm.s32 $0x1B8E;
	[sflag:s24] =	ssyncadd.s32 $0xFFFFFFFF  }
0xa7: {  	s26 =	simm.s32 $execute0_lowered;
	[smem:$0x3FD2] =	sst s25  }
0xa8: {  	s6 =	sshll.u32 s26, $0x1;
	_ =	strace $0x80000046;
	[dreg:$0x1] =	wrdreg $0xFFFFFFFF  }
0xa9: {  	s28 =	simm.s32 $_size_execute0_lowered;
	s5 =	sadd.s32 s5, s6;
	[dreg:$0x0] =	wrdreg $0x0  }
0xaa: {  	s6 =	sshll.u32 s28, $0x1;
	[dreg:$0x2] =	wrdreg s5  }
0xab: {  	[dreg:$0x3] =	wrdreg s6  }
0xac: {  	[dreg:$0x4] =	wrdreg $0xC0  }
0xad: {  	_ =	task [dreg:s9], $0x5FFFF  }
0xae: {  	[dreg:$0x1] =	wrdreg $0xFFFFFFFF  }
0xaf: {  	[dreg:$0x0] =	wrdreg $0x60  }
0xb0: {  	[dreg:$0x2] =	wrdreg s2  }
0xb1: {  	[dreg:$0x3] =	wrdreg s19  }
0xb2: {  	[dreg:$0x4] =	wrdreg s4  }
0xb3: {  	[dreg:$0x5] =	wrdreg $0x9  }
0xb4: {  	_ =	task.clear_ibuf [dreg:s9], $0x6FFFF;
	_ =	strace $0x90000046  }
0xb5: {  	s29 =	simm.s32 $0x9;
	_ =	strace $0x80000048  }
0xb6: {  	_ =	swait.ge [sflag:s29], $0x1  }
0xb7: {  	[sflag:s29] =	ssyncadd.s32 $0xFFFFFFFF  }
0xb8: {  	_ =	strace $0x90000048  }
0xb9: {  	_ =	sfence  }
0xba: {  	s30 =	sld [smem:$0x0];
	_ =	sdelay $0x2  }
0xbb: {  	s31 =	sshll.u32 s1, $0xD;
	s1 =	sshrl.u32 s1, $0x2  }
0xbc: {  	s3 =	sand.u32 $0x4000, s31;
	s1 =	sadd.s32 s1, s30  }
0xbd: {  	s0 =	sor.u32 s3, s0;
	s1 =	sshll.u32 s1, $0x11  }
0xbe: {  	s0 =	sor.u32 s1, s0  }
0xbf: {  	s0 =	sadd.s32 $0x8F2B, s0  }
0xc0: {  	[sflag:s0] =	ssyncadd.remote.s32 $0x1  }
0xc1: {  	_ =	sfence.sel $0xFFFF  }
0xc2: {  	[dreg:$0x0] =	wrdreg $0xFFFFFFFF;
	(pc) =	sbr.abs _section_cstart, $3  }
0xc3: {  	[dreg:$0x1] =	wrdreg $0xFFFFFFFF  }
0xc4: {  	_ =	task.clear_ibuf [dreg:s9], $0x2FFFF;
	_ =	strace $0x9FFFFFFF  }
0xc5: {  	(tm) =	ssettm $0x7FFFFFFF  }
tec
execute0_lowered:
.L_overlay_start_1:
0x0: {  	(tag) =	ssettag $0x1  }
0x1: {  	v0 =	vimm.s32 $0xF  }
0x2: {  	vm7 =	vcmask $0x300;
	vm6 =	vcmask $0x704;
	vm5 =	vcmask $0xB08  }
0x3: {  	vm3 =	vcmask $0xF0C;
	vm2 =	vcmask $0x1310;
	vm1 =	vcmask $0x1714  }
0x4: {  	v1 =	vimm.s32 $0x64432201;
	vm0 =	vcmask $0x1B18;
	v2 =	vimm.s32 $0xE8C7A685  }
0x5: {  	vm4 =	vcmask $0xF00;
	v3 =	vimm.s32 $0x66452403;
	v7 =	vimm.s32 $0xEAC9A887  }
0x6: {  	v8 =	vimm.s32 $0x69482706;
	v10 =	vimm.s32 $0x6B4A2908;
	v12 =	vimm.s32 $0x6D4C2B0A  }
0x7: {  	v16 =	vimm.s32 $0x604F2E0D;
	v17 =	vimm.s32 $0x61402F0E;
	v18 =	vimm.s32 $0x6241200F  }
0x8: {  	vm14 =	vcmask $0x1F10;
	v22 =	vimm.s32 $0x8F;
	vm15 =	vcmask $0x1F1C  }
0x9: {  	v24 =	vimm.s32 $0x48F;
	v25 =	vimm.s32 $0x50F;
	v26 =	vimm.s32 $0x58F  }
0xa: {  	v27 =	vimm.s32 $0x60F;
	v28 =	vimm.s32 $0x68F;
	v29 =	vimm.s32 $0x70F  }
0xb: {  	v30 =	vimm.s32 $0x80F;
	v31 =	vimm.s32 $0x88F;
	v32 =	vimm.s32 $0x90F  }
0xc: {  	v33 =	vimm.s32 $0x98F;
	v34 =	vimm.s32 $0xA0F;
	v35 =	vimm.s32 $0xA8F  }
0xd: {  	v36 =	vimm.s32 $0xB0F;
	v37 =	vimm.s32 $0xB8F;
	v38 =	vimm.s32 $0xC0F  }
0xe: {  	v39 =	vimm.s32 $0xC8F;
	v40 =	vimm.s32 $0xD0F;
	v41 =	vimm.s32 $0xD8F  }
0xf: {  	v42 =	vimm.s32 $0xE0F;
	v43 =	vimm.s32 $0xE8F;
	v44 =	vimm.s32 $0xF0F  }
0x10: {  	vm9 =	vcmask $0x2320;
	vm10 =	vcmask $0x2724;
	vm11 =	vcmask $0x2B28  }
0x11: {  	vm12 =	vcmask $0x2F2C;
	vm13 =	vcmask $0x3330;
	v0 =	vsel vm7, $0x80, v0  }
0x12: {  	v1 =	vunpack.c.0.s8.s32 v1;
	v2 =	vunpack.c.0.s8.s32 v2;
	v3 =	vunpack.c.0.s8.s32 v3  }
0x13: {  	v7 =	vunpack.c.0.s8.s32 v7;
	v8 =	vunpack.c.0.s8.s32 v8;
	v12 =	vunpack.c.0.s8.s32 v12  }
0x14: {  	v16 =	vunpack.c.0.s8.s32 v16;
	v17 =	vunpack.c.0.s8.s32 v17;
	v18 =	vunpack.c.0.s8.s32 v18  }
0x15: {  	v24 =	vsel vm7, $0x500, v24;
	v25 =	vsel vm7, $0x580, v25;
	v26 =	vsel vm7, $0x600, v26  }
0x16: {  	v27 =	vsel vm7, $0x680, v27;
	v28 =	vsel vm7, $0x700, v28;
	v29 =	vsel vm7, $0x780, v29  }
0x17: {  	v30 =	vsel vm7, $0x880, v30;
	v31 =	vsel vm7, $0x900, v31;
	v32 =	vsel vm7, $0x980, v32  }
0x18: {  	v33 =	vsel vm7, $0xA00, v33;
	v34 =	vsel vm7, $0xA80, v34;
	v35 =	vsel vm7, $0xB00, v35  }
0x19: {  	v36 =	vsel vm7, $0xB80, v36;
	v37 =	vsel vm7, $0xC00, v37;
	v38 =	vsel vm7, $0xC80, v38  }
0x1a: {  	v39 =	vsel vm7, $0xD00, v39;
	v40 =	vsel vm7, $0xD80, v40;
	v41 =	vsel vm7, $0xE00, v41  }
0x1b: {  	v42 =	vsel vm7, $0xE80, v42;
	v43 =	vsel vm7, $0xF00, v43;
	v44 =	vsel vm7, $0xF80, v44  }
0x1c: {  	v0 =	vsel vm6, $0x101, v0;
	v24 =	vsel vm6, $0x581, v24;
	v25 =	vsel vm6, $0x601, v25  }
0x1d: {  	v26 =	vsel vm6, $0x681, v26;
	v27 =	vsel vm6, $0x701, v27;
	v28 =	vsel vm6, $0x781, v28  }
0x1e: {  	v29 =	vsel vm6, $0x1, v29;
	v30 =	vsel vm6, $0x901, v30;
	v31 =	vsel vm6, $0x981, v31  }
0x1f: {  	v32 =	vsel vm6, $0xA01, v32;
	v33 =	vsel vm6, $0xA81, v33;
	v34 =	vsel vm6, $0xB01, v34  }
0x20: {  	v35 =	vsel vm6, $0xB81, v35;
	v36 =	vsel vm6, $0xC01, v36;
	v37 =	vsel vm6, $0xC81, v37  }
0x21: {  	v38 =	vsel vm6, $0xD01, v38;
	v39 =	vsel vm6, $0xD81, v39;
	v40 =	vsel vm6, $0xE01, v40  }
0x22: {  	v41 =	vsel vm6, $0xE81, v41;
	v42 =	vsel vm6, $0xF01, v42;
	v43 =	vsel vm6, $0xF81, v43  }
0x23: {  	v44 =	vsel vm6, $0x801, v44;
	v0 =	vsel vm5, $0x182, v0;
	v1 =	vand.u32 $0xFF, v1  }
0x24: {  	v2 =	vand.u32 $0xFF, v2;
	v8 =	vand.u32 $0xFF, v8;
	v24 =	vsel vm5, $0x602, v24  }
0x25: {  	v25 =	vsel vm5, $0x682, v25;
	v26 =	vsel vm5, $0x702, v26;
	v27 =	vsel vm5, $0x782, v27  }
0x26: {  	v28 =	vsel vm5, $0x2, v28;
	v29 =	vsel vm5, $0x82, v29;
	v30 =	vsel vm5, $0x982, v30  }
0x27: {  	v31 =	vsel vm5, $0xA02, v31;
	v32 =	vsel vm5, $0xA82, v32;
	v33 =	vsel vm5, $0xB02, v33  }
0x28: {  	v34 =	vsel vm5, $0xB82, v34;
	v35 =	vsel vm5, $0xC02, v35;
	v36 =	vsel vm5, $0xC82, v36  }
0x29: {  	v37 =	vsel vm5, $0xD02, v37;
	v38 =	vsel vm5, $0xD82, v38;
	v39 =	vsel vm5, $0xE02, v39  }
0x2a: {  	v40 =	vsel vm5, $0xE82, v40;
	v41 =	vsel vm5, $0xF02, v41;
	v42 =	vsel vm5, $0xF82, v42  }
0x2b: {  	v43 =	vsel vm5, $0x802, v43;
	v44 =	vsel vm5, $0x882, v44;
	v0 =	vsel vm3, $0x203, v0  }
0x2c: {  	v1 =	vnsel vm4, $0x1E0, v1;
	v8 =	vnsel vm4, $0x1E5, v8;
	v24 =	vsel vm3, $0x683, v24  }
0x2d: {  	v25 =	vsel vm3, $0x703, v25;
	v26 =	vsel vm3, $0x783, v26;
	v27 =	vsel vm3, $0x3, v27  }
0x2e: {  	v28 =	vsel vm3, $0x83, v28;
	v29 =	vsel vm3, $0x103, v29;
	v30 =	vsel vm3, $0xA03, v30  }
0x2f: {  	v31 =	vsel vm3, $0xA83, v31;
	v32 =	vsel vm3, $0xB03, v32;
	v33 =	vsel vm3, $0xB83, v33  }
0x30: {  	v34 =	vsel vm3, $0xC03, v34;
	v35 =	vsel vm3, $0xC83, v35;
	v36 =	vsel vm3, $0xD03, v36  }
0x31: {  	v37 =	vsel vm3, $0xD83, v37;
	v38 =	vsel vm3, $0xE03, v38;
	v39 =	vsel vm3, $0xE83, v39  }
0x32: {  	v40 =	vsel vm3, $0xF03, v40;
	v41 =	vsel vm3, $0xF83, v41;
	v42 =	vsel vm3, $0x803, v42  }
0x33: {  	v43 =	vsel vm3, $0x883, v43;
	v44 =	vsel vm3, $0x903, v44;
	v0 =	vsel vm2, $0x284, v0  }
0x34: {  	v24 =	vsel vm2, $0x704, v24;
	v25 =	vsel vm2, $0x784, v25;
	v26 =	vsel vm2, $0x4, v26  }
0x35: {  	v27 =	vsel vm2, $0x84, v27;
	v28 =	vsel vm2, $0x104, v28;
	v29 =	vsel vm2, $0x184, v29  }
0x36: {  	v30 =	vsel vm2, $0xA84, v30;
	v31 =	vsel vm2, $0xB04, v31;
	v32 =	vsel vm2, $0xB84, v32  }
0x37: {  	v33 =	vsel vm2, $0xC04, v33;
	v34 =	vsel vm2, $0xC84, v34;
	v35 =	vsel vm2, $0xD04, v35  }
0x38: {  	v36 =	vsel vm2, $0xD84, v36;
	v37 =	vsel vm2, $0xE04, v37;
	v38 =	vsel vm2, $0xE84, v38  }
0x39: {  	v39 =	vsel vm2, $0xF04, v39;
	v40 =	vsel vm2, $0xF84, v40;
	v41 =	vsel vm2, $0x804, v41  }
0x3a: {  	v42 =	vsel vm2, $0x884, v42;
	v43 =	vsel vm2, $0x904, v43;
	v44 =	vsel vm2, $0x984, v44  }
0x3b: {  	v0 =	vsel vm1, $0x305, v0;
	v24 =	vsel vm1, $0x785, v24;
	v25 =	vsel vm1, $0x5, v25  }
0x3c: {  	v26 =	vsel vm1, $0x85, v26;
	v27 =	vsel vm1, $0x105, v27;
	v28 =	vsel vm1, $0x185, v28  }
0x3d: {  	v29 =	vsel vm1, $0x205, v29;
	v30 =	vsel vm1, $0xB05, v30;
	v31 =	vsel vm1, $0xB85, v31  }
0x3e: {  	v32 =	vsel vm1, $0xC05, v32;
	v33 =	vsel vm1, $0xC85, v33;
	v34 =	vsel vm1, $0xD05, v34  }
0x3f: {  	v35 =	vsel vm1, $0xD85, v35;
	v36 =	vsel vm1, $0xE05, v36;
	v37 =	vsel vm1, $0xE85, v37  }
0x40: {  	v38 =	vsel vm1, $0xF05, v38;
	v39 =	vsel vm1, $0xF85, v39;
	v40 =	vsel vm1, $0x805, v40  }
0x41: {  	v41 =	vsel vm1, $0x885, v41;
	v42 =	vsel vm1, $0x905, v42;
	v43 =	vsel vm1, $0x985, v43  }
0x42: {  	v44 =	vsel vm1, $0xA05, v44;
	v15 =	vsel vm0, $0x386, v0;
	v0 =	vimm.s32 $0x65442302  }
0x43: {  	v24 =	vsel vm0, $0x6, v24;
	v25 =	vsel vm0, $0x86, v25;
	v26 =	vsel vm0, $0x106, v26  }
0x44: {  	v27 =	vsel vm0, $0x186, v27;
	v28 =	vsel vm0, $0x206, v28;
	v29 =	vsel vm0, $0x286, v29  }
0x45: {  	v30 =	vsel vm0, $0xB86, v30;
	v31 =	vsel vm0, $0xC06, v31;
	v32 =	vsel vm0, $0xC86, v32  }
0x46: {  	v33 =	vsel vm0, $0xD06, v33;
	v34 =	vsel vm0, $0xD86, v34;
	v35 =	vsel vm0, $0xE06, v35  }
0x47: {  	v36 =	vsel vm0, $0xE86, v36;
	v37 =	vsel vm0, $0xF06, v37;
	v38 =	vsel vm0, $0xF86, v38  }
0x48: {  	v39 =	vsel vm0, $0x806, v39;
	v40 =	vsel vm0, $0x886, v40;
	v41 =	vsel vm0, $0x906, v41  }
0x49: {  	v42 =	vsel vm0, $0x986, v42;
	v43 =	vsel vm0, $0xA06, v43;
	v44 =	vsel vm0, $0xA86, v44  }
0x4a: {  	v0 =	vunpack.c.0.s8.s32 v0;
	v15 =	vsel vm15, $0x407, v15;
	v24 =	vsel vm15, $0x87, v24  }
0x4b: {  	v25 =	vsel vm15, $0x107, v25;
	v26 =	vsel vm15, $0x187, v26;
	v27 =	vsel vm15, $0x207, v27  }
0x4c: {  	v28 =	vsel vm15, $0x287, v28;
	v29 =	vsel vm15, $0x307, v29;
	v30 =	vsel vm15, $0xC07, v30  }
0x4d: {  	v31 =	vsel vm15, $0xC87, v31;
	v32 =	vsel vm15, $0xD07, v32;
	v33 =	vsel vm15, $0xD87, v33  }
0x4e: {  	v34 =	vsel vm15, $0xE07, v34;
	v35 =	vsel vm15, $0xE87, v35;
	v36 =	vsel vm15, $0xF07, v36  }
0x4f: {  	v37 =	vsel vm15, $0xF87, v37;
	v38 =	vsel vm15, $0x807, v38;
	v39 =	vsel vm15, $0x887, v39  }
0x50: {  	v40 =	vsel vm15, $0x907, v40;
	v41 =	vsel vm15, $0x987, v41;
	v42 =	vsel vm15, $0xA07, v42  }
0x51: {  	v43 =	vsel vm15, $0xA87, v43;
	v44 =	vsel vm15, $0xB07, v44;
	v15 =	vsel vm9, $0x488, v15  }
0x52: {  	v24 =	vsel vm9, $0x108, v24;
	v25 =	vsel vm9, $0x188, v25;
	v26 =	vsel vm9, $0x208, v26  }
0x53: {  	v27 =	vsel vm9, $0x288, v27;
	v28 =	vsel vm9, $0x308, v28;
	v29 =	vsel vm9, $0x388, v29  }
0x54: {  	v30 =	vsel vm9, $0xC88, v30;
	v31 =	vsel vm9, $0xD08, v31;
	v32 =	vsel vm9, $0xD88, v32  }
0x55: {  	v33 =	vsel vm9, $0xE08, v33;
	v34 =	vsel vm9, $0xE88, v34;
	v35 =	vsel vm9, $0xF08, v35  }
0x56: {  	v36 =	vsel vm9, $0xF88, v36;
	v37 =	vsel vm9, $0x808, v37;
	v38 =	vsel vm9, $0x888, v38  }
0x57: {  	v39 =	vsel vm9, $0x908, v39;
	v40 =	vsel vm9, $0x988, v40;
	v41 =	vsel vm9, $0xA08, v41  }
0x58: {  	v42 =	vsel vm9, $0xA88, v42;
	v43 =	vsel vm9, $0xB08, v43;
	v44 =	vsel vm9, $0xB88, v44  }
0x59: {  	v0 =	vand.u32 $0xFF, v0;
	v15 =	vsel vm10, $0x509, v15;
	v24 =	vsel vm10, $0x189, v24  }
0x5a: {  	v25 =	vsel vm10, $0x209, v25;
	v26 =	vsel vm10, $0x289, v26;
	v27 =	vsel vm10, $0x309, v27  }
0x5b: {  	v28 =	vsel vm10, $0x389, v28;
	v29 =	vsel vm10, $0x409, v29;
	v30 =	vsel vm10, $0xD09, v30  }
0x5c: {  	v31 =	vsel vm10, $0xD89, v31;
	v32 =	vsel vm10, $0xE09, v32;
	v33 =	vsel vm10, $0xE89, v33  }
0x5d: {  	v34 =	vsel vm10, $0xF09, v34;
	v35 =	vsel vm10, $0xF89, v35;
	v36 =	vsel vm10, $0x809, v36  }
0x5e: {  	v37 =	vsel vm10, $0x889, v37;
	v38 =	vsel vm10, $0x909, v38;
	v39 =	vsel vm10, $0x989, v39  }
0x5f: {  	v40 =	vsel vm10, $0xA09, v40;
	v41 =	vsel vm10, $0xA89, v41;
	v42 =	vsel vm10, $0xB09, v42  }
0x60: {  	v43 =	vsel vm10, $0xB89, v43;
	v44 =	vsel vm10, $0xC09, v44;
	v4 =	vnsel vm4, $0x1E1, v0  }
0x61: {  	v0 =	vimm.s32 $0xE9C8A786;
	v15 =	vsel vm11, $0x58A, v15;
	v24 =	vsel vm11, $0x20A, v24  }
0x62: {  	v25 =	vsel vm11, $0x28A, v25;
	v26 =	vsel vm11, $0x30A, v26;
	v27 =	vsel vm11, $0x38A, v27  }
0x63: {  	v28 =	vsel vm11, $0x40A, v28;
	v29 =	vsel vm11, $0x48A, v29;
	v30 =	vsel vm11, $0xD8A, v30  }
0x64: {  	v31 =	vsel vm11, $0xE0A, v31;
	v32 =	vsel vm11, $0xE8A, v32;
	v33 =	vsel vm11, $0xF0A, v33  }
0x65: {  	v34 =	vsel vm11, $0xF8A, v34;
	v35 =	vsel vm11, $0x80A, v35;
	v36 =	vsel vm11, $0x88A, v36  }
0x66: {  	v37 =	vsel vm11, $0x90A, v37;
	v38 =	vsel vm11, $0x98A, v38;
	v39 =	vsel vm11, $0xA0A, v39  }
0x67: {  	v40 =	vsel vm11, $0xA8A, v40;
	v41 =	vsel vm11, $0xB0A, v41;
	v42 =	vsel vm11, $0xB8A, v42  }
0x68: {  	v43 =	vsel vm11, $0xC0A, v43;
	v44 =	vsel vm11, $0xC8A, v44;
	v5 =	vunpack.c.0.s8.s32 v0  }
0x69: {  	v0 =	vand.u32 $0xFF, v3;
	v3 =	vimm.s32 $0x67462504;
	v15 =	vsel vm12, $0x60B, v15  }
0x6a: {  	v24 =	vsel vm12, $0x28B, v24;
	v25 =	vsel vm12, $0x30B, v25;
	v26 =	vsel vm12, $0x38B, v26  }
0x6b: {  	v27 =	vsel vm12, $0x40B, v27;
	v28 =	vsel vm12, $0x48B, v28;
	v29 =	vsel vm12, $0x50B, v29  }
0x6c: {  	v30 =	vsel vm12, $0xE0B, v30;
	v31 =	vsel vm12, $0xE8B, v31;
	v32 =	vsel vm12, $0xF0B, v32  }
0x6d: {  	v33 =	vsel vm12, $0xF8B, v33;
	v34 =	vsel vm12, $0x80B, v34;
	v35 =	vsel vm12, $0x88B, v35  }
0x6e: {  	v36 =	vsel vm12, $0x90B, v36;
	v37 =	vsel vm12, $0x98B, v37;
	v38 =	vsel vm12, $0xA0B, v38  }
0x6f: {  	v39 =	vsel vm12, $0xA8B, v39;
	v40 =	vsel vm12, $0xB0B, v40;
	v41 =	vsel vm12, $0xB8B, v41  }
0x70: {  	v42 =	vsel vm12, $0xC0B, v42;
	v43 =	vsel vm12, $0xC8B, v43;
	v44 =	vsel vm12, $0xD0B, v44  }
0x71: {  	v6 =	vnsel vm4, $0x1E2, v0;
	v0 =	vunpack.c.0.s8.s32 v3;
	v3 =	vimm.s32 $0x68472605  }
0x72: {  	v15 =	vsel vm13, $0x68C, v15;
	v24 =	vsel vm13, $0x30C, v24;
	v25 =	vsel vm13, $0x38C, v25  }
0x73: {  	v26 =	vsel vm13, $0x40C, v26;
	v27 =	vsel vm13, $0x48C, v27;
	v28 =	vsel vm13, $0x50C, v28  }
0x74: {  	v29 =	vsel vm13, $0x58C, v29;
	v30 =	vsel vm13, $0xE8C, v30;
	v31 =	vsel vm13, $0xF0C, v31  }
0x75: {  	v32 =	vsel vm13, $0xF8C, v32;
	v33 =	vsel vm13, $0x80C, v33;
	v3 =	vunpack.c.0.s8.s32 v3  }
0x76: {  	v34 =	vsel vm13, $0x88C, v34;
	v35 =	vsel vm13, $0x90C, v35;
	v0 =	vand.u32 $0xFF, v0  }
0x77: {  	v9 =	vnsel vm4, $0x1E3, v0;
	v0 =	vand.u32 $0xFF, v3;
	v3 =	vimm.s32 $0x6A492807  }
0x78: {  	v36 =	vsel vm13, $0x98C, v36;
	v37 =	vsel vm13, $0xA0C, v37;
	v3 =	vunpack.c.0.s8.s32 v3  }
0x79: {  	v11 =	vnsel vm4, $0x1E4, v0;
	v0 =	vunpack.c.0.s8.s32 v10;
	v10 =	vimm.s32 $0x6C4B2A09  }
0x7a: {  	v38 =	vsel vm13, $0xA8C, v38;
	v10 =	vunpack.c.0.s8.s32 v10;
	v3 =	vand.u32 $0xFF, v3  }
0x7b: {  	v39 =	vsel vm13, $0xB0C, v39;
	v0 =	vand.u32 $0xFF, v0;
	v13 =	vnsel vm4, $0x1E6, v3  }
0x7c: {  	v14 =	vnsel vm4, $0x1E7, v0;
	v0 =	vimm.s32 $0x6E4D2C0B;
	v3 =	vand.u32 $0xFF, v10  }
0x7d: {  	v10 =	vand.u32 $0xFF, v12;
	v12 =	vnsel vm4, $0x1E8, v3;
	v3 =	vimm.s32 $0x6F4E2D0C  }
0x7e: {  	v40 =	vsel vm13, $0xB8C, v40;
	v0 =	vunpack.c.0.s8.s32 v0;
	v3 =	vunpack.c.0.s8.s32 v3  }
0x7f: {  	v41 =	vsel vm13, $0xC0C, v41;
	v42 =	vsel vm13, $0xC8C, v42;
	v43 =	vsel vm13, $0xD0C, v43  }
0x80: {  	v44 =	vsel vm13, $0xD8C, v44;
	v0 =	vand.u32 $0xFF, v0;
	v3 =	vand.u32 $0xFF, v3  }
0x81: {  	v19 =	vnsel vm4, $0x1EA, v0;
	v0 =	vand.u32 $0xFF, v16;
	v20 =	vnsel vm4, $0x1EB, v3  }
0x82: {  	v16 =	vnsel vm4, $0x1EC, v0;
	v0 =	vand.u32 $0xFF, v17;
	v3 =	vand.u32 $0xFF, v18  }
0x83: {  	v10 =	vnsel vm4, $0x1E9, v10;
	v17 =	vnsel vm4, $0x1ED, v0;
	v18 =	vnsel vm4, $0x1EE, v3  }
0x84: {  	v0 =	vsel vm14, v2, v1;
	v1 =	vand.u32 $0xFF, v5;
	v3 =	vand.u32 $0xFF, v7  }
0x85: {  	v2 =	vimm.s32 $0xEBCAA988;
	v5 =	vimm.s32 $0xECCBAA89;
	v7 =	vimm.s32 $0xEDCCAB8A  }
0x86: {  	v21 =	vunpack.c.0.s8.s32 v2;
	v5 =	vunpack.c.0.s8.s32 v5;
	v7 =	vunpack.c.0.s8.s32 v7  }
0x87: {  	v2 =	vsel vm14, v1, v4;
	v1 =	vsel vm14, v3, v6;
	v0 =	vsel vm9, $0x109, v0  }
0x88: {  	v2 =	vsel vm9, $0x10A, v2;
	v1 =	vsel vm9, $0x10B, v1;
	v0 =	vsel vm10, $0x12A, v0  }
0x89: {  	v3 =	vand.u32 $0xFF, v21;
	v4 =	vand.u32 $0xFF, v5;
	v6 =	vand.u32 $0xFF, v7  }
0x8a: {  	v5 =	vimm.s32 $0xEECDAC8B;
	v7 =	vimm.s32 $0xEFCEAD8C;
	v21 =	vimm.s32 $0xE0CFAE8D  }
0x8b: {  	v2 =	vsel vm10, $0x12B, v2;
	v1 =	vsel vm10, $0x12C, v1;
	v0 =	vsel vm11, $0x14B, v0  }
0x8c: {  	v23 =	vunpack.c.0.s8.s32 v5;
	v7 =	vunpack.c.0.s8.s32 v7;
	v21 =	vunpack.c.0.s8.s32 v21  }
0x8d: {  	v5 =	vsel vm14, v3, v9;
	v4 =	vsel vm14, v4, v11;
	v3 =	vsel vm14, v6, v8  }
0x8e: {  	v8 =	vimm.s32 $0xE1C0AF8E;
	v11 =	vimm.s32 $0xE2C1A08F;
	v2 =	vsel vm11, $0x14C, v2  }
0x8f: {  	v1 =	vsel vm11, $0x14D, v1;
	v0 =	vsel vm12, $0x16C, v0;
	v11 =	vunpack.c.0.s8.s32 v11  }
0x90: {  	v5 =	vsel vm9, $0x10C, v5;
	v4 =	vsel vm9, $0x10D, v4;
	v3 =	vsel vm9, $0x10E, v3  }
0x91: {  	v2 =	vsel vm12, $0x16D, v2;
	v1 =	vsel vm12, $0x16E, v1;
	v0 =	vsel vm13, $0x18D, v0  }
0x92: {  	v6 =	vand.u32 $0xFF, v23;
	v7 =	vand.u32 $0xFF, v7;
	v9 =	vand.u32 $0xFF, v21  }
0x93: {  	v21 =	vimm.s32 $0xE3C2A180;
	v23 =	vunpack.c.0.s8.s32 v8;
	v5 =	vsel vm10, $0x12D, v5  }
0x94: {  	v4 =	vsel vm10, $0x12E, v4;
	v3 =	vsel vm10, $0x12F, v3;
	v2 =	vsel vm13, $0x18E, v2  }
0x95: {  	v1 =	vsel vm13, $0x18F, v1;
	v21 =	vunpack.c.0.s8.s32 v21;
	v8 =	vsel vm14, v6, v13  }
0x96: {  	v7 =	vsel vm14, v7, v14;
	v6 =	vsel vm14, v9, v12;
	v11 =	vand.u32 $0xFF, v11  }
0x97: {  	v13 =	vimm.s32 $0xE4C3A281;
	v14 =	vimm.s32 $0xE5C4A382;
	v5 =	vsel vm11, $0x14E, v5  }
0x98: {  	v4 =	vsel vm11, $0x14F, v4;
	v3 =	vsel vm11, $0x140, v3;
	v9 =	vand.u32 $0xFF, v23  }
0x99: {  	v23 =	vunpack.c.0.s8.s32 v13;
	v14 =	vunpack.c.0.s8.s32 v14;
	v11 =	vsel vm14, v11, v19  }
0x9a: {  	v8 =	vsel vm9, $0x10F, v8;
	v7 =	vsel vm9, $0x100, v7;
	v6 =	vsel vm9, $0x101, v6  }
0x9b: {  	v5 =	vsel vm12, $0x16F, v5;
	v4 =	vsel vm12, $0x160, v4;
	v3 =	vsel vm12, $0x161, v3  }
0x9c: {  	v12 =	vand.u32 $0xFF, v21;
	v21 =	vimm.s32 $0xE6C5A483;
	v13 =	vsel vm14, v9, v10  }
0x9d: {  	v11 =	vsel vm9, $0x103, v11;
	v8 =	vsel vm10, $0x120, v8;
	v7 =	vsel vm10, $0x121, v7  }
0x9e: {  	v6 =	vsel vm10, $0x122, v6;
	v5 =	vsel vm13, $0x180, v5;
	v4 =	vsel vm13, $0x181, v4  }
0x9f: {  	v3 =	vsel vm13, $0x182, v3;
	v21 =	vunpack.c.0.s8.s32 v21;
	v9 =	vsel vm14, v12, v20  }
0xa0: {  	v10 =	vand.u32 $0xFF, v23;
	v12 =	vand.u32 $0xFF, v14;
	v20 =	vimm.s32 $0x28F  }
0xa1: {  	v23 =	vimm.s32 $0x40F;
	v13 =	vsel vm9, $0x102, v13;
	v11 =	vsel vm10, $0x124, v11  }
0xa2: {  	v8 =	vsel vm11, $0x141, v8;
	v7 =	vsel vm11, $0x142, v7;
	v6 =	vsel vm11, $0x143, v6  }
0xa3: {  	v14 =	vsel vm14, v10, v16;
	v12 =	vsel vm14, v12, v17;
	v16 =	vsel vm7, $0x100, v22  }
0xa4: {  	v17 =	vimm.s32 $0x10F;
	v20 =	vsel vm7, $0x300, v20;
	v22 =	vimm.s32 $0x38F  }
0xa5: {  	v23 =	vsel vm7, $0x480, v23;
	v9 =	vsel vm9, $0x104, v9;
	v13 =	vsel vm10, $0x123, v13  }
0xa6: {  	v11 =	vsel vm11, $0x145, v11;
	v8 =	vsel vm12, $0x162, v8;
	v7 =	vsel vm12, $0x163, v7  }
0xa7: {  	v6 =	vsel vm12, $0x164, v6;
	v19 =	vand.u32 $0xFF, v21;
	v17 =	vsel vm7, $0x180, v17  }
0xa8: {  	v21 =	vimm.s32 $0x30F;
	v22 =	vsel vm7, $0x400, v22;
	v16 =	vsel vm6, $0x181, v16  }
0xa9: {  	v20 =	vsel vm6, $0x381, v20;
	v23 =	vsel vm6, $0x501, v23;
	v14 =	vsel vm9, $0x105, v14  }
0xaa: {  	v12 =	vsel vm9, $0x106, v12;
	v9 =	vsel vm10, $0x125, v9;
	v13 =	vsel vm11, $0x144, v13  }
0xab: {  	v11 =	vsel vm12, $0x166, v11;
	v8 =	vsel vm13, $0x183, v8;
	v7 =	vsel vm13, $0x184, v7  }
0xac: {  	v6 =	vsel vm13, $0x185, v6;
	v10 =	vsel vm14, v19, v18;
	v18 =	vimm.s32 $0x18F  }
0xad: {  	v19 =	vimm.s32 $0x20F;
	v21 =	vsel vm7, $0x380, v21;
	v17 =	vsel vm6, $0x201, v17  }
0xae: {  	v22 =	vsel vm6, $0x481, v22;
	v16 =	vsel vm5, $0x202, v16;
	v20 =	vsel vm5, $0x402, v20  }
0xaf: {  	v23 =	vsel vm5, $0x582, v23;
	v14 =	vsel vm10, $0x126, v14;
	v12 =	vsel vm10, $0x127, v12  }
0xb0: {  	v9 =	vsel vm11, $0x146, v9;
	v13 =	vsel vm12, $0x165, v13;
	vm14 =	vcmask $0x3734  }
0xb1: {  	v11 =	vsel vm13, $0x187, v11;
	v18 =	vsel vm7, $0x200, v18;
	v19 =	vsel vm7, $0x280, v19  }
0xb2: {  	v21 =	vsel vm6, $0x401, v21;
	v17 =	vsel vm5, $0x282, v17;
	v22 =	vsel vm5, $0x502, v22  }
0xb3: {  	v16 =	vsel vm3, $0x283, v16;
	v20 =	vsel vm3, $0x483, v20;
	v23 =	vsel vm3, $0x603, v23  }
0xb4: {  	v10 =	vsel vm9, $0x107, v10;
	v14 =	vsel vm11, $0x147, v14;
	v12 =	vsel vm11, $0x148, v12  }
0xb5: {  	v9 =	vsel vm12, $0x167, v9;
	v13 =	vsel vm13, $0x186, v13;
	v15 =	vsel vm14, $0x70D, v15  }
0xb6: {  	v45 =	vsel vm14, $0x1AE, v0;
	v47 =	vsel vm14, $0x1AF, v2;
	v48 =	vsel vm14, $0x1A0, v1  }
0xb7: {  	v49 =	vsel vm14, $0x1A1, v5;
	v50 =	vsel vm14, $0x1A2, v4;
	v51 =	vsel vm14, $0x1A3, v3  }
0xb8: {  	v52 =	vsel vm14, $0x1A4, v8;
	v53 =	vsel vm14, $0x1A5, v7;
	v54 =	vsel vm14, $0x1A6, v6  }
0xb9: {  	v24 =	vsel vm14, $0x38D, v24;
	v25 =	vsel vm14, $0x40D, v25;
	v56 =	vsel vm14, $0x1A8, v11  }
0xba: {  	v26 =	vsel vm14, $0x48D, v26;
	v27 =	vsel vm14, $0x50D, v27;
	v28 =	vsel vm14, $0x58D, v28  }
0xbb: {  	v29 =	vsel vm14, $0x60D, v29;
	v61 =	vsel vm14, $0xF0D, v30;
	v62 =	vsel vm14, $0xF8D, v31  }
0xbc: {  	v63 =	vsel vm14, $0x80D, v32;
	v46 =	vsel vm14, $0x88D, v33;
	v0 =	vsel vm14, $0x90D, v34  }
0xbd: {  	v18 =	vsel vm6, $0x281, v18;
	v19 =	vsel vm6, $0x301, v19;
	v21 =	vsel vm5, $0x482, v21  }
0xbe: {  	v17 =	vsel vm3, $0x303, v17;
	v22 =	vsel vm3, $0x583, v22;
	v16 =	vsel vm2, $0x304, v16  }
0xbf: {  	v20 =	vsel vm2, $0x504, v20;
	v23 =	vsel vm2, $0x684, v23;
	v10 =	vsel vm10, $0x128, v10  }
0xc0: {  	v14 =	vsel vm12, $0x168, v14;
	v12 =	vsel vm12, $0x169, v12;
	v9 =	vsel vm13, $0x188, v9  }
0xc1: {  	v55 =	vsel vm14, $0x1A7, v13;
	[tilespmem:$0x1FF50] =	vst v0;
	v0 =	vsel vm14, $0x98D, v35;
	v18 =	vsel vm5, $0x302, v18  }
0xc2: {  	v19 =	vsel vm5, $0x382, v19;
	v21 =	vsel vm3, $0x503, v21;
	v17 =	vsel vm2, $0x384, v17  }
0xc3: {  	v22 =	vsel vm2, $0x604, v22;
	v16 =	vsel vm1, $0x385, v16;
	v20 =	vsel vm1, $0x585, v20  }
0xc4: {  	v23 =	vsel vm1, $0x705, v23;
	v10 =	vsel vm11, $0x149, v10;
	v14 =	vsel vm13, $0x189, v14  }
0xc5: {  	v12 =	vsel vm13, $0x18A, v12;
	v57 =	vsel vm14, $0x1A9, v9;
	[tilespmem:$0x1FF60] =	vst v0;
	v0 =	vsel vm14, $0xA0D, v36  }
0xc6: {  	v18 =	vsel vm3, $0x383, v18;
	v19 =	vsel vm3, $0x403, v19;
	v21 =	vsel vm2, $0x584, v21  }
0xc7: {  	v17 =	vsel vm1, $0x405, v17;
	v22 =	vsel vm1, $0x685, v22;
	v16 =	vsel vm0, $0x406, v16  }
0xc8: {  	v20 =	vsel vm0, $0x606, v20;
	v23 =	vsel vm0, $0x786, v23;
	v10 =	vsel vm12, $0x16A, v10  }
0xc9: {  	v58 =	vsel vm14, $0x1AA, v14;
	v59 =	vsel vm14, $0x1AB, v12;
	[tilespmem:$0x1FF70] =	vst v0;
	v0 =	vsel vm14, $0xA8D, v37  }
0xca: {  	v18 =	vsel vm2, $0x404, v18;
	v19 =	vsel vm2, $0x484, v19;
	v21 =	vsel vm1, $0x605, v21  }
0xcb: {  	v17 =	vsel vm0, $0x486, v17;
	v22 =	vsel vm0, $0x706, v22;
	v16 =	vsel vm15, $0x487, v16  }
0xcc: {  	v20 =	vsel vm15, $0x687, v20;
	v23 =	vsel vm15, $0x7, v23;
	v10 =	vsel vm13, $0x18B, v10  }
0xcd: {  	[tilespmem:$0x1FF80] =	vst v0;
	v0 =	vsel vm14, $0xB0D, v38;
	v18 =	vsel vm1, $0x485, v18;
	v19 =	vsel vm1, $0x505, v19  }
0xce: {  	v21 =	vsel vm0, $0x686, v21;
	v17 =	vsel vm15, $0x507, v17;
	v22 =	vsel vm15, $0x787, v22  }
0xcf: {  	v16 =	vsel vm9, $0x508, v16;
	v20 =	vsel vm9, $0x708, v20;
	v23 =	vsel vm9, $0x88, v23  }
0xd0: {  	v60 =	vsel vm14, $0x1AC, v10;
	[tilespmem:$0x1FF90] =	vst v0;
	v0 =	vsel vm14, $0xB8D, v39;
	v18 =	vsel vm0, $0x506, v18  }
0xd1: {  	v19 =	vsel vm0, $0x586, v19;
	v21 =	vsel vm15, $0x707, v21;
	v17 =	vsel vm9, $0x588, v17  }
0xd2: {  	v22 =	vsel vm9, $0x8, v22;
	v16 =	vsel vm10, $0x589, v16;
	v20 =	vsel vm10, $0x789, v20  }
0xd3: {  	v23 =	vsel vm10, $0x109, v23;
	[tilespmem:$0x1FFA0] =	vst v0;
	v0 =	vsel vm14, $0xC0D, v40;
	v18 =	vsel vm15, $0x587, v18  }
0xd4: {  	v19 =	vsel vm15, $0x607, v19;
	v21 =	vsel vm9, $0x788, v21;
	v17 =	vsel vm10, $0x609, v17  }
0xd5: {  	v22 =	vsel vm10, $0x89, v22;
	v16 =	vsel vm11, $0x60A, v16;
	v20 =	vsel vm11, $0xA, v20  }
0xd6: {  	v23 =	vsel vm11, $0x18A, v23;
	[tilespmem:$0x1FFB0] =	vst v0;
	v0 =	vsel vm14, $0xC8D, v41;
	vm15 =	vcmask $0x3B38  }
0xd7: {  	v18 =	vsel vm9, $0x608, v18;
	v19 =	vsel vm9, $0x688, v19;
	v21 =	vsel vm10, $0x9, v21  }
0xd8: {  	v17 =	vsel vm11, $0x68A, v17;
	v22 =	vsel vm11, $0x10A, v22;
	v16 =	vsel vm12, $0x68B, v16  }
0xd9: {  	v20 =	vsel vm12, $0x8B, v20;
	v23 =	vsel vm12, $0x20B, v23;
	[tilespmem:$0x1FFC0] =	vst v0;
	v0 =	vsel vm14, $0xD0D, v42  }
0xda: {  	v1 =	vsel vm15, $0x78E, v15;
	v2 =	vsel vm15, $0x1CF, v45;
	v4 =	vsel vm15, $0x1C0, v47  }
0xdb: {  	v6 =	vsel vm15, $0x1C1, v48;
	v8 =	vsel vm15, $0x1C2, v49;
	v10 =	vsel vm15, $0x1C3, v50  }
0xdc: {  	v12 =	vsel vm15, $0x1C4, v51;
	v14 =	vsel vm15, $0x1C5, v52;
	v30 =	vsel vm15, $0x1CD, v60  }
0xdd: {  	v31 =	vsel vm15, $0xF8E, v61;
	v32 =	vsel vm15, $0x80E, v62;
	v33 =	vsel vm15, $0x88E, v63  }
0xde: {  	v18 =	vsel vm10, $0x689, v18;
	v19 =	vsel vm10, $0x709, v19;
	v21 =	vsel vm11, $0x8A, v21  }
0xdf: {  	v17 =	vsel vm12, $0x70B, v17;
	v22 =	vsel vm12, $0x18B, v22;
	v16 =	vsel vm13, $0x70C, v16  }
0xe0: {  	v20 =	vsel vm13, $0x10C, v20;
	v23 =	vsel vm13, $0x28C, v23;
	[tilespmem:$0x1FFD0] =	vst v0;
	v0 =	vsel vm14, $0xD8D, v43  }
0xe1: {  	s0 =	rddreg [dreg:$0x0];
	s5 =	simm.s32 $0x0;
	v18 =	vsel vm11, $0x70A, v18;
	v21 =	vsel vm12, $0x10B, v21;
	[tilespmem:$0x1FFE0] =	vst v0;
	v0 =	vsel vm14, $0xE0D, v44  }
0xe2: {  	[smem:$0x7FF] =	sst s5;
	v17 =	vsel vm13, $0x78C, v17;
	v22 =	vsel vm13, $0x20C, v22;
	v16 =	vsel vm14, $0x78D, v16;
	[tilespmem:$0x1FFF0] =	vst v0  }
0xe3: {  	s4 =	rddreg [dreg:$0x2];
	v20 =	vsel vm14, $0x18D, v20;
	v23 =	vsel vm14, $0x30D, v23;
	v21 =	vsel vm13, $0x18C, v21;
	_ =	strace $0x80000047  }
0xe4: {  	v17 =	vsel vm14, $0xD, v17;
	v22 =	vsel vm14, $0x28D, v22;
	v3 =	vsel vm15, $0xE, v16;
	v52 =	vld [tilespmem:$0x1FF50]  }
0xe5: {  	v11 =	vsel vm15, $0x20E, v20;
	v16 =	vsel vm15, $0x1C6, v53;
	v20 =	vsel vm15, $0x1C8, v55;
	v53 =	vld [tilespmem:$0x1FF60]  }
0xe6: {  	s15 =	simm.s32 $0x4000;
	v21 =	vsel vm14, $0x20D, v21;
	v5 =	vsel vm15, $0x8E, v17;
	v15 =	vsel vm15, $0x30E, v22;
	v55 =	vld [tilespmem:$0x1FF80]  }
0xe7: {  	s1 =	srdreg.scid;
	s16 =	simm.s32 $0x5000;
	s18 =	simm.s32 $0x400;
	v17 =	vsel vm15, $0x38E, v23;
	v22 =	vsel vm15, $0x1C9, v56;
	v23 =	vsel vm15, $0x50E, v26;
	v56 =	vld [tilespmem:$0x1FF90]  }
0xe8: {  	s12 =	stileid.u32;
	s17 =	simm.s32 $0x5;
	s19 =	simm.s32 $0x7A1400;
	v26 =	vsel vm15, $0x1CB, v58;
	v13 =	vsel vm15, $0x28E, v21;
	v21 =	vsel vm15, $0x48E, v25;
	v58 =	vld [tilespmem:$0x1FFB0]  }
0xe9: {  	s20 =	simm.s32 $0x1000;
	s21 =	simm.s32 $0x1;
	s22 =	simm.s32 $0x2000;
	v25 =	vsel vm15, $0x58E, v27;
	v27 =	vsel vm15, $0x60E, v28;
	v28 =	vsel vm15, $0x1CC, v59;
	v59 =	vld [tilespmem:$0x1FFC0]  }
0xea: {  	s23 =	simm.s32 $0x2;
	s24 =	simm.s32 $0x3000;
	s25 =	simm.s32 $0x3;
	v63 =	vlaneseq.u32;
	v19 =	vsel vm11, $0x78A, v19;
	v18 =	vsel vm12, $0x78B, v18;
	v60 =	vld [tilespmem:$0x1FFD0]  }
0xeb: {  	s28 =	simm.s32 $0x0;
	s1 =	sand.u32 $0x1, s1;
	s2 =	sshll.u32 s12, $0x1;
	v19 =	vsel vm12, $0xB, v19;
	v0 =	vlaneseq.u32;
	v18 =	vsel vm13, $0xC, v18;
	v61 =	vld [tilespmem:$0x1FFE0]  }
0xec: {  	s29 =	simm.s32 $0x0;
	s26 =	sadd.s32 $0x3D0800, s4;
	s2 =	sor.u32 s1, s2;
	v19 =	vsel vm13, $0x8C, v19;
	v0 =	vmul.u32 $0x81, v0;
	v18 =	vsel vm14, $0x8D, v18;
	v62 =	vld [tilespmem:$0x1FFF0]  }
0xed: {  	s11 =	sadd.s32 $0x200, s4;
	s1 =	ssub.s32 $0x2, s1;
	s3 =	smul.u32 $0x7A00, s2;
	v19 =	vsel vm14, $0x10D, v19;
	v7 =	vsel vm15, $0x10E, v18;
	v18 =	vsel vm15, $0x1C7, v54;
	v54 =	vld [tilespmem:$0x1FF70]  }
0xee: {  	p1 =	sgt.u32 s12, $0x1;
	s7 =	sshrl.u32 s1, $0x1;
	s6 =	smul.u32 $0xF4, s2;
	v9 =	vsel vm15, $0x18E, v19;
	v19 =	vsel vm15, $0x40E, v24;
	v24 =	vsel vm15, $0x1CA, v57;
	v57 =	vld [tilespmem:$0x1FFA0]  }
.Ltmp0:
0xef: {  	s30 =	sor.u32 $0x1E80, s2;
	p0 =	sne.s32 s2, $0x0;
	v29 =	vsel vm15, $0x68E, v29;
	v34 =	vsel vm15, $0x90E, v46;
	v46 =	vmul.u32 $0x21, v63;
	(pc) =	sbr.rel .LBB2_1-.Ltmp0, $4  }
0xf0: {  	s1 =	ssub.s32 s1, s7;
	s31 =	sshll.u32 s30, $0x9;
	s8 =	sadd.s32 s0, s3;
	v47 =	vor.u32 $0x800, v0;
	v35 =	vsel vm15, $0x98E, v52;
	v36 =	vsel vm15, $0xA0E, v53  }
0xf1: {  	s10 =	sadd.s32 $0xF4, s6;
	s3 =	sshll.u32 s30, $0x7;
	s7 =	sadd.s32 s4, s31;
	v38 =	vsel vm15, $0xB0E, v55;
	v39 =	vsel vm15, $0xB8E, v56;
	v41 =	vsel vm15, $0xC8E, v58  }
0xf2: {  	s14 =	smax.u32 s1, $0x1;
	s9 =	sadd.s32 $0x80, s8;
	[dreg:$0x4] =	wrdreg s26;
	v42 =	vsel vm15, $0xD0E, v59;
	v43 =	vsel vm15, $0xD8E, v60;
	v44 =	vsel vm15, $0xE0E, v61  }
0xf3: {  	s13 =	sadd.s32 s0, s3;
	[dreg:$0x5] =	wrdreg s7;
	s26 =	simm.s32 $0x4;
	v45 =	vsel vm15, $0xE8E, v62;
	v37 =	vsel vm15, $0xA8E, v54;
	v40 =	vsel vm15, $0xC0E, v57  }
.LBB2_15:
0xf4: {  	s28 =	sadd.s32 $0x1, s28  }
0xf5: {  	_ =	swait.ge [sflag:s25], $0x1000;
	p2 =	sne.s32 s28, s14  }
.Ltmp1:
0xf6: {  	[sflag:s25] =	ssyncset.done $0x0;
	(pc) =	sbr.rel @!p2 .LBB2_16-.Ltmp1, $4  }
0xf7: {  	[sflag:s25] =	ssyncadd.s32 $0xFFFFF000  }
0xf8: {  	_ =	swait.ge [sflag:s26], $0x1000  }
0xf9: {  	[sflag:s26] =	ssyncset.done $0x0  }
0xfa: {  	[sflag:s26] =	ssyncadd.s32 $0xFFFFF000  }
.LBB2_1:
.Ltmp2:
0xfb: {  	(pc) =	sbr.rel @p0 .LBB2_5-.Ltmp2, $1  }
0xfc: {  	_ =	sdelay $0x3  }
0xfd: {  	s1 =	simm.s32 $0x0  }
0xfe: {  	s2 =	rddreg [dreg:$0x1];
	v48 =	vor.u32 s1, v0  }
0xff: {  	[tilespmem:s15], [sflag:$0x5] =	stream.linear.gather [hbm4b:s2+s1], $0x1000, $0x38;
	[tilespmem:$0x5800] =	vst v63  }
0x100: {  	_ =	swait.ge [sflag:s17], $0x1000  }
0x101: {  	[sflag:s17] =	ssyncset.done $0x0  }
0x102: {  	[sflag:s17] =	ssyncadd.s32 $0xFFFFF000  }
0x103: {  	v49 =	vor.u32 s1, v46;
	v48 =	vld.idx.msk [tilespmem:v48+s15+$0x0], $0xffff  }
0x104: {  	v50 =	vor.u32 s1, v1;
	_ =	sdelay $0x3  }
0x105: {  	[tilespmem:v49+s16+$0x0] =	vst.idx.msk $0xffff, v48  }
0x106: {  	v52 =	vor.u32 s1, v2;
	v48 =	vld.idx.msk [tilespmem:v50+s15+$0x0], $0xffff  }
0x107: {  	v53 =	vor.u32 s1, v3;
	_ =	sdelay $0x3  }
0x108: {  	[tilespmem:v52+s16+$0x0] =	vst.idx.msk $0xffff, v48  }
0x109: {  	v54 =	vor.u32 s1, v4;
	v48 =	vld.idx.msk [tilespmem:v53+s15+$0x0], $0xffff  }
0x10a: {  	v55 =	vor.u32 s1, v5;
	_ =	sdelay $0x3  }
0x10b: {  	[tilespmem:v54+s16+$0x0] =	vst.idx.msk $0xffff, v48  }
0x10c: {  	v56 =	vor.u32 s1, v6;
	v48 =	vld.idx.msk [tilespmem:v55+s15+$0x0], $0xffff  }
0x10d: {  	v57 =	vor.u32 s1, v7;
	_ =	sdelay $0x3  }
0x10e: {  	[tilespmem:v56+s16+$0x0] =	vst.idx.msk $0xffff, v48  }
0x10f: {  	v58 =	vor.u32 s1, v8;
	v48 =	vld.idx.msk [tilespmem:v57+s15+$0x0], $0xffff  }
0x110: {  	v59 =	vor.u32 s1, v9;
	_ =	sdelay $0x3  }
0x111: {  	[tilespmem:v58+s16+$0x0] =	vst.idx.msk $0xffff, v48  }
0x112: {  	v60 =	vor.u32 s1, v10;
	v48 =	vld.idx.msk [tilespmem:v59+s15+$0x0], $0xffff  }
0x113: {  	v61 =	vor.u32 s1, v11;
	_ =	sdelay $0x3  }
0x114: {  	[tilespmem:v60+s16+$0x0] =	vst.idx.msk $0xffff, v48  }
0x115: {  	v62 =	vor.u32 s1, v12;
	v48 =	vld.idx.msk [tilespmem:v61+s15+$0x0], $0xffff  }
0x116: {  	v63 =	vor.u32 s1, v13;
	_ =	sdelay $0x3  }
0x117: {  	[tilespmem:v62+s16+$0x0] =	vst.idx.msk $0xffff, v48  }
0x118: {  	v52 =	vor.u32 s1, v14;
	v48 =	vld.idx.msk [tilespmem:v63+s15+$0x0], $0xffff  }
0x119: {  	v53 =	vor.u32 s1, v15;
	_ =	sdelay $0x3  }
0x11a: {  	[tilespmem:v52+s16+$0x0] =	vst.idx.msk $0xffff, v48  }
0x11b: {  	v54 =	vor.u32 s1, v16;
	v48 =	vld.idx.msk [tilespmem:v53+s15+$0x0], $0xffff  }
0x11c: {  	v55 =	vor.u32 s1, v17;
	_ =	sdelay $0x3  }
0x11d: {  	[tilespmem:v54+s16+$0x0] =	vst.idx.msk $0xffff, v48  }
0x11e: {  	v56 =	vor.u32 s1, v18;
	v48 =	vld.idx.msk [tilespmem:v55+s15+$0x0], $0xffff  }
0x11f: {  	v57 =	vor.u32 s1, v19;
	_ =	sdelay $0x3  }
0x120: {  	[tilespmem:v56+s16+$0x0] =	vst.idx.msk $0xffff, v48  }
0x121: {  	v58 =	vor.u32 s1, v20;
	v48 =	vld.idx.msk [tilespmem:v57+s15+$0x0], $0xffff  }
0x122: {  	v59 =	vor.u32 s1, v21;
	_ =	sdelay $0x3  }
0x123: {  	[tilespmem:v58+s16+$0x0] =	vst.idx.msk $0xffff, v48  }
0x124: {  	v60 =	vor.u32 s1, v22;
	v48 =	vld.idx.msk [tilespmem:v59+s15+$0x0], $0xffff  }
0x125: {  	v61 =	vor.u32 s1, v23;
	_ =	sdelay $0x3  }
0x126: {  	[tilespmem:v60+s16+$0x0] =	vst.idx.msk $0xffff, v48  }
0x127: {  	v62 =	vor.u32 s1, v24;
	v48 =	vld.idx.msk [tilespmem:v61+s15+$0x0], $0xffff  }
0x128: {  	v63 =	vor.u32 s1, v25;
	_ =	sdelay $0x3  }
0x129: {  	[tilespmem:v62+s16+$0x0] =	vst.idx.msk $0xffff, v48  }
0x12a: {  	v52 =	vor.u32 s1, v26;
	v48 =	vld.idx.msk [tilespmem:v63+s15+$0x0], $0xffff  }
0x12b: {  	v53 =	vor.u32 s1, v27;
	_ =	sdelay $0x3  }
0x12c: {  	[tilespmem:v52+s16+$0x0] =	vst.idx.msk $0xffff, v48  }
0x12d: {  	v54 =	vor.u32 s1, v28;
	v48 =	vld.idx.msk [tilespmem:v53+s15+$0x0], $0xffff  }
0x12e: {  	v55 =	vor.u32 s1, v29;
	_ =	sdelay $0x3  }
0x12f: {  	[tilespmem:v54+s16+$0x0] =	vst.idx.msk $0xffff, v48  }
0x130: {  	v56 =	vor.u32 s1, v30;
	v48 =	vld.idx.msk [tilespmem:v55+s15+$0x0], $0xffff  }
0x131: {  	v57 =	vor.u32 s1, v47;
	_ =	sdelay $0x3  }
0x132: {  	s2 =	simm.s32 $0x10;
	[tilespmem:v56+s16+$0x0] =	vst.idx.msk $0xffff, v48  }
0x133: {  	v58 =	vor.u32 s2, v46;
	v48 =	vld.idx.msk [tilespmem:v57+s15+$0x0], $0xffff  }
0x134: {  	v59 =	vor.u32 s1, v31;
	_ =	sdelay $0x3  }
0x135: {  	[tilespmem:v58+s16+$0x0] =	vst.idx.msk $0xffff, v48  }
0x136: {  	v60 =	vor.u32 s2, v2;
	v48 =	vld.idx.msk [tilespmem:v59+s15+$0x0], $0xffff  }
0x137: {  	v61 =	vor.u32 s1, v32;
	_ =	sdelay $0x3  }
0x138: {  	[tilespmem:v60+s16+$0x0] =	vst.idx.msk $0xffff, v48  }
0x139: {  	v62 =	vor.u32 s2, v4;
	v48 =	vld.idx.msk [tilespmem:v61+s15+$0x0], $0xffff  }
0x13a: {  	v63 =	vor.u32 s1, v33;
	_ =	sdelay $0x3  }
0x13b: {  	[tilespmem:v62+s16+$0x0] =	vst.idx.msk $0xffff, v48  }
0x13c: {  	v52 =	vor.u32 s2, v6;
	v48 =	vld.idx.msk [tilespmem:v63+s15+$0x0], $0xffff  }
0x13d: {  	v53 =	vor.u32 s1, v34;
	_ =	sdelay $0x3  }
0x13e: {  	[tilespmem:v52+s16+$0x0] =	vst.idx.msk $0xffff, v48  }
0x13f: {  	v54 =	vor.u32 s2, v8;
	v48 =	vld.idx.msk [tilespmem:v53+s15+$0x0], $0xffff  }
0x140: {  	v55 =	vor.u32 s1, v35;
	_ =	sdelay $0x3  }
0x141: {  	[tilespmem:v54+s16+$0x0] =	vst.idx.msk $0xffff, v48  }
0x142: {  	v56 =	vor.u32 s2, v10;
	v48 =	vld.idx.msk [tilespmem:v55+s15+$0x0], $0xffff  }
0x143: {  	v57 =	vor.u32 s1, v36;
	_ =	sdelay $0x3  }
0x144: {  	[tilespmem:v56+s16+$0x0] =	vst.idx.msk $0xffff, v48  }
0x145: {  	v58 =	vor.u32 s2, v12;
	v48 =	vld.idx.msk [tilespmem:v57+s15+$0x0], $0xffff  }
0x146: {  	v59 =	vor.u32 s1, v37;
	_ =	sdelay $0x3  }
0x147: {  	[tilespmem:v58+s16+$0x0] =	vst.idx.msk $0xffff, v48  }
0x148: {  	v60 =	vor.u32 s2, v14;
	v48 =	vld.idx.msk [tilespmem:v59+s15+$0x0], $0xffff  }
0x149: {  	v61 =	vor.u32 s1, v38;
	_ =	sdelay $0x3  }
0x14a: {  	[tilespmem:v60+s16+$0x0] =	vst.idx.msk $0xffff, v48  }
0x14b: {  	v62 =	vor.u32 s2, v16;
	v48 =	vld.idx.msk [tilespmem:v61+s15+$0x0], $0xffff  }
0x14c: {  	v63 =	vor.u32 s1, v39;
	_ =	sdelay $0x3  }
0x14d: {  	[tilespmem:v62+s16+$0x0] =	vst.idx.msk $0xffff, v48  }
0x14e: {  	v52 =	vor.u32 s2, v18;
	v48 =	vld.idx.msk [tilespmem:v63+s15+$0x0], $0xffff  }
0x14f: {  	v53 =	vor.u32 s1, v40;
	_ =	sdelay $0x3  }
0x150: {  	[tilespmem:v52+s16+$0x0] =	vst.idx.msk $0xffff, v48  }
0x151: {  	v54 =	vor.u32 s2, v20;
	v48 =	vld.idx.msk [tilespmem:v53+s15+$0x0], $0xffff  }
0x152: {  	v55 =	vor.u32 s1, v41;
	_ =	sdelay $0x3  }
0x153: {  	[tilespmem:v54+s16+$0x0] =	vst.idx.msk $0xffff, v48  }
0x154: {  	v56 =	vor.u32 s2, v22;
	v48 =	vld.idx.msk [tilespmem:v55+s15+$0x0], $0xffff  }
0x155: {  	v57 =	vor.u32 s1, v42;
	_ =	sdelay $0x3  }
0x156: {  	[tilespmem:v56+s16+$0x0] =	vst.idx.msk $0xffff, v48  }
0x157: {  	v58 =	vor.u32 s2, v24;
	v48 =	vld.idx.msk [tilespmem:v57+s15+$0x0], $0xffff  }
0x158: {  	v59 =	vor.u32 s1, v43;
	_ =	sdelay $0x3  }
0x159: {  	[tilespmem:v58+s16+$0x0] =	vst.idx.msk $0xffff, v48  }
0x15a: {  	v60 =	vor.u32 s2, v26;
	v48 =	vld.idx.msk [tilespmem:v59+s15+$0x0], $0xffff  }
0x15b: {  	v61 =	vor.u32 s1, v44;
	_ =	sdelay $0x3  }
0x15c: {  	[tilespmem:v60+s16+$0x0] =	vst.idx.msk $0xffff, v48  }
0x15d: {  	v62 =	vor.u32 s2, v28;
	v48 =	vld.idx.msk [tilespmem:v61+s15+$0x0], $0xffff  }
0x15e: {  	v63 =	vor.u32 s1, v45;
	_ =	sdelay $0x3  }
0x15f: {  	[tilespmem:v62+s16+$0x0] =	vst.idx.msk $0xffff, v48  }
0x160: {  	v50 =	vor.u32 s2, v30;
	v48 =	vld.idx.msk [tilespmem:v63+s15+$0x0], $0xffff  }
0x161: {  	s3 =	simm.s32 $0x20;
	v49 =	vor.u32 s2, v0  }
.LBB2_3:
0x162: {  	p2 =	sne.s32 s3, $0x30;
	_ =	sdelay $0x2  }
0x163: {  	[tilespmem:v50+s16+$0x0] =	vst.idx.msk $0xffff, v48  }
0x164: {  	s1 =	sadd.s32 $0x200, s1;
	v48 =	vld.idx.msk [tilespmem:v49+s15+$0x0], $0xffff  }
0x165: {  	v49 =	vor.u32 s1, v46  }
0x166: {  	v50 =	vor.u32 s2, v1;
	_ =	sdelay $0x3  }
0x167: {  	[tilespmem:v49+s16+$0x0] =	vst.idx.msk $0xffff, v48  }
0x168: {  	v48 =	vld.idx.msk [tilespmem:v50+s15+$0x0], $0xffff  }
0x169: {  	v49 =	vor.u32 s1, v2  }
0x16a: {  	v50 =	vor.u32 s2, v3;
	_ =	sdelay $0x3  }
0x16b: {  	[tilespmem:v49+s16+$0x0] =	vst.idx.msk $0xffff, v48  }
0x16c: {  	v48 =	vld.idx.msk [tilespmem:v50+s15+$0x0], $0xffff  }
0x16d: {  	v49 =	vor.u32 s1, v4  }
0x16e: {  	v50 =	vor.u32 s2, v5;
	_ =	sdelay $0x3  }
0x16f: {  	[tilespmem:v49+s16+$0x0] =	vst.idx.msk $0xffff, v48  }
0x170: {  	v48 =	vld.idx.msk [tilespmem:v50+s15+$0x0], $0xffff  }
0x171: {  	v49 =	vor.u32 s1, v6  }
0x172: {  	v50 =	vor.u32 s2, v7;
	_ =	sdelay $0x3  }
0x173: {  	[tilespmem:v49+s16+$0x0] =	vst.idx.msk $0xffff, v48  }
0x174: {  	v48 =	vld.idx.msk [tilespmem:v50+s15+$0x0], $0xffff  }
0x175: {  	v49 =	vor.u32 s1, v8  }
0x176: {  	v50 =	vor.u32 s2, v9;
	_ =	sdelay $0x3  }
0x177: {  	[tilespmem:v49+s16+$0x0] =	vst.idx.msk $0xffff, v48  }
0x178: {  	v48 =	vld.idx.msk [tilespmem:v50+s15+$0x0], $0xffff  }
0x179: {  	v49 =	vor.u32 s1, v10  }
0x17a: {  	v50 =	vor.u32 s2, v11;
	_ =	sdelay $0x3  }
0x17b: {  	[tilespmem:v49+s16+$0x0] =	vst.idx.msk $0xffff, v48  }
0x17c: {  	v48 =	vld.idx.msk [tilespmem:v50+s15+$0x0], $0xffff  }
0x17d: {  	v49 =	vor.u32 s1, v12  }
0x17e: {  	v50 =	vor.u32 s2, v13;
	_ =	sdelay $0x3  }
0x17f: {  	[tilespmem:v49+s16+$0x0] =	vst.idx.msk $0xffff, v48  }
0x180: {  	v48 =	vld.idx.msk [tilespmem:v50+s15+$0x0], $0xffff  }
0x181: {  	v49 =	vor.u32 s1, v14  }
0x182: {  	v50 =	vor.u32 s2, v15;
	_ =	sdelay $0x3  }
0x183: {  	[tilespmem:v49+s16+$0x0] =	vst.idx.msk $0xffff, v48  }
0x184: {  	v48 =	vld.idx.msk [tilespmem:v50+s15+$0x0], $0xffff  }
0x185: {  	v49 =	vor.u32 s1, v16  }
0x186: {  	v50 =	vor.u32 s2, v17;
	_ =	sdelay $0x3  }
0x187: {  	[tilespmem:v49+s16+$0x0] =	vst.idx.msk $0xffff, v48  }
0x188: {  	v48 =	vld.idx.msk [tilespmem:v50+s15+$0x0], $0xffff  }
0x189: {  	v49 =	vor.u32 s1, v18  }
0x18a: {  	v50 =	vor.u32 s2, v19;
	_ =	sdelay $0x3  }
0x18b: {  	[tilespmem:v49+s16+$0x0] =	vst.idx.msk $0xffff, v48  }
0x18c: {  	v48 =	vld.idx.msk [tilespmem:v50+s15+$0x0], $0xffff  }
0x18d: {  	v49 =	vor.u32 s1, v20  }
0x18e: {  	v50 =	vor.u32 s2, v21;
	_ =	sdelay $0x3  }
0x18f: {  	[tilespmem:v49+s16+$0x0] =	vst.idx.msk $0xffff, v48  }
0x190: {  	v48 =	vld.idx.msk [tilespmem:v50+s15+$0x0], $0xffff  }
0x191: {  	v49 =	vor.u32 s1, v22  }
0x192: {  	v50 =	vor.u32 s2, v23;
	_ =	sdelay $0x3  }
0x193: {  	[tilespmem:v49+s16+$0x0] =	vst.idx.msk $0xffff, v48  }
0x194: {  	v48 =	vld.idx.msk [tilespmem:v50+s15+$0x0], $0xffff  }
0x195: {  	v49 =	vor.u32 s1, v24  }
0x196: {  	v50 =	vor.u32 s2, v25;
	_ =	sdelay $0x3  }
0x197: {  	[tilespmem:v49+s16+$0x0] =	vst.idx.msk $0xffff, v48  }
0x198: {  	v48 =	vld.idx.msk [tilespmem:v50+s15+$0x0], $0xffff  }
0x199: {  	v49 =	vor.u32 s1, v26  }
0x19a: {  	v50 =	vor.u32 s2, v27;
	_ =	sdelay $0x3  }
0x19b: {  	[tilespmem:v49+s16+$0x0] =	vst.idx.msk $0xffff, v48  }
0x19c: {  	v48 =	vld.idx.msk [tilespmem:v50+s15+$0x0], $0xffff  }
0x19d: {  	v49 =	vor.u32 s1, v28  }
0x19e: {  	v50 =	vor.u32 s2, v29;
	_ =	sdelay $0x3  }
0x19f: {  	[tilespmem:v49+s16+$0x0] =	vst.idx.msk $0xffff, v48  }
0x1a0: {  	v48 =	vld.idx.msk [tilespmem:v50+s15+$0x0], $0xffff  }
0x1a1: {  	v49 =	vor.u32 s1, v30  }
0x1a2: {  	v50 =	vor.u32 s2, v47;
	_ =	sdelay $0x3  }
0x1a3: {  	[tilespmem:v49+s16+$0x0] =	vst.idx.msk $0xffff, v48  }
0x1a4: {  	s7 =	sadd.s32 $0x10, s1;
	v48 =	vld.idx.msk [tilespmem:v50+s15+$0x0], $0xffff  }
0x1a5: {  	v49 =	vor.u32 s7, v46  }
0x1a6: {  	v50 =	vor.u32 s2, v31;
	_ =	sdelay $0x3  }
0x1a7: {  	[tilespmem:v49+s16+$0x0] =	vst.idx.msk $0xffff, v48  }
0x1a8: {  	v48 =	vld.idx.msk [tilespmem:v50+s15+$0x0], $0xffff  }
0x1a9: {  	v49 =	vor.u32 s7, v2  }
0x1aa: {  	v50 =	vor.u32 s2, v32;
	_ =	sdelay $0x3  }
0x1ab: {  	[tilespmem:v49+s16+$0x0] =	vst.idx.msk $0xffff, v48  }
0x1ac: {  	v48 =	vld.idx.msk [tilespmem:v50+s15+$0x0], $0xffff  }
0x1ad: {  	v49 =	vor.u32 s7, v4  }
0x1ae: {  	v50 =	vor.u32 s2, v33;
	_ =	sdelay $0x3  }
0x1af: {  	[tilespmem:v49+s16+$0x0] =	vst.idx.msk $0xffff, v48  }
0x1b0: {  	v48 =	vld.idx.msk [tilespmem:v50+s15+$0x0], $0xffff  }
0x1b1: {  	v49 =	vor.u32 s7, v6  }
0x1b2: {  	v50 =	vor.u32 s2, v34;
	_ =	sdelay $0x3  }
0x1b3: {  	[tilespmem:v49+s16+$0x0] =	vst.idx.msk $0xffff, v48  }
0x1b4: {  	v48 =	vld.idx.msk [tilespmem:v50+s15+$0x0], $0xffff  }
0x1b5: {  	v49 =	vor.u32 s7, v8  }
0x1b6: {  	v50 =	vor.u32 s2, v35;
	_ =	sdelay $0x3  }
0x1b7: {  	[tilespmem:v49+s16+$0x0] =	vst.idx.msk $0xffff, v48  }
0x1b8: {  	v48 =	vld.idx.msk [tilespmem:v50+s15+$0x0], $0xffff  }
0x1b9: {  	v49 =	vor.u32 s7, v10  }
0x1ba: {  	v50 =	vor.u32 s2, v36;
	_ =	sdelay $0x3  }
0x1bb: {  	[tilespmem:v49+s16+$0x0] =	vst.idx.msk $0xffff, v48  }
0x1bc: {  	v48 =	vld.idx.msk [tilespmem:v50+s15+$0x0], $0xffff  }
0x1bd: {  	v49 =	vor.u32 s7, v12  }
0x1be: {  	v50 =	vor.u32 s2, v37;
	_ =	sdelay $0x3  }
0x1bf: {  	[tilespmem:v49+s16+$0x0] =	vst.idx.msk $0xffff, v48  }
0x1c0: {  	v48 =	vld.idx.msk [tilespmem:v50+s15+$0x0], $0xffff  }
0x1c1: {  	v49 =	vor.u32 s7, v14  }
0x1c2: {  	v50 =	vor.u32 s2, v38;
	_ =	sdelay $0x3  }
0x1c3: {  	[tilespmem:v49+s16+$0x0] =	vst.idx.msk $0xffff, v48  }
0x1c4: {  	v48 =	vld.idx.msk [tilespmem:v50+s15+$0x0], $0xffff  }
0x1c5: {  	v49 =	vor.u32 s7, v16  }
0x1c6: {  	v50 =	vor.u32 s2, v39;
	_ =	sdelay $0x3  }
0x1c7: {  	[tilespmem:v49+s16+$0x0] =	vst.idx.msk $0xffff, v48  }
0x1c8: {  	v48 =	vld.idx.msk [tilespmem:v50+s15+$0x0], $0xffff  }
0x1c9: {  	v49 =	vor.u32 s7, v18  }
0x1ca: {  	v50 =	vor.u32 s2, v40;
	_ =	sdelay $0x3  }
0x1cb: {  	[tilespmem:v49+s16+$0x0] =	vst.idx.msk $0xffff, v48  }
0x1cc: {  	v48 =	vld.idx.msk [tilespmem:v50+s15+$0x0], $0xffff  }
0x1cd: {  	v49 =	vor.u32 s7, v20  }
0x1ce: {  	v50 =	vor.u32 s2, v41;
	_ =	sdelay $0x3  }
0x1cf: {  	[tilespmem:v49+s16+$0x0] =	vst.idx.msk $0xffff, v48  }
0x1d0: {  	v48 =	vld.idx.msk [tilespmem:v50+s15+$0x0], $0xffff  }
0x1d1: {  	v49 =	vor.u32 s7, v22  }
0x1d2: {  	v50 =	vor.u32 s2, v42;
	_ =	sdelay $0x3  }
0x1d3: {  	[tilespmem:v49+s16+$0x0] =	vst.idx.msk $0xffff, v48  }
0x1d4: {  	v48 =	vld.idx.msk [tilespmem:v50+s15+$0x0], $0xffff  }
0x1d5: {  	v49 =	vor.u32 s7, v24  }
0x1d6: {  	v50 =	vor.u32 s2, v43;
	_ =	sdelay $0x3  }
0x1d7: {  	[tilespmem:v49+s16+$0x0] =	vst.idx.msk $0xffff, v48  }
0x1d8: {  	v48 =	vld.idx.msk [tilespmem:v50+s15+$0x0], $0xffff  }
0x1d9: {  	v49 =	vor.u32 s7, v26  }
0x1da: {  	v50 =	vor.u32 s2, v44;
	_ =	sdelay $0x3  }
0x1db: {  	[tilespmem:v49+s16+$0x0] =	vst.idx.msk $0xffff, v48  }
0x1dc: {  	v48 =	vld.idx.msk [tilespmem:v50+s15+$0x0], $0xffff  }
0x1dd: {  	v49 =	vor.u32 s7, v28  }
0x1de: {  	v50 =	vor.u32 s2, v45;
	s2 =	smov.u32 s3;
	_ =	sdelay $0x2  }
.Ltmp3:
0x1df: {  	(pc) =	sbr.rel @p2 .LBB2_3-.Ltmp3, $4  }
0x1e0: {  	[tilespmem:v49+s16+$0x0] =	vst.idx.msk $0xffff, v48  }
0x1e1: {  	v48 =	vld.idx.msk [tilespmem:v50+s15+$0x0], $0xffff  }
0x1e2: {  	v50 =	vor.u32 s7, v30  }
0x1e3: {  	s3 =	sadd.s32 $0x10, s3;
	v49 =	vor.u32 s2, v0  }
0x1e4: {  	_ =	sdelay $0x3  }
0x1e5: {  	s1 =	sadd.s32 $0x200, s1;
	[tilespmem:v50+s16+$0x0] =	vst.idx.msk $0xffff, v48  }
0x1e6: {  	v61 =	vor.u32 s1, v46;
	v48 =	vld.idx.msk [tilespmem:v49+s15+$0x0], $0xffff  }
0x1e7: {  	v62 =	vor.u32 s2, v1;
	_ =	sdelay $0x3  }
0x1e8: {  	[tilespmem:v61+s16+$0x0] =	vst.idx.msk $0xffff, v48  }
0x1e9: {  	v63 =	vor.u32 s1, v2;
	v48 =	vld.idx.msk [tilespmem:v62+s15+$0x0], $0xffff  }
0x1ea: {  	v52 =	vor.u32 s2, v3;
	_ =	sdelay $0x3  }
0x1eb: {  	[tilespmem:v63+s16+$0x0] =	vst.idx.msk $0xffff, v48  }
0x1ec: {  	v53 =	vor.u32 s1, v4;
	v48 =	vld.idx.msk [tilespmem:v52+s15+$0x0], $0xffff  }
0x1ed: {  	v54 =	vor.u32 s2, v5;
	_ =	sdelay $0x3  }
0x1ee: {  	[tilespmem:v53+s16+$0x0] =	vst.idx.msk $0xffff, v48  }
0x1ef: {  	v55 =	vor.u32 s1, v6;
	v48 =	vld.idx.msk [tilespmem:v54+s15+$0x0], $0xffff  }
0x1f0: {  	v56 =	vor.u32 s2, v7;
	_ =	sdelay $0x3  }
0x1f1: {  	[tilespmem:v55+s16+$0x0] =	vst.idx.msk $0xffff, v48  }
0x1f2: {  	v57 =	vor.u32 s1, v8;
	v48 =	vld.idx.msk [tilespmem:v56+s15+$0x0], $0xffff  }
0x1f3: {  	v58 =	vor.u32 s2, v9;
	_ =	sdelay $0x3  }
0x1f4: {  	[tilespmem:v57+s16+$0x0] =	vst.idx.msk $0xffff, v48  }
0x1f5: {  	v59 =	vor.u32 s1, v10;
	v48 =	vld.idx.msk [tilespmem:v58+s15+$0x0], $0xffff  }
0x1f6: {  	v60 =	vor.u32 s2, v11;
	_ =	sdelay $0x3  }
0x1f7: {  	[tilespmem:v59+s16+$0x0] =	vst.idx.msk $0xffff, v48  }
0x1f8: {  	v61 =	vor.u32 s1, v12;
	v48 =	vld.idx.msk [tilespmem:v60+s15+$0x0], $0xffff  }
0x1f9: {  	v62 =	vor.u32 s2, v13;
	_ =	sdelay $0x3  }
0x1fa: {  	[tilespmem:v61+s16+$0x0] =	vst.idx.msk $0xffff, v48  }
0x1fb: {  	v63 =	vor.u32 s1, v14;
	v48 =	vld.idx.msk [tilespmem:v62+s15+$0x0], $0xffff  }
0x1fc: {  	v52 =	vor.u32 s2, v15;
	_ =	sdelay $0x3  }
0x1fd: {  	[tilespmem:v63+s16+$0x0] =	vst.idx.msk $0xffff, v48  }
0x1fe: {  	v53 =	vor.u32 s1, v16;
	v48 =	vld.idx.msk [tilespmem:v52+s15+$0x0], $0xffff  }
0x1ff: {  	v54 =	vor.u32 s2, v17;
	_ =	sdelay $0x3  }
0x200: {  	[tilespmem:v53+s16+$0x0] =	vst.idx.msk $0xffff, v48  }
0x201: {  	v55 =	vor.u32 s1, v18;
	v48 =	vld.idx.msk [tilespmem:v54+s15+$0x0], $0xffff  }
0x202: {  	v56 =	vor.u32 s2, v19;
	_ =	sdelay $0x3  }
0x203: {  	[tilespmem:v55+s16+$0x0] =	vst.idx.msk $0xffff, v48  }
0x204: {  	v57 =	vor.u32 s1, v20;
	v48 =	vld.idx.msk [tilespmem:v56+s15+$0x0], $0xffff  }
0x205: {  	v58 =	vor.u32 s2, v21;
	_ =	sdelay $0x3  }
0x206: {  	[tilespmem:v57+s16+$0x0] =	vst.idx.msk $0xffff, v48  }
0x207: {  	v59 =	vor.u32 s1, v22;
	v48 =	vld.idx.msk [tilespmem:v58+s15+$0x0], $0xffff  }
0x208: {  	v60 =	vor.u32 s2, v23;
	_ =	sdelay $0x3  }
0x209: {  	[tilespmem:v59+s16+$0x0] =	vst.idx.msk $0xffff, v48  }
0x20a: {  	v61 =	vor.u32 s1, v24;
	v48 =	vld.idx.msk [tilespmem:v60+s15+$0x0], $0xffff  }
0x20b: {  	v62 =	vor.u32 s2, v25;
	_ =	sdelay $0x3  }
0x20c: {  	[tilespmem:v61+s16+$0x0] =	vst.idx.msk $0xffff, v48  }
0x20d: {  	v63 =	vor.u32 s1, v26;
	v48 =	vld.idx.msk [tilespmem:v62+s15+$0x0], $0xffff  }
0x20e: {  	v52 =	vor.u32 s2, v27;
	_ =	sdelay $0x3  }
0x20f: {  	[tilespmem:v63+s16+$0x0] =	vst.idx.msk $0xffff, v48  }
0x210: {  	v53 =	vor.u32 s1, v28;
	v48 =	vld.idx.msk [tilespmem:v52+s15+$0x0], $0xffff  }
0x211: {  	v54 =	vor.u32 s2, v29;
	_ =	sdelay $0x3  }
0x212: {  	[tilespmem:v53+s16+$0x0] =	vst.idx.msk $0xffff, v48  }
0x213: {  	v55 =	vor.u32 s1, v30;
	v48 =	vld.idx.msk [tilespmem:v54+s15+$0x0], $0xffff  }
0x214: {  	v56 =	vor.u32 s2, v47;
	_ =	sdelay $0x3  }
0x215: {  	s1 =	sadd.s32 $0x10, s1;
	[tilespmem:v55+s16+$0x0] =	vst.idx.msk $0xffff, v48  }
0x216: {  	v57 =	vor.u32 s1, v46;
	v48 =	vld.idx.msk [tilespmem:v56+s15+$0x0], $0xffff  }
0x217: {  	v58 =	vor.u32 s2, v31;
	_ =	sdelay $0x3  }
0x218: {  	[tilespmem:v57+s16+$0x0] =	vst.idx.msk $0xffff, v48  }
0x219: {  	v59 =	vor.u32 s1, v2;
	v48 =	vld.idx.msk [tilespmem:v58+s15+$0x0], $0xffff  }
0x21a: {  	v60 =	vor.u32 s2, v32;
	_ =	sdelay $0x3  }
0x21b: {  	[tilespmem:v59+s16+$0x0] =	vst.idx.msk $0xffff, v48  }
0x21c: {  	v61 =	vor.u32 s1, v4;
	v48 =	vld.idx.msk [tilespmem:v60+s15+$0x0], $0xffff  }
0x21d: {  	v62 =	vor.u32 s2, v33;
	_ =	sdelay $0x3  }
0x21e: {  	[tilespmem:v61+s16+$0x0] =	vst.idx.msk $0xffff, v48  }
0x21f: {  	v63 =	vor.u32 s1, v6;
	v48 =	vld.idx.msk [tilespmem:v62+s15+$0x0], $0xffff  }
0x220: {  	v52 =	vor.u32 s2, v34;
	_ =	sdelay $0x3  }
0x221: {  	[tilespmem:v63+s16+$0x0] =	vst.idx.msk $0xffff, v48  }
0x222: {  	v53 =	vor.u32 s1, v8;
	v48 =	vld.idx.msk [tilespmem:v52+s15+$0x0], $0xffff  }
0x223: {  	v54 =	vor.u32 s2, v35;
	_ =	sdelay $0x3  }
0x224: {  	[tilespmem:v53+s16+$0x0] =	vst.idx.msk $0xffff, v48  }
0x225: {  	v55 =	vor.u32 s1, v10;
	v48 =	vld.idx.msk [tilespmem:v54+s15+$0x0], $0xffff  }
0x226: {  	v56 =	vor.u32 s2, v36;
	_ =	sdelay $0x3  }
0x227: {  	[tilespmem:v55+s16+$0x0] =	vst.idx.msk $0xffff, v48  }
0x228: {  	v57 =	vor.u32 s1, v12;
	v48 =	vld.idx.msk [tilespmem:v56+s15+$0x0], $0xffff  }
0x229: {  	v58 =	vor.u32 s2, v37;
	_ =	sdelay $0x3  }
0x22a: {  	[tilespmem:v57+s16+$0x0] =	vst.idx.msk $0xffff, v48  }
0x22b: {  	v59 =	vor.u32 s1, v14;
	v48 =	vld.idx.msk [tilespmem:v58+s15+$0x0], $0xffff  }
0x22c: {  	v60 =	vor.u32 s2, v38;
	_ =	sdelay $0x3  }
0x22d: {  	[tilespmem:v59+s16+$0x0] =	vst.idx.msk $0xffff, v48  }
0x22e: {  	v61 =	vor.u32 s1, v16;
	v48 =	vld.idx.msk [tilespmem:v60+s15+$0x0], $0xffff  }
0x22f: {  	v62 =	vor.u32 s2, v39;
	_ =	sdelay $0x3  }
0x230: {  	[tilespmem:v61+s16+$0x0] =	vst.idx.msk $0xffff, v48  }
0x231: {  	v63 =	vor.u32 s1, v18;
	v48 =	vld.idx.msk [tilespmem:v62+s15+$0x0], $0xffff  }
0x232: {  	v52 =	vor.u32 s2, v40;
	_ =	sdelay $0x3  }
0x233: {  	[tilespmem:v63+s16+$0x0] =	vst.idx.msk $0xffff, v48  }
0x234: {  	v53 =	vor.u32 s1, v20;
	v48 =	vld.idx.msk [tilespmem:v52+s15+$0x0], $0xffff  }
0x235: {  	v54 =	vor.u32 s2, v41;
	_ =	sdelay $0x3  }
0x236: {  	[tilespmem:v53+s16+$0x0] =	vst.idx.msk $0xffff, v48  }
0x237: {  	v55 =	vor.u32 s1, v22;
	v48 =	vld.idx.msk [tilespmem:v54+s15+$0x0], $0xffff  }
0x238: {  	v56 =	vor.u32 s2, v42;
	_ =	sdelay $0x3  }
0x239: {  	[tilespmem:v55+s16+$0x0] =	vst.idx.msk $0xffff, v48  }
0x23a: {  	v57 =	vor.u32 s1, v24;
	v48 =	vld.idx.msk [tilespmem:v56+s15+$0x0], $0xffff  }
0x23b: {  	v58 =	vor.u32 s2, v43;
	_ =	sdelay $0x3  }
0x23c: {  	[tilespmem:v57+s16+$0x0] =	vst.idx.msk $0xffff, v48  }
0x23d: {  	v59 =	vor.u32 s1, v26;
	v48 =	vld.idx.msk [tilespmem:v58+s15+$0x0], $0xffff  }
0x23e: {  	v60 =	vor.u32 s2, v44;
	_ =	sdelay $0x3  }
0x23f: {  	[tilespmem:v59+s16+$0x0] =	vst.idx.msk $0xffff, v48  }
0x240: {  	v61 =	vor.u32 s1, v28;
	v48 =	vld.idx.msk [tilespmem:v60+s15+$0x0], $0xffff  }
0x241: {  	v62 =	vor.u32 s2, v45;
	_ =	sdelay $0x3  }
0x242: {  	[tilespmem:v61+s16+$0x0] =	vst.idx.msk $0xffff, v48  }
0x243: {  	v63 =	vor.u32 s1, v30;
	v48 =	vld.idx.msk [tilespmem:v62+s15+$0x0], $0xffff;
	_ =	sdelay $0x4  }
0x244: {  	s31 =	rddreg [dreg:$0x4];
	[tilespmem:v63+s16+$0x0] =	vst.idx.msk $0xffff, v48  }
0x245: {  	[hbm4b:s31+s5] =	stream.linear.scatter [tilespmem:s16], [sflag:$0x5], $0x800, $0x38;
	[tilespmem:$0x5800] =	vst v63  }
0x246: {  	_ =	swait.ge [sflag:s17], $0x800  }
0x247: {  	[sflag:s17] =	ssyncset.done $0x0  }
0x248: {  	[sflag:s17] =	ssyncadd.s32 $0xFFFFF800  }
.LBB2_5:
0x249: {  	[tilespmem:s29], [sflag:$0x1] =	stream.strided.gather [hbm4b:s8+s18], $0x1000, s19, s18, $0x38;
	[tilespmem:$0x5800] =	vst v63  }
0x24a: {  	s30 =	simm.s32 $0x0  }
0x24b: {  	[tilespmem:s20], [sflag:$0x2] =	stream.strided.gather [hbm4b:s9+s18], $0x1000, s19, s18, $0x38;
	[tilespmem:$0x5800] =	vst v63  }
.LBB2_6:
0x24c: {  	_ =	swait.ge [sflag:s21], $0x1000  }
0x24d: {  	p2 =	seq.s32 s30, $0x0;
	v48 =	vor.u32 s29, v0;
	[sflag:s21] =	ssyncset.done $0x0  }
0x24e: {  	s1 =	simm.s32 @!p2 $0x3;
	[sflag:s21] =	ssyncadd.s32 $0xFFFFF000  }
0x24f: {  	_ =	swait.ge @!p2 [sflag:s1], $0x1000  }
0x250: {  	[sflag:s1] =	ssyncset.done @!p2 $0x0  }
0x251: {  	[sflag:s1] =	ssyncadd.s32 @!p2 $0xFFFFF000  }
0x252: {  	v49 =	vor.u32 s29, v46;
	v48 =	vld.idx.msk [tilespmem:v48+s5+$0x0], $0xffff  }
0x253: {  	v50 =	vor.u32 s29, v1;
	_ =	sdelay $0x3  }
0x254: {  	[tilespmem:v49+s22+$0x0] =	vst.idx.msk $0xffff, v48  }
0x255: {  	v52 =	vor.u32 s29, v2;
	v48 =	vld.idx.msk [tilespmem:v50+s5+$0x0], $0xffff  }
0x256: {  	v53 =	vor.u32 s29, v3;
	_ =	sdelay $0x3  }
0x257: {  	[tilespmem:v52+s22+$0x0] =	vst.idx.msk $0xffff, v48  }
0x258: {  	v54 =	vor.u32 s29, v4;
	v48 =	vld.idx.msk [tilespmem:v53+s5+$0x0], $0xffff  }
0x259: {  	v55 =	vor.u32 s29, v5;
	_ =	sdelay $0x3  }
0x25a: {  	[tilespmem:v54+s22+$0x0] =	vst.idx.msk $0xffff, v48  }
0x25b: {  	v56 =	vor.u32 s29, v6;
	v48 =	vld.idx.msk [tilespmem:v55+s5+$0x0], $0xffff  }
0x25c: {  	v57 =	vor.u32 s29, v7;
	_ =	sdelay $0x3  }
0x25d: {  	[tilespmem:v56+s22+$0x0] =	vst.idx.msk $0xffff, v48  }
0x25e: {  	v58 =	vor.u32 s29, v8;
	v48 =	vld.idx.msk [tilespmem:v57+s5+$0x0], $0xffff  }
0x25f: {  	v59 =	vor.u32 s29, v9;
	_ =	sdelay $0x3  }
0x260: {  	[tilespmem:v58+s22+$0x0] =	vst.idx.msk $0xffff, v48  }
0x261: {  	v60 =	vor.u32 s29, v10;
	v48 =	vld.idx.msk [tilespmem:v59+s5+$0x0], $0xffff  }
0x262: {  	v61 =	vor.u32 s29, v11;
	_ =	sdelay $0x3  }
0x263: {  	[tilespmem:v60+s22+$0x0] =	vst.idx.msk $0xffff, v48  }
0x264: {  	v62 =	vor.u32 s29, v12;
	v48 =	vld.idx.msk [tilespmem:v61+s5+$0x0], $0xffff  }
0x265: {  	v63 =	vor.u32 s29, v13;
	_ =	sdelay $0x3  }
0x266: {  	[tilespmem:v62+s22+$0x0] =	vst.idx.msk $0xffff, v48  }
0x267: {  	v52 =	vor.u32 s29, v14;
	v48 =	vld.idx.msk [tilespmem:v63+s5+$0x0], $0xffff  }
0x268: {  	v53 =	vor.u32 s29, v15;
	_ =	sdelay $0x3  }
0x269: {  	[tilespmem:v52+s22+$0x0] =	vst.idx.msk $0xffff, v48  }
0x26a: {  	v54 =	vor.u32 s29, v16;
	v48 =	vld.idx.msk [tilespmem:v53+s5+$0x0], $0xffff  }
0x26b: {  	v55 =	vor.u32 s29, v17;
	_ =	sdelay $0x3  }
0x26c: {  	[tilespmem:v54+s22+$0x0] =	vst.idx.msk $0xffff, v48  }
0x26d: {  	v56 =	vor.u32 s29, v18;
	v48 =	vld.idx.msk [tilespmem:v55+s5+$0x0], $0xffff  }
0x26e: {  	v57 =	vor.u32 s29, v19;
	_ =	sdelay $0x3  }
0x26f: {  	[tilespmem:v56+s22+$0x0] =	vst.idx.msk $0xffff, v48  }
0x270: {  	v58 =	vor.u32 s29, v20;
	v48 =	vld.idx.msk [tilespmem:v57+s5+$0x0], $0xffff  }
0x271: {  	v59 =	vor.u32 s29, v21;
	_ =	sdelay $0x3  }
0x272: {  	[tilespmem:v58+s22+$0x0] =	vst.idx.msk $0xffff, v48  }
0x273: {  	v60 =	vor.u32 s29, v22;
	v48 =	vld.idx.msk [tilespmem:v59+s5+$0x0], $0xffff  }
0x274: {  	v61 =	vor.u32 s29, v23;
	_ =	sdelay $0x3  }
0x275: {  	[tilespmem:v60+s22+$0x0] =	vst.idx.msk $0xffff, v48  }
0x276: {  	v62 =	vor.u32 s29, v24;
	v48 =	vld.idx.msk [tilespmem:v61+s5+$0x0], $0xffff  }
0x277: {  	v63 =	vor.u32 s29, v25;
	_ =	sdelay $0x3  }
0x278: {  	[tilespmem:v62+s22+$0x0] =	vst.idx.msk $0xffff, v48  }
0x279: {  	v52 =	vor.u32 s29, v26;
	v48 =	vld.idx.msk [tilespmem:v63+s5+$0x0], $0xffff  }
0x27a: {  	v53 =	vor.u32 s29, v27;
	_ =	sdelay $0x3  }
0x27b: {  	[tilespmem:v52+s22+$0x0] =	vst.idx.msk $0xffff, v48  }
0x27c: {  	v54 =	vor.u32 s29, v28;
	v48 =	vld.idx.msk [tilespmem:v53+s5+$0x0], $0xffff  }
0x27d: {  	v55 =	vor.u32 s29, v29;
	_ =	sdelay $0x3  }
0x27e: {  	[tilespmem:v54+s22+$0x0] =	vst.idx.msk $0xffff, v48  }
0x27f: {  	v56 =	vor.u32 s29, v30;
	v48 =	vld.idx.msk [tilespmem:v55+s5+$0x0], $0xffff  }
0x280: {  	v57 =	vor.u32 s29, v47;
	_ =	sdelay $0x3  }
0x281: {  	s3 =	simm.s32 $0x10;
	[tilespmem:v56+s22+$0x0] =	vst.idx.msk $0xffff, v48  }
0x282: {  	v58 =	vor.u32 s3, v46;
	v48 =	vld.idx.msk [tilespmem:v57+s5+$0x0], $0xffff  }
0x283: {  	v59 =	vor.u32 s29, v31;
	_ =	sdelay $0x3  }
0x284: {  	[tilespmem:v58+s22+$0x0] =	vst.idx.msk $0xffff, v48  }
0x285: {  	v60 =	vor.u32 s3, v2;
	v48 =	vld.idx.msk [tilespmem:v59+s5+$0x0], $0xffff  }
0x286: {  	v61 =	vor.u32 s29, v32;
	_ =	sdelay $0x3  }
0x287: {  	[tilespmem:v60+s22+$0x0] =	vst.idx.msk $0xffff, v48  }
0x288: {  	v62 =	vor.u32 s3, v4;
	v48 =	vld.idx.msk [tilespmem:v61+s5+$0x0], $0xffff  }
0x289: {  	v63 =	vor.u32 s29, v33;
	_ =	sdelay $0x3  }
0x28a: {  	[tilespmem:v62+s22+$0x0] =	vst.idx.msk $0xffff, v48  }
0x28b: {  	v52 =	vor.u32 s3, v6;
	v48 =	vld.idx.msk [tilespmem:v63+s5+$0x0], $0xffff  }
0x28c: {  	v53 =	vor.u32 s29, v34;
	_ =	sdelay $0x3  }
0x28d: {  	[tilespmem:v52+s22+$0x0] =	vst.idx.msk $0xffff, v48  }
0x28e: {  	v54 =	vor.u32 s3, v8;
	v48 =	vld.idx.msk [tilespmem:v53+s5+$0x0], $0xffff  }
0x28f: {  	v55 =	vor.u32 s29, v35;
	_ =	sdelay $0x3  }
0x290: {  	[tilespmem:v54+s22+$0x0] =	vst.idx.msk $0xffff, v48  }
0x291: {  	v56 =	vor.u32 s3, v10;
	v48 =	vld.idx.msk [tilespmem:v55+s5+$0x0], $0xffff  }
0x292: {  	v57 =	vor.u32 s29, v36;
	_ =	sdelay $0x3  }
0x293: {  	[tilespmem:v56+s22+$0x0] =	vst.idx.msk $0xffff, v48  }
0x294: {  	v58 =	vor.u32 s3, v12;
	v48 =	vld.idx.msk [tilespmem:v57+s5+$0x0], $0xffff  }
0x295: {  	v59 =	vor.u32 s29, v37;
	_ =	sdelay $0x3  }
0x296: {  	[tilespmem:v58+s22+$0x0] =	vst.idx.msk $0xffff, v48  }
0x297: {  	v60 =	vor.u32 s3, v14;
	v48 =	vld.idx.msk [tilespmem:v59+s5+$0x0], $0xffff  }
0x298: {  	v61 =	vor.u32 s29, v38;
	_ =	sdelay $0x3  }
0x299: {  	[tilespmem:v60+s22+$0x0] =	vst.idx.msk $0xffff, v48  }
0x29a: {  	v62 =	vor.u32 s3, v16;
	v48 =	vld.idx.msk [tilespmem:v61+s5+$0x0], $0xffff  }
0x29b: {  	v63 =	vor.u32 s29, v39;
	_ =	sdelay $0x3  }
0x29c: {  	[tilespmem:v62+s22+$0x0] =	vst.idx.msk $0xffff, v48  }
0x29d: {  	v52 =	vor.u32 s3, v18;
	v48 =	vld.idx.msk [tilespmem:v63+s5+$0x0], $0xffff  }
0x29e: {  	v53 =	vor.u32 s29, v40;
	_ =	sdelay $0x3  }
0x29f: {  	[tilespmem:v52+s22+$0x0] =	vst.idx.msk $0xffff, v48  }
0x2a0: {  	v54 =	vor.u32 s3, v20;
	v48 =	vld.idx.msk [tilespmem:v53+s5+$0x0], $0xffff  }
0x2a1: {  	v55 =	vor.u32 s29, v41;
	_ =	sdelay $0x3  }
0x2a2: {  	[tilespmem:v54+s22+$0x0] =	vst.idx.msk $0xffff, v48  }
0x2a3: {  	v56 =	vor.u32 s3, v22;
	v48 =	vld.idx.msk [tilespmem:v55+s5+$0x0], $0xffff  }
0x2a4: {  	v57 =	vor.u32 s29, v42;
	_ =	sdelay $0x3  }
0x2a5: {  	[tilespmem:v56+s22+$0x0] =	vst.idx.msk $0xffff, v48  }
0x2a6: {  	v58 =	vor.u32 s3, v24;
	v48 =	vld.idx.msk [tilespmem:v57+s5+$0x0], $0xffff  }
0x2a7: {  	v59 =	vor.u32 s29, v43;
	_ =	sdelay $0x3  }
0x2a8: {  	[tilespmem:v58+s22+$0x0] =	vst.idx.msk $0xffff, v48  }
0x2a9: {  	v60 =	vor.u32 s3, v26;
	v48 =	vld.idx.msk [tilespmem:v59+s5+$0x0], $0xffff  }
0x2aa: {  	v61 =	vor.u32 s29, v44;
	_ =	sdelay $0x3  }
0x2ab: {  	[tilespmem:v60+s22+$0x0] =	vst.idx.msk $0xffff, v48  }
0x2ac: {  	v62 =	vor.u32 s3, v28;
	v48 =	vld.idx.msk [tilespmem:v61+s5+$0x0], $0xffff  }
0x2ad: {  	v63 =	vor.u32 s29, v45;
	_ =	sdelay $0x3  }
0x2ae: {  	s12 =	sshll.u32 s30, $0x1;
	[tilespmem:v62+s22+$0x0] =	vst.idx.msk $0xffff, v48  }
0x2af: {  	s31 =	sadd.s32 s6, s12;
	v50 =	vor.u32 s3, v30;
	v48 =	vld.idx.msk [tilespmem:v63+s5+$0x0], $0xffff  }
0x2b0: {  	s7 =	simm.s32 $0x20;
	s2 =	sadd.s32 $0x2, s31;
	s1 =	simm.s32 $0x0;
	v49 =	vor.u32 s3, v0  }
.LBB2_7:
0x2b1: {  	p3 =	sne.s32 s7, $0x70;
	_ =	sdelay $0x2  }
0x2b2: {  	[tilespmem:v50+s22+$0x0] =	vst.idx.msk $0xffff, v48  }
0x2b3: {  	s1 =	sadd.s32 $0x200, s1;
	v48 =	vld.idx.msk [tilespmem:v49+s5+$0x0], $0xffff  }
0x2b4: {  	v49 =	vor.u32 s1, v46  }
0x2b5: {  	v50 =	vor.u32 s3, v1;
	_ =	sdelay $0x3  }
0x2b6: {  	[tilespmem:v49+s22+$0x0] =	vst.idx.msk $0xffff, v48  }
0x2b7: {  	v48 =	vld.idx.msk [tilespmem:v50+s5+$0x0], $0xffff  }
0x2b8: {  	v49 =	vor.u32 s1, v2  }
0x2b9: {  	v50 =	vor.u32 s3, v3;
	_ =	sdelay $0x3  }
0x2ba: {  	[tilespmem:v49+s22+$0x0] =	vst.idx.msk $0xffff, v48  }
0x2bb: {  	v48 =	vld.idx.msk [tilespmem:v50+s5+$0x0], $0xffff  }
0x2bc: {  	v49 =	vor.u32 s1, v4  }
0x2bd: {  	v50 =	vor.u32 s3, v5;
	_ =	sdelay $0x3  }
0x2be: {  	[tilespmem:v49+s22+$0x0] =	vst.idx.msk $0xffff, v48  }
0x2bf: {  	v48 =	vld.idx.msk [tilespmem:v50+s5+$0x0], $0xffff  }
0x2c0: {  	v49 =	vor.u32 s1, v6  }
0x2c1: {  	v50 =	vor.u32 s3, v7;
	_ =	sdelay $0x3  }
0x2c2: {  	[tilespmem:v49+s22+$0x0] =	vst.idx.msk $0xffff, v48  }
0x2c3: {  	v48 =	vld.idx.msk [tilespmem:v50+s5+$0x0], $0xffff  }
0x2c4: {  	v49 =	vor.u32 s1, v8  }
0x2c5: {  	v50 =	vor.u32 s3, v9;
	_ =	sdelay $0x3  }
0x2c6: {  	[tilespmem:v49+s22+$0x0] =	vst.idx.msk $0xffff, v48  }
0x2c7: {  	v48 =	vld.idx.msk [tilespmem:v50+s5+$0x0], $0xffff  }
0x2c8: {  	v49 =	vor.u32 s1, v10  }
0x2c9: {  	v50 =	vor.u32 s3, v11;
	_ =	sdelay $0x3  }
0x2ca: {  	[tilespmem:v49+s22+$0x0] =	vst.idx.msk $0xffff, v48  }
0x2cb: {  	v48 =	vld.idx.msk [tilespmem:v50+s5+$0x0], $0xffff  }
0x2cc: {  	v49 =	vor.u32 s1, v12  }
0x2cd: {  	v50 =	vor.u32 s3, v13;
	_ =	sdelay $0x3  }
0x2ce: {  	[tilespmem:v49+s22+$0x0] =	vst.idx.msk $0xffff, v48  }
0x2cf: {  	v48 =	vld.idx.msk [tilespmem:v50+s5+$0x0], $0xffff  }
0x2d0: {  	v49 =	vor.u32 s1, v14  }
0x2d1: {  	v50 =	vor.u32 s3, v15;
	_ =	sdelay $0x3  }
0x2d2: {  	[tilespmem:v49+s22+$0x0] =	vst.idx.msk $0xffff, v48  }
0x2d3: {  	v48 =	vld.idx.msk [tilespmem:v50+s5+$0x0], $0xffff  }
0x2d4: {  	v49 =	vor.u32 s1, v16  }
0x2d5: {  	v50 =	vor.u32 s3, v17;
	_ =	sdelay $0x3  }
0x2d6: {  	[tilespmem:v49+s22+$0x0] =	vst.idx.msk $0xffff, v48  }
0x2d7: {  	v48 =	vld.idx.msk [tilespmem:v50+s5+$0x0], $0xffff  }
0x2d8: {  	v49 =	vor.u32 s1, v18  }
0x2d9: {  	v50 =	vor.u32 s3, v19;
	_ =	sdelay $0x3  }
0x2da: {  	[tilespmem:v49+s22+$0x0] =	vst.idx.msk $0xffff, v48  }
0x2db: {  	v48 =	vld.idx.msk [tilespmem:v50+s5+$0x0], $0xffff  }
0x2dc: {  	v49 =	vor.u32 s1, v20  }
0x2dd: {  	v50 =	vor.u32 s3, v21;
	_ =	sdelay $0x3  }
0x2de: {  	[tilespmem:v49+s22+$0x0] =	vst.idx.msk $0xffff, v48  }
0x2df: {  	v48 =	vld.idx.msk [tilespmem:v50+s5+$0x0], $0xffff  }
0x2e0: {  	v49 =	vor.u32 s1, v22  }
0x2e1: {  	v50 =	vor.u32 s3, v23;
	_ =	sdelay $0x3  }
0x2e2: {  	[tilespmem:v49+s22+$0x0] =	vst.idx.msk $0xffff, v48  }
0x2e3: {  	v48 =	vld.idx.msk [tilespmem:v50+s5+$0x0], $0xffff  }
0x2e4: {  	v49 =	vor.u32 s1, v24  }
0x2e5: {  	v50 =	vor.u32 s3, v25;
	_ =	sdelay $0x3  }
0x2e6: {  	[tilespmem:v49+s22+$0x0] =	vst.idx.msk $0xffff, v48  }
0x2e7: {  	v48 =	vld.idx.msk [tilespmem:v50+s5+$0x0], $0xffff  }
0x2e8: {  	v49 =	vor.u32 s1, v26  }
0x2e9: {  	v50 =	vor.u32 s3, v27;
	_ =	sdelay $0x3  }
0x2ea: {  	[tilespmem:v49+s22+$0x0] =	vst.idx.msk $0xffff, v48  }
0x2eb: {  	v48 =	vld.idx.msk [tilespmem:v50+s5+$0x0], $0xffff  }
0x2ec: {  	v49 =	vor.u32 s1, v28  }
0x2ed: {  	v50 =	vor.u32 s3, v29;
	_ =	sdelay $0x3  }
0x2ee: {  	[tilespmem:v49+s22+$0x0] =	vst.idx.msk $0xffff, v48  }
0x2ef: {  	v48 =	vld.idx.msk [tilespmem:v50+s5+$0x0], $0xffff  }
0x2f0: {  	v49 =	vor.u32 s1, v30  }
0x2f1: {  	v50 =	vor.u32 s3, v47;
	_ =	sdelay $0x3  }
0x2f2: {  	[tilespmem:v49+s22+$0x0] =	vst.idx.msk $0xffff, v48  }
0x2f3: {  	s12 =	sadd.s32 $0x10, s1;
	v48 =	vld.idx.msk [tilespmem:v50+s5+$0x0], $0xffff  }
0x2f4: {  	v49 =	vor.u32 s12, v46  }
0x2f5: {  	v50 =	vor.u32 s3, v31;
	_ =	sdelay $0x3  }
0x2f6: {  	[tilespmem:v49+s22+$0x0] =	vst.idx.msk $0xffff, v48  }
0x2f7: {  	v48 =	vld.idx.msk [tilespmem:v50+s5+$0x0], $0xffff  }
0x2f8: {  	v49 =	vor.u32 s12, v2  }
0x2f9: {  	v50 =	vor.u32 s3, v32;
	_ =	sdelay $0x3  }
0x2fa: {  	[tilespmem:v49+s22+$0x0] =	vst.idx.msk $0xffff, v48  }
0x2fb: {  	v48 =	vld.idx.msk [tilespmem:v50+s5+$0x0], $0xffff  }
0x2fc: {  	v49 =	vor.u32 s12, v4  }
0x2fd: {  	v50 =	vor.u32 s3, v33;
	_ =	sdelay $0x3  }
0x2fe: {  	[tilespmem:v49+s22+$0x0] =	vst.idx.msk $0xffff, v48  }
0x2ff: {  	v48 =	vld.idx.msk [tilespmem:v50+s5+$0x0], $0xffff  }
0x300: {  	v49 =	vor.u32 s12, v6  }
0x301: {  	v50 =	vor.u32 s3, v34;
	_ =	sdelay $0x3  }
0x302: {  	[tilespmem:v49+s22+$0x0] =	vst.idx.msk $0xffff, v48  }
0x303: {  	v48 =	vld.idx.msk [tilespmem:v50+s5+$0x0], $0xffff  }
0x304: {  	v49 =	vor.u32 s12, v8  }
0x305: {  	v50 =	vor.u32 s3, v35;
	_ =	sdelay $0x3  }
0x306: {  	[tilespmem:v49+s22+$0x0] =	vst.idx.msk $0xffff, v48  }
0x307: {  	v48 =	vld.idx.msk [tilespmem:v50+s5+$0x0], $0xffff  }
0x308: {  	v49 =	vor.u32 s12, v10  }
0x309: {  	v50 =	vor.u32 s3, v36;
	_ =	sdelay $0x3  }
0x30a: {  	[tilespmem:v49+s22+$0x0] =	vst.idx.msk $0xffff, v48  }
0x30b: {  	v48 =	vld.idx.msk [tilespmem:v50+s5+$0x0], $0xffff  }
0x30c: {  	v49 =	vor.u32 s12, v12  }
0x30d: {  	v50 =	vor.u32 s3, v37;
	_ =	sdelay $0x3  }
0x30e: {  	[tilespmem:v49+s22+$0x0] =	vst.idx.msk $0xffff, v48  }
0x30f: {  	v48 =	vld.idx.msk [tilespmem:v50+s5+$0x0], $0xffff  }
0x310: {  	v49 =	vor.u32 s12, v14  }
0x311: {  	v50 =	vor.u32 s3, v38;
	_ =	sdelay $0x3  }
0x312: {  	[tilespmem:v49+s22+$0x0] =	vst.idx.msk $0xffff, v48  }
0x313: {  	v48 =	vld.idx.msk [tilespmem:v50+s5+$0x0], $0xffff  }
0x314: {  	v49 =	vor.u32 s12, v16  }
0x315: {  	v50 =	vor.u32 s3, v39;
	_ =	sdelay $0x3  }
0x316: {  	[tilespmem:v49+s22+$0x0] =	vst.idx.msk $0xffff, v48  }
0x317: {  	v48 =	vld.idx.msk [tilespmem:v50+s5+$0x0], $0xffff  }
0x318: {  	v49 =	vor.u32 s12, v18  }
0x319: {  	v50 =	vor.u32 s3, v40;
	_ =	sdelay $0x3  }
0x31a: {  	[tilespmem:v49+s22+$0x0] =	vst.idx.msk $0xffff, v48  }
0x31b: {  	v48 =	vld.idx.msk [tilespmem:v50+s5+$0x0], $0xffff  }
0x31c: {  	v49 =	vor.u32 s12, v20  }
0x31d: {  	v50 =	vor.u32 s3, v41;
	_ =	sdelay $0x3  }
0x31e: {  	[tilespmem:v49+s22+$0x0] =	vst.idx.msk $0xffff, v48  }
0x31f: {  	v48 =	vld.idx.msk [tilespmem:v50+s5+$0x0], $0xffff  }
0x320: {  	v49 =	vor.u32 s12, v22  }
0x321: {  	v50 =	vor.u32 s3, v42;
	_ =	sdelay $0x3  }
0x322: {  	[tilespmem:v49+s22+$0x0] =	vst.idx.msk $0xffff, v48  }
0x323: {  	v48 =	vld.idx.msk [tilespmem:v50+s5+$0x0], $0xffff  }
0x324: {  	v49 =	vor.u32 s12, v24  }
0x325: {  	v50 =	vor.u32 s3, v43;
	_ =	sdelay $0x3  }
0x326: {  	[tilespmem:v49+s22+$0x0] =	vst.idx.msk $0xffff, v48  }
0x327: {  	v48 =	vld.idx.msk [tilespmem:v50+s5+$0x0], $0xffff  }
0x328: {  	v49 =	vor.u32 s12, v26  }
0x329: {  	v50 =	vor.u32 s3, v44;
	_ =	sdelay $0x3  }
0x32a: {  	[tilespmem:v49+s22+$0x0] =	vst.idx.msk $0xffff, v48  }
0x32b: {  	v48 =	vld.idx.msk [tilespmem:v50+s5+$0x0], $0xffff  }
0x32c: {  	v49 =	vor.u32 s12, v28  }
0x32d: {  	v50 =	vor.u32 s3, v45;
	s3 =	smov.u32 s7;
	_ =	sdelay $0x2  }
.Ltmp4:
0x32e: {  	(pc) =	sbr.rel @p3 .LBB2_7-.Ltmp4, $4  }
0x32f: {  	[tilespmem:v49+s22+$0x0] =	vst.idx.msk $0xffff, v48  }
0x330: {  	v48 =	vld.idx.msk [tilespmem:v50+s5+$0x0], $0xffff  }
0x331: {  	v50 =	vor.u32 s12, v30  }
0x332: {  	s7 =	sadd.s32 $0x10, s7;
	v49 =	vor.u32 s3, v0  }
0x333: {  	_ =	sdelay $0x3  }
0x334: {  	s1 =	sadd.s32 $0x200, s1;
	[tilespmem:v50+s22+$0x0] =	vst.idx.msk $0xffff, v48  }
0x335: {  	v58 =	vor.u32 s1, v46;
	v48 =	vld.idx.msk [tilespmem:v49+s5+$0x0], $0xffff  }
0x336: {  	v59 =	vor.u32 s3, v1;
	_ =	sdelay $0x3  }
0x337: {  	[tilespmem:v58+s22+$0x0] =	vst.idx.msk $0xffff, v48  }
0x338: {  	v60 =	vor.u32 s1, v2;
	v48 =	vld.idx.msk [tilespmem:v59+s5+$0x0], $0xffff  }
0x339: {  	v61 =	vor.u32 s3, v3;
	_ =	sdelay $0x3  }
0x33a: {  	[tilespmem:v60+s22+$0x0] =	vst.idx.msk $0xffff, v48  }
0x33b: {  	v62 =	vor.u32 s1, v4;
	v48 =	vld.idx.msk [tilespmem:v61+s5+$0x0], $0xffff  }
0x33c: {  	v63 =	vor.u32 s3, v5;
	_ =	sdelay $0x3  }
0x33d: {  	[tilespmem:v62+s22+$0x0] =	vst.idx.msk $0xffff, v48  }
0x33e: {  	v52 =	vor.u32 s1, v6;
	v48 =	vld.idx.msk [tilespmem:v63+s5+$0x0], $0xffff  }
0x33f: {  	v53 =	vor.u32 s3, v7;
	_ =	sdelay $0x3  }
0x340: {  	[tilespmem:v52+s22+$0x0] =	vst.idx.msk $0xffff, v48  }
0x341: {  	v54 =	vor.u32 s1, v8;
	v48 =	vld.idx.msk [tilespmem:v53+s5+$0x0], $0xffff  }
0x342: {  	v55 =	vor.u32 s3, v9;
	_ =	sdelay $0x3  }
0x343: {  	[tilespmem:v54+s22+$0x0] =	vst.idx.msk $0xffff, v48  }
0x344: {  	v56 =	vor.u32 s1, v10;
	v48 =	vld.idx.msk [tilespmem:v55+s5+$0x0], $0xffff  }
0x345: {  	v57 =	vor.u32 s3, v11;
	_ =	sdelay $0x3  }
0x346: {  	[tilespmem:v56+s22+$0x0] =	vst.idx.msk $0xffff, v48  }
0x347: {  	v58 =	vor.u32 s1, v12;
	v48 =	vld.idx.msk [tilespmem:v57+s5+$0x0], $0xffff  }
0x348: {  	v59 =	vor.u32 s3, v13;
	_ =	sdelay $0x3  }
0x349: {  	[tilespmem:v58+s22+$0x0] =	vst.idx.msk $0xffff, v48  }
0x34a: {  	v60 =	vor.u32 s1, v14;
	v48 =	vld.idx.msk [tilespmem:v59+s5+$0x0], $0xffff  }
0x34b: {  	v61 =	vor.u32 s3, v15;
	_ =	sdelay $0x3  }
0x34c: {  	[tilespmem:v60+s22+$0x0] =	vst.idx.msk $0xffff, v48  }
0x34d: {  	v62 =	vor.u32 s1, v16;
	v48 =	vld.idx.msk [tilespmem:v61+s5+$0x0], $0xffff  }
0x34e: {  	v63 =	vor.u32 s3, v17;
	_ =	sdelay $0x3  }
0x34f: {  	[tilespmem:v62+s22+$0x0] =	vst.idx.msk $0xffff, v48  }
0x350: {  	v52 =	vor.u32 s1, v18;
	v48 =	vld.idx.msk [tilespmem:v63+s5+$0x0], $0xffff  }
0x351: {  	v53 =	vor.u32 s3, v19;
	_ =	sdelay $0x3  }
0x352: {  	[tilespmem:v52+s22+$0x0] =	vst.idx.msk $0xffff, v48  }
0x353: {  	v54 =	vor.u32 s1, v20;
	v48 =	vld.idx.msk [tilespmem:v53+s5+$0x0], $0xffff  }
0x354: {  	v55 =	vor.u32 s3, v21;
	_ =	sdelay $0x3  }
0x355: {  	[tilespmem:v54+s22+$0x0] =	vst.idx.msk $0xffff, v48  }
0x356: {  	v56 =	vor.u32 s1, v22;
	v48 =	vld.idx.msk [tilespmem:v55+s5+$0x0], $0xffff  }
0x357: {  	v57 =	vor.u32 s3, v23;
	_ =	sdelay $0x3  }
0x358: {  	[tilespmem:v56+s22+$0x0] =	vst.idx.msk $0xffff, v48  }
0x359: {  	v58 =	vor.u32 s1, v24;
	v48 =	vld.idx.msk [tilespmem:v57+s5+$0x0], $0xffff  }
0x35a: {  	v59 =	vor.u32 s3, v25;
	_ =	sdelay $0x3  }
0x35b: {  	[tilespmem:v58+s22+$0x0] =	vst.idx.msk $0xffff, v48  }
0x35c: {  	v60 =	vor.u32 s1, v26;
	v48 =	vld.idx.msk [tilespmem:v59+s5+$0x0], $0xffff  }
0x35d: {  	v61 =	vor.u32 s3, v27;
	_ =	sdelay $0x3  }
0x35e: {  	[tilespmem:v60+s22+$0x0] =	vst.idx.msk $0xffff, v48  }
0x35f: {  	v62 =	vor.u32 s1, v28;
	v48 =	vld.idx.msk [tilespmem:v61+s5+$0x0], $0xffff  }
0x360: {  	v63 =	vor.u32 s3, v29;
	_ =	sdelay $0x3  }
0x361: {  	[tilespmem:v62+s22+$0x0] =	vst.idx.msk $0xffff, v48  }
0x362: {  	v52 =	vor.u32 s1, v30;
	v48 =	vld.idx.msk [tilespmem:v63+s5+$0x0], $0xffff  }
0x363: {  	v53 =	vor.u32 s3, v47;
	_ =	sdelay $0x3  }
0x364: {  	s1 =	sadd.s32 $0x10, s1;
	[tilespmem:v52+s22+$0x0] =	vst.idx.msk $0xffff, v48  }
0x365: {  	v54 =	vor.u32 s1, v46;
	v48 =	vld.idx.msk [tilespmem:v53+s5+$0x0], $0xffff  }
0x366: {  	v55 =	vor.u32 s3, v31;
	_ =	sdelay $0x3  }
0x367: {  	[tilespmem:v54+s22+$0x0] =	vst.idx.msk $0xffff, v48  }
0x368: {  	v56 =	vor.u32 s1, v2;
	v48 =	vld.idx.msk [tilespmem:v55+s5+$0x0], $0xffff  }
0x369: {  	v57 =	vor.u32 s3, v32;
	_ =	sdelay $0x3  }
0x36a: {  	[tilespmem:v56+s22+$0x0] =	vst.idx.msk $0xffff, v48  }
0x36b: {  	v58 =	vor.u32 s1, v4;
	v48 =	vld.idx.msk [tilespmem:v57+s5+$0x0], $0xffff  }
0x36c: {  	v59 =	vor.u32 s3, v33;
	_ =	sdelay $0x3  }
0x36d: {  	[tilespmem:v58+s22+$0x0] =	vst.idx.msk $0xffff, v48  }
0x36e: {  	v60 =	vor.u32 s1, v6;
	v48 =	vld.idx.msk [tilespmem:v59+s5+$0x0], $0xffff  }
0x36f: {  	v61 =	vor.u32 s3, v34;
	_ =	sdelay $0x3  }
0x370: {  	[tilespmem:v60+s22+$0x0] =	vst.idx.msk $0xffff, v48  }
0x371: {  	v62 =	vor.u32 s1, v8;
	v48 =	vld.idx.msk [tilespmem:v61+s5+$0x0], $0xffff  }
0x372: {  	v63 =	vor.u32 s3, v35;
	_ =	sdelay $0x3  }
0x373: {  	[tilespmem:v62+s22+$0x0] =	vst.idx.msk $0xffff, v48  }
0x374: {  	v52 =	vor.u32 s1, v10;
	v48 =	vld.idx.msk [tilespmem:v63+s5+$0x0], $0xffff  }
0x375: {  	v53 =	vor.u32 s3, v36;
	_ =	sdelay $0x3  }
0x376: {  	[tilespmem:v52+s22+$0x0] =	vst.idx.msk $0xffff, v48  }
0x377: {  	v54 =	vor.u32 s1, v12;
	v48 =	vld.idx.msk [tilespmem:v53+s5+$0x0], $0xffff  }
0x378: {  	v55 =	vor.u32 s3, v37;
	_ =	sdelay $0x3  }
0x379: {  	[tilespmem:v54+s22+$0x0] =	vst.idx.msk $0xffff, v48  }
0x37a: {  	v56 =	vor.u32 s1, v14;
	v48 =	vld.idx.msk [tilespmem:v55+s5+$0x0], $0xffff  }
0x37b: {  	v57 =	vor.u32 s3, v38;
	_ =	sdelay $0x3  }
0x37c: {  	[tilespmem:v56+s22+$0x0] =	vst.idx.msk $0xffff, v48  }
0x37d: {  	v58 =	vor.u32 s1, v16;
	v48 =	vld.idx.msk [tilespmem:v57+s5+$0x0], $0xffff  }
0x37e: {  	v59 =	vor.u32 s3, v39;
	_ =	sdelay $0x3  }
0x37f: {  	[tilespmem:v58+s22+$0x0] =	vst.idx.msk $0xffff, v48  }
0x380: {  	v60 =	vor.u32 s1, v18;
	v48 =	vld.idx.msk [tilespmem:v59+s5+$0x0], $0xffff  }
0x381: {  	v61 =	vor.u32 s3, v40;
	_ =	sdelay $0x3  }
0x382: {  	[tilespmem:v60+s22+$0x0] =	vst.idx.msk $0xffff, v48  }
0x383: {  	v62 =	vor.u32 s1, v20;
	v48 =	vld.idx.msk [tilespmem:v61+s5+$0x0], $0xffff  }
0x384: {  	v63 =	vor.u32 s3, v41;
	_ =	sdelay $0x3  }
0x385: {  	[tilespmem:v62+s22+$0x0] =	vst.idx.msk $0xffff, v48  }
0x386: {  	v52 =	vor.u32 s1, v22;
	v48 =	vld.idx.msk [tilespmem:v63+s5+$0x0], $0xffff  }
0x387: {  	v53 =	vor.u32 s3, v42;
	_ =	sdelay $0x3  }
0x388: {  	[tilespmem:v52+s22+$0x0] =	vst.idx.msk $0xffff, v48  }
0x389: {  	v54 =	vor.u32 s1, v24;
	v48 =	vld.idx.msk [tilespmem:v53+s5+$0x0], $0xffff  }
0x38a: {  	v55 =	vor.u32 s3, v43;
	_ =	sdelay $0x3  }
0x38b: {  	[tilespmem:v54+s22+$0x0] =	vst.idx.msk $0xffff, v48  }
0x38c: {  	v56 =	vor.u32 s1, v26;
	v48 =	vld.idx.msk [tilespmem:v55+s5+$0x0], $0xffff  }
0x38d: {  	v57 =	vor.u32 s3, v44;
	_ =	sdelay $0x3  }
0x38e: {  	[tilespmem:v56+s22+$0x0] =	vst.idx.msk $0xffff, v48  }
0x38f: {  	v58 =	vor.u32 s1, v28;
	v48 =	vld.idx.msk [tilespmem:v57+s5+$0x0], $0xffff  }
0x390: {  	v59 =	vor.u32 s3, v45;
	_ =	sdelay $0x3  }
0x391: {  	[tilespmem:v58+s22+$0x0] =	vst.idx.msk $0xffff, v48  }
0x392: {  	v60 =	vor.u32 s1, v30;
	v48 =	vld.idx.msk [tilespmem:v59+s5+$0x0], $0xffff;
	_ =	sdelay $0x2  }
0x393: {  	p3 =	sge.u32 s2, s10  }
0x394: {  	s3 =	sshll.u32 s31, $0x9;
	s1 =	sshll.u32 @!p3 s2, $0x7  }
0x395: {  	s7 =	simm.s32 @!p3 $0x7A1400;
	s12 =	sadd.s32 s4, s3;
	s1 =	sand.u32 @!p3 $0x1FFFFF00, s1;
	[tilespmem:v60+s22+$0x0] =	vst.idx.msk $0xffff, v48  }
0x396: {  	[hbm4b:s12+s5] =	stream.linear.scatter [tilespmem:s22], [sflag:$0x3], $0x1000, $0x38;
	[tilespmem:$0x5800] =	vst v63  }
0x397: {  	s2 =	simm.s32 @!p3 $0x400;
	s1 =	sadd.s32 @!p3 s0, s1;
	s12 =	simm.s32 @!p3 $0x0  }
0x398: {  	[tilespmem:s12], [sflag:$0x1] =	stream.strided.gather @!p3 [hbm4b:s1+s2], $0x1000, s7, s2, $0x38;
	[tilespmem:$0x5800] =	vst v63  }
0x399: {  	s1 =	simm.s32 $0x0;
	_ =	swait.ge [sflag:s23], $0x1000  }
0x39a: {  	v61 =	vor.u32 s1, v0;
	[sflag:s23] =	ssyncset.done $0x0  }
0x39b: {  	s2 =	simm.s32 @!p2 $0x4;
	[sflag:s23] =	ssyncadd.s32 $0xFFFFF000  }
0x39c: {  	_ =	swait.ge @!p2 [sflag:s2], $0x1000  }
0x39d: {  	[sflag:s2] =	ssyncset.done @!p2 $0x0  }
0x39e: {  	[sflag:s2] =	ssyncadd.s32 @!p2 $0xFFFFF000  }
0x39f: {  	v62 =	vor.u32 s1, v46;
	v48 =	vld.idx.msk [tilespmem:v61+s20+$0x0], $0xffff  }
0x3a0: {  	v63 =	vor.u32 s1, v1;
	_ =	sdelay $0x3  }
0x3a1: {  	[tilespmem:v62+s24+$0x0] =	vst.idx.msk $0xffff, v48  }
0x3a2: {  	v52 =	vor.u32 s1, v2;
	v48 =	vld.idx.msk [tilespmem:v63+s20+$0x0], $0xffff  }
0x3a3: {  	v53 =	vor.u32 s1, v3;
	_ =	sdelay $0x3  }
0x3a4: {  	[tilespmem:v52+s24+$0x0] =	vst.idx.msk $0xffff, v48  }
0x3a5: {  	v54 =	vor.u32 s1, v4;
	v48 =	vld.idx.msk [tilespmem:v53+s20+$0x0], $0xffff  }
0x3a6: {  	v55 =	vor.u32 s1, v5;
	_ =	sdelay $0x3  }
0x3a7: {  	[tilespmem:v54+s24+$0x0] =	vst.idx.msk $0xffff, v48  }
0x3a8: {  	v56 =	vor.u32 s1, v6;
	v48 =	vld.idx.msk [tilespmem:v55+s20+$0x0], $0xffff  }
0x3a9: {  	v57 =	vor.u32 s1, v7;
	_ =	sdelay $0x3  }
0x3aa: {  	[tilespmem:v56+s24+$0x0] =	vst.idx.msk $0xffff, v48  }
0x3ab: {  	v58 =	vor.u32 s1, v8;
	v48 =	vld.idx.msk [tilespmem:v57+s20+$0x0], $0xffff  }
0x3ac: {  	v59 =	vor.u32 s1, v9;
	_ =	sdelay $0x3  }
0x3ad: {  	[tilespmem:v58+s24+$0x0] =	vst.idx.msk $0xffff, v48  }
0x3ae: {  	v60 =	vor.u32 s1, v10;
	v48 =	vld.idx.msk [tilespmem:v59+s20+$0x0], $0xffff  }
0x3af: {  	v61 =	vor.u32 s1, v11;
	_ =	sdelay $0x3  }
0x3b0: {  	[tilespmem:v60+s24+$0x0] =	vst.idx.msk $0xffff, v48  }
0x3b1: {  	v62 =	vor.u32 s1, v12;
	v48 =	vld.idx.msk [tilespmem:v61+s20+$0x0], $0xffff  }
0x3b2: {  	v63 =	vor.u32 s1, v13;
	_ =	sdelay $0x3  }
0x3b3: {  	[tilespmem:v62+s24+$0x0] =	vst.idx.msk $0xffff, v48  }
0x3b4: {  	v52 =	vor.u32 s1, v14;
	v48 =	vld.idx.msk [tilespmem:v63+s20+$0x0], $0xffff  }
0x3b5: {  	v53 =	vor.u32 s1, v15;
	_ =	sdelay $0x3  }
0x3b6: {  	[tilespmem:v52+s24+$0x0] =	vst.idx.msk $0xffff, v48  }
0x3b7: {  	v54 =	vor.u32 s1, v16;
	v48 =	vld.idx.msk [tilespmem:v53+s20+$0x0], $0xffff  }
0x3b8: {  	v55 =	vor.u32 s1, v17;
	_ =	sdelay $0x3  }
0x3b9: {  	[tilespmem:v54+s24+$0x0] =	vst.idx.msk $0xffff, v48  }
0x3ba: {  	v56 =	vor.u32 s1, v18;
	v48 =	vld.idx.msk [tilespmem:v55+s20+$0x0], $0xffff  }
0x3bb: {  	v57 =	vor.u32 s1, v19;
	_ =	sdelay $0x3  }
0x3bc: {  	[tilespmem:v56+s24+$0x0] =	vst.idx.msk $0xffff, v48  }
0x3bd: {  	v58 =	vor.u32 s1, v20;
	v48 =	vld.idx.msk [tilespmem:v57+s20+$0x0], $0xffff  }
0x3be: {  	v59 =	vor.u32 s1, v21;
	_ =	sdelay $0x3  }
0x3bf: {  	[tilespmem:v58+s24+$0x0] =	vst.idx.msk $0xffff, v48  }
0x3c0: {  	v60 =	vor.u32 s1, v22;
	v48 =	vld.idx.msk [tilespmem:v59+s20+$0x0], $0xffff  }
0x3c1: {  	v61 =	vor.u32 s1, v23;
	_ =	sdelay $0x3  }
0x3c2: {  	[tilespmem:v60+s24+$0x0] =	vst.idx.msk $0xffff, v48  }
0x3c3: {  	v62 =	vor.u32 s1, v24;
	v48 =	vld.idx.msk [tilespmem:v61+s20+$0x0], $0xffff  }
0x3c4: {  	v63 =	vor.u32 s1, v25;
	_ =	sdelay $0x3  }
0x3c5: {  	[tilespmem:v62+s24+$0x0] =	vst.idx.msk $0xffff, v48  }
0x3c6: {  	v52 =	vor.u32 s1, v26;
	v48 =	vld.idx.msk [tilespmem:v63+s20+$0x0], $0xffff  }
0x3c7: {  	v53 =	vor.u32 s1, v27;
	_ =	sdelay $0x3  }
0x3c8: {  	[tilespmem:v52+s24+$0x0] =	vst.idx.msk $0xffff, v48  }
0x3c9: {  	v54 =	vor.u32 s1, v28;
	v48 =	vld.idx.msk [tilespmem:v53+s20+$0x0], $0xffff  }
0x3ca: {  	v55 =	vor.u32 s1, v29;
	_ =	sdelay $0x3  }
0x3cb: {  	[tilespmem:v54+s24+$0x0] =	vst.idx.msk $0xffff, v48  }
0x3cc: {  	v56 =	vor.u32 s1, v30;
	v48 =	vld.idx.msk [tilespmem:v55+s20+$0x0], $0xffff  }
0x3cd: {  	v57 =	vor.u32 s1, v47;
	_ =	sdelay $0x3  }
0x3ce: {  	s2 =	simm.s32 $0x10;
	[tilespmem:v56+s24+$0x0] =	vst.idx.msk $0xffff, v48  }
0x3cf: {  	v58 =	vor.u32 s2, v46;
	v48 =	vld.idx.msk [tilespmem:v57+s20+$0x0], $0xffff  }
0x3d0: {  	v59 =	vor.u32 s1, v31;
	_ =	sdelay $0x3  }
0x3d1: {  	[tilespmem:v58+s24+$0x0] =	vst.idx.msk $0xffff, v48  }
0x3d2: {  	v60 =	vor.u32 s2, v2;
	v48 =	vld.idx.msk [tilespmem:v59+s20+$0x0], $0xffff  }
0x3d3: {  	v61 =	vor.u32 s1, v32;
	_ =	sdelay $0x3  }
0x3d4: {  	[tilespmem:v60+s24+$0x0] =	vst.idx.msk $0xffff, v48  }
0x3d5: {  	v62 =	vor.u32 s2, v4;
	v48 =	vld.idx.msk [tilespmem:v61+s20+$0x0], $0xffff  }
0x3d6: {  	v63 =	vor.u32 s1, v33;
	_ =	sdelay $0x3  }
0x3d7: {  	[tilespmem:v62+s24+$0x0] =	vst.idx.msk $0xffff, v48  }
0x3d8: {  	v52 =	vor.u32 s2, v6;
	v48 =	vld.idx.msk [tilespmem:v63+s20+$0x0], $0xffff  }
0x3d9: {  	v53 =	vor.u32 s1, v34;
	_ =	sdelay $0x3  }
0x3da: {  	[tilespmem:v52+s24+$0x0] =	vst.idx.msk $0xffff, v48  }
0x3db: {  	v54 =	vor.u32 s2, v8;
	v48 =	vld.idx.msk [tilespmem:v53+s20+$0x0], $0xffff  }
0x3dc: {  	v55 =	vor.u32 s1, v35;
	_ =	sdelay $0x3  }
0x3dd: {  	[tilespmem:v54+s24+$0x0] =	vst.idx.msk $0xffff, v48  }
0x3de: {  	v56 =	vor.u32 s2, v10;
	v48 =	vld.idx.msk [tilespmem:v55+s20+$0x0], $0xffff  }
0x3df: {  	v57 =	vor.u32 s1, v36;
	_ =	sdelay $0x3  }
0x3e0: {  	[tilespmem:v56+s24+$0x0] =	vst.idx.msk $0xffff, v48  }
0x3e1: {  	v58 =	vor.u32 s2, v12;
	v48 =	vld.idx.msk [tilespmem:v57+s20+$0x0], $0xffff  }
0x3e2: {  	v59 =	vor.u32 s1, v37;
	_ =	sdelay $0x3  }
0x3e3: {  	[tilespmem:v58+s24+$0x0] =	vst.idx.msk $0xffff, v48  }
0x3e4: {  	v60 =	vor.u32 s2, v14;
	v48 =	vld.idx.msk [tilespmem:v59+s20+$0x0], $0xffff  }
0x3e5: {  	v61 =	vor.u32 s1, v38;
	_ =	sdelay $0x3  }
0x3e6: {  	[tilespmem:v60+s24+$0x0] =	vst.idx.msk $0xffff, v48  }
0x3e7: {  	v62 =	vor.u32 s2, v16;
	v48 =	vld.idx.msk [tilespmem:v61+s20+$0x0], $0xffff  }
0x3e8: {  	v63 =	vor.u32 s1, v39;
	_ =	sdelay $0x3  }
0x3e9: {  	[tilespmem:v62+s24+$0x0] =	vst.idx.msk $0xffff, v48  }
0x3ea: {  	v52 =	vor.u32 s2, v18;
	v48 =	vld.idx.msk [tilespmem:v63+s20+$0x0], $0xffff  }
0x3eb: {  	v53 =	vor.u32 s1, v40;
	_ =	sdelay $0x3  }
0x3ec: {  	[tilespmem:v52+s24+$0x0] =	vst.idx.msk $0xffff, v48  }
0x3ed: {  	v54 =	vor.u32 s2, v20;
	v48 =	vld.idx.msk [tilespmem:v53+s20+$0x0], $0xffff  }
0x3ee: {  	v55 =	vor.u32 s1, v41;
	_ =	sdelay $0x3  }
0x3ef: {  	[tilespmem:v54+s24+$0x0] =	vst.idx.msk $0xffff, v48  }
0x3f0: {  	v56 =	vor.u32 s2, v22;
	v48 =	vld.idx.msk [tilespmem:v55+s20+$0x0], $0xffff  }
0x3f1: {  	v57 =	vor.u32 s1, v42;
	_ =	sdelay $0x3  }
0x3f2: {  	[tilespmem:v56+s24+$0x0] =	vst.idx.msk $0xffff, v48  }
0x3f3: {  	v58 =	vor.u32 s2, v24;
	v48 =	vld.idx.msk [tilespmem:v57+s20+$0x0], $0xffff  }
0x3f4: {  	v59 =	vor.u32 s1, v43;
	_ =	sdelay $0x3  }
0x3f5: {  	[tilespmem:v58+s24+$0x0] =	vst.idx.msk $0xffff, v48  }
0x3f6: {  	v60 =	vor.u32 s2, v26;
	v48 =	vld.idx.msk [tilespmem:v59+s20+$0x0], $0xffff  }
0x3f7: {  	v61 =	vor.u32 s1, v44;
	_ =	sdelay $0x3  }
0x3f8: {  	[tilespmem:v60+s24+$0x0] =	vst.idx.msk $0xffff, v48  }
0x3f9: {  	v62 =	vor.u32 s2, v28;
	v48 =	vld.idx.msk [tilespmem:v61+s20+$0x0], $0xffff  }
0x3fa: {  	v63 =	vor.u32 s1, v45;
	_ =	sdelay $0x3  }
0x3fb: {  	[tilespmem:v62+s24+$0x0] =	vst.idx.msk $0xffff, v48  }
0x3fc: {  	v50 =	vor.u32 s2, v30;
	v48 =	vld.idx.msk [tilespmem:v63+s20+$0x0], $0xffff  }
0x3fd: {  	s31 =	sadd.s32 $0x3, s31;
	s7 =	simm.s32 $0x20;
	v49 =	vor.u32 s2, v0  }
.LBB2_9:
0x3fe: {  	p2 =	sne.s32 s7, $0x70;
	_ =	sdelay $0x2  }
0x3ff: {  	[tilespmem:v50+s24+$0x0] =	vst.idx.msk $0xffff, v48  }
0x400: {  	s1 =	sadd.s32 $0x200, s1;
	v48 =	vld.idx.msk [tilespmem:v49+s20+$0x0], $0xffff  }
0x401: {  	v49 =	vor.u32 s1, v46  }
0x402: {  	v50 =	vor.u32 s2, v1;
	_ =	sdelay $0x3  }
0x403: {  	[tilespmem:v49+s24+$0x0] =	vst.idx.msk $0xffff, v48  }
0x404: {  	v48 =	vld.idx.msk [tilespmem:v50+s20+$0x0], $0xffff  }
0x405: {  	v49 =	vor.u32 s1, v2  }
0x406: {  	v50 =	vor.u32 s2, v3;
	_ =	sdelay $0x3  }
0x407: {  	[tilespmem:v49+s24+$0x0] =	vst.idx.msk $0xffff, v48  }
0x408: {  	v48 =	vld.idx.msk [tilespmem:v50+s20+$0x0], $0xffff  }
0x409: {  	v49 =	vor.u32 s1, v4  }
0x40a: {  	v50 =	vor.u32 s2, v5;
	_ =	sdelay $0x3  }
0x40b: {  	[tilespmem:v49+s24+$0x0] =	vst.idx.msk $0xffff, v48  }
0x40c: {  	v48 =	vld.idx.msk [tilespmem:v50+s20+$0x0], $0xffff  }
0x40d: {  	v49 =	vor.u32 s1, v6  }
0x40e: {  	v50 =	vor.u32 s2, v7;
	_ =	sdelay $0x3  }
0x40f: {  	[tilespmem:v49+s24+$0x0] =	vst.idx.msk $0xffff, v48  }
0x410: {  	v48 =	vld.idx.msk [tilespmem:v50+s20+$0x0], $0xffff  }
0x411: {  	v49 =	vor.u32 s1, v8  }
0x412: {  	v50 =	vor.u32 s2, v9;
	_ =	sdelay $0x3  }
0x413: {  	[tilespmem:v49+s24+$0x0] =	vst.idx.msk $0xffff, v48  }
0x414: {  	v48 =	vld.idx.msk [tilespmem:v50+s20+$0x0], $0xffff  }
0x415: {  	v49 =	vor.u32 s1, v10  }
0x416: {  	v50 =	vor.u32 s2, v11;
	_ =	sdelay $0x3  }
0x417: {  	[tilespmem:v49+s24+$0x0] =	vst.idx.msk $0xffff, v48  }
0x418: {  	v48 =	vld.idx.msk [tilespmem:v50+s20+$0x0], $0xffff  }
0x419: {  	v49 =	vor.u32 s1, v12  }
0x41a: {  	v50 =	vor.u32 s2, v13;
	_ =	sdelay $0x3  }
0x41b: {  	[tilespmem:v49+s24+$0x0] =	vst.idx.msk $0xffff, v48  }
0x41c: {  	v48 =	vld.idx.msk [tilespmem:v50+s20+$0x0], $0xffff  }
0x41d: {  	v49 =	vor.u32 s1, v14  }
0x41e: {  	v50 =	vor.u32 s2, v15;
	_ =	sdelay $0x3  }
0x41f: {  	[tilespmem:v49+s24+$0x0] =	vst.idx.msk $0xffff, v48  }
0x420: {  	v48 =	vld.idx.msk [tilespmem:v50+s20+$0x0], $0xffff  }
0x421: {  	v49 =	vor.u32 s1, v16  }
0x422: {  	v50 =	vor.u32 s2, v17;
	_ =	sdelay $0x3  }
0x423: {  	[tilespmem:v49+s24+$0x0] =	vst.idx.msk $0xffff, v48  }
0x424: {  	v48 =	vld.idx.msk [tilespmem:v50+s20+$0x0], $0xffff  }
0x425: {  	v49 =	vor.u32 s1, v18  }
0x426: {  	v50 =	vor.u32 s2, v19;
	_ =	sdelay $0x3  }
0x427: {  	[tilespmem:v49+s24+$0x0] =	vst.idx.msk $0xffff, v48  }
0x428: {  	v48 =	vld.idx.msk [tilespmem:v50+s20+$0x0], $0xffff  }
0x429: {  	v49 =	vor.u32 s1, v20  }
0x42a: {  	v50 =	vor.u32 s2, v21;
	_ =	sdelay $0x3  }
0x42b: {  	[tilespmem:v49+s24+$0x0] =	vst.idx.msk $0xffff, v48  }
0x42c: {  	v48 =	vld.idx.msk [tilespmem:v50+s20+$0x0], $0xffff  }
0x42d: {  	v49 =	vor.u32 s1, v22  }
0x42e: {  	v50 =	vor.u32 s2, v23;
	_ =	sdelay $0x3  }
0x42f: {  	[tilespmem:v49+s24+$0x0] =	vst.idx.msk $0xffff, v48  }
0x430: {  	v48 =	vld.idx.msk [tilespmem:v50+s20+$0x0], $0xffff  }
0x431: {  	v49 =	vor.u32 s1, v24  }
0x432: {  	v50 =	vor.u32 s2, v25;
	_ =	sdelay $0x3  }
0x433: {  	[tilespmem:v49+s24+$0x0] =	vst.idx.msk $0xffff, v48  }
0x434: {  	v48 =	vld.idx.msk [tilespmem:v50+s20+$0x0], $0xffff  }
0x435: {  	v49 =	vor.u32 s1, v26  }
0x436: {  	v50 =	vor.u32 s2, v27;
	_ =	sdelay $0x3  }
0x437: {  	[tilespmem:v49+s24+$0x0] =	vst.idx.msk $0xffff, v48  }
0x438: {  	v48 =	vld.idx.msk [tilespmem:v50+s20+$0x0], $0xffff  }
0x439: {  	v49 =	vor.u32 s1, v28  }
0x43a: {  	v50 =	vor.u32 s2, v29;
	_ =	sdelay $0x3  }
0x43b: {  	[tilespmem:v49+s24+$0x0] =	vst.idx.msk $0xffff, v48  }
0x43c: {  	v48 =	vld.idx.msk [tilespmem:v50+s20+$0x0], $0xffff  }
0x43d: {  	v49 =	vor.u32 s1, v30  }
0x43e: {  	v50 =	vor.u32 s2, v47;
	_ =	sdelay $0x3  }
0x43f: {  	[tilespmem:v49+s24+$0x0] =	vst.idx.msk $0xffff, v48  }
0x440: {  	s12 =	sadd.s32 $0x10, s1;
	v48 =	vld.idx.msk [tilespmem:v50+s20+$0x0], $0xffff  }
0x441: {  	v49 =	vor.u32 s12, v46  }
0x442: {  	v50 =	vor.u32 s2, v31;
	_ =	sdelay $0x3  }
0x443: {  	[tilespmem:v49+s24+$0x0] =	vst.idx.msk $0xffff, v48  }
0x444: {  	v48 =	vld.idx.msk [tilespmem:v50+s20+$0x0], $0xffff  }
0x445: {  	v49 =	vor.u32 s12, v2  }
0x446: {  	v50 =	vor.u32 s2, v32;
	_ =	sdelay $0x3  }
0x447: {  	[tilespmem:v49+s24+$0x0] =	vst.idx.msk $0xffff, v48  }
0x448: {  	v48 =	vld.idx.msk [tilespmem:v50+s20+$0x0], $0xffff  }
0x449: {  	v49 =	vor.u32 s12, v4  }
0x44a: {  	v50 =	vor.u32 s2, v33;
	_ =	sdelay $0x3  }
0x44b: {  	[tilespmem:v49+s24+$0x0] =	vst.idx.msk $0xffff, v48  }
0x44c: {  	v48 =	vld.idx.msk [tilespmem:v50+s20+$0x0], $0xffff  }
0x44d: {  	v49 =	vor.u32 s12, v6  }
0x44e: {  	v50 =	vor.u32 s2, v34;
	_ =	sdelay $0x3  }
0x44f: {  	[tilespmem:v49+s24+$0x0] =	vst.idx.msk $0xffff, v48  }
0x450: {  	v48 =	vld.idx.msk [tilespmem:v50+s20+$0x0], $0xffff  }
0x451: {  	v49 =	vor.u32 s12, v8  }
0x452: {  	v50 =	vor.u32 s2, v35;
	_ =	sdelay $0x3  }
0x453: {  	[tilespmem:v49+s24+$0x0] =	vst.idx.msk $0xffff, v48  }
0x454: {  	v48 =	vld.idx.msk [tilespmem:v50+s20+$0x0], $0xffff  }
0x455: {  	v49 =	vor.u32 s12, v10  }
0x456: {  	v50 =	vor.u32 s2, v36;
	_ =	sdelay $0x3  }
0x457: {  	[tilespmem:v49+s24+$0x0] =	vst.idx.msk $0xffff, v48  }
0x458: {  	v48 =	vld.idx.msk [tilespmem:v50+s20+$0x0], $0xffff  }
0x459: {  	v49 =	vor.u32 s12, v12  }
0x45a: {  	v50 =	vor.u32 s2, v37;
	_ =	sdelay $0x3  }
0x45b: {  	[tilespmem:v49+s24+$0x0] =	vst.idx.msk $0xffff, v48  }
0x45c: {  	v48 =	vld.idx.msk [tilespmem:v50+s20+$0x0], $0xffff  }
0x45d: {  	v49 =	vor.u32 s12, v14  }
0x45e: {  	v50 =	vor.u32 s2, v38;
	_ =	sdelay $0x3  }
0x45f: {  	[tilespmem:v49+s24+$0x0] =	vst.idx.msk $0xffff, v48  }
0x460: {  	v48 =	vld.idx.msk [tilespmem:v50+s20+$0x0], $0xffff  }
0x461: {  	v49 =	vor.u32 s12, v16  }
0x462: {  	v50 =	vor.u32 s2, v39;
	_ =	sdelay $0x3  }
0x463: {  	[tilespmem:v49+s24+$0x0] =	vst.idx.msk $0xffff, v48  }
0x464: {  	v48 =	vld.idx.msk [tilespmem:v50+s20+$0x0], $0xffff  }
0x465: {  	v49 =	vor.u32 s12, v18  }
0x466: {  	v50 =	vor.u32 s2, v40;
	_ =	sdelay $0x3  }
0x467: {  	[tilespmem:v49+s24+$0x0] =	vst.idx.msk $0xffff, v48  }
0x468: {  	v48 =	vld.idx.msk [tilespmem:v50+s20+$0x0], $0xffff  }
0x469: {  	v49 =	vor.u32 s12, v20  }
0x46a: {  	v50 =	vor.u32 s2, v41;
	_ =	sdelay $0x3  }
0x46b: {  	[tilespmem:v49+s24+$0x0] =	vst.idx.msk $0xffff, v48  }
0x46c: {  	v48 =	vld.idx.msk [tilespmem:v50+s20+$0x0], $0xffff  }
0x46d: {  	v49 =	vor.u32 s12, v22  }
0x46e: {  	v50 =	vor.u32 s2, v42;
	_ =	sdelay $0x3  }
0x46f: {  	[tilespmem:v49+s24+$0x0] =	vst.idx.msk $0xffff, v48  }
0x470: {  	v48 =	vld.idx.msk [tilespmem:v50+s20+$0x0], $0xffff  }
0x471: {  	v49 =	vor.u32 s12, v24  }
0x472: {  	v50 =	vor.u32 s2, v43;
	_ =	sdelay $0x3  }
0x473: {  	[tilespmem:v49+s24+$0x0] =	vst.idx.msk $0xffff, v48  }
0x474: {  	v48 =	vld.idx.msk [tilespmem:v50+s20+$0x0], $0xffff  }
0x475: {  	v49 =	vor.u32 s12, v26  }
0x476: {  	v50 =	vor.u32 s2, v44;
	_ =	sdelay $0x3  }
0x477: {  	[tilespmem:v49+s24+$0x0] =	vst.idx.msk $0xffff, v48  }
0x478: {  	v48 =	vld.idx.msk [tilespmem:v50+s20+$0x0], $0xffff  }
0x479: {  	v49 =	vor.u32 s12, v28  }
0x47a: {  	v50 =	vor.u32 s2, v45;
	s2 =	smov.u32 s7;
	_ =	sdelay $0x2  }
.Ltmp5:
0x47b: {  	(pc) =	sbr.rel @p2 .LBB2_9-.Ltmp5, $4  }
0x47c: {  	[tilespmem:v49+s24+$0x0] =	vst.idx.msk $0xffff, v48  }
0x47d: {  	v48 =	vld.idx.msk [tilespmem:v50+s20+$0x0], $0xffff  }
0x47e: {  	v50 =	vor.u32 s12, v30  }
0x47f: {  	s7 =	sadd.s32 $0x10, s7;
	v49 =	vor.u32 s2, v0  }
0x480: {  	_ =	sdelay $0x3  }
0x481: {  	s1 =	sadd.s32 $0x200, s1;
	[tilespmem:v50+s24+$0x0] =	vst.idx.msk $0xffff, v48  }
0x482: {  	v61 =	vor.u32 s1, v46;
	v48 =	vld.idx.msk [tilespmem:v49+s20+$0x0], $0xffff  }
0x483: {  	v62 =	vor.u32 s2, v1;
	_ =	sdelay $0x3  }
0x484: {  	[tilespmem:v61+s24+$0x0] =	vst.idx.msk $0xffff, v48  }
0x485: {  	v63 =	vor.u32 s1, v2;
	v48 =	vld.idx.msk [tilespmem:v62+s20+$0x0], $0xffff  }
0x486: {  	v52 =	vor.u32 s2, v3;
	_ =	sdelay $0x3  }
0x487: {  	[tilespmem:v63+s24+$0x0] =	vst.idx.msk $0xffff, v48  }
0x488: {  	v53 =	vor.u32 s1, v4;
	v48 =	vld.idx.msk [tilespmem:v52+s20+$0x0], $0xffff  }
0x489: {  	v54 =	vor.u32 s2, v5;
	_ =	sdelay $0x3  }
0x48a: {  	[tilespmem:v53+s24+$0x0] =	vst.idx.msk $0xffff, v48  }
0x48b: {  	v55 =	vor.u32 s1, v6;
	v48 =	vld.idx.msk [tilespmem:v54+s20+$0x0], $0xffff  }
0x48c: {  	v56 =	vor.u32 s2, v7;
	_ =	sdelay $0x3  }
0x48d: {  	[tilespmem:v55+s24+$0x0] =	vst.idx.msk $0xffff, v48  }
0x48e: {  	v57 =	vor.u32 s1, v8;
	v48 =	vld.idx.msk [tilespmem:v56+s20+$0x0], $0xffff  }
0x48f: {  	v58 =	vor.u32 s2, v9;
	_ =	sdelay $0x3  }
0x490: {  	[tilespmem:v57+s24+$0x0] =	vst.idx.msk $0xffff, v48  }
0x491: {  	v59 =	vor.u32 s1, v10;
	v48 =	vld.idx.msk [tilespmem:v58+s20+$0x0], $0xffff  }
0x492: {  	v60 =	vor.u32 s2, v11;
	_ =	sdelay $0x3  }
0x493: {  	[tilespmem:v59+s24+$0x0] =	vst.idx.msk $0xffff, v48  }
0x494: {  	v61 =	vor.u32 s1, v12;
	v48 =	vld.idx.msk [tilespmem:v60+s20+$0x0], $0xffff  }
0x495: {  	v62 =	vor.u32 s2, v13;
	_ =	sdelay $0x3  }
0x496: {  	[tilespmem:v61+s24+$0x0] =	vst.idx.msk $0xffff, v48  }
0x497: {  	v63 =	vor.u32 s1, v14;
	v48 =	vld.idx.msk [tilespmem:v62+s20+$0x0], $0xffff  }
0x498: {  	v52 =	vor.u32 s2, v15;
	_ =	sdelay $0x3  }
0x499: {  	[tilespmem:v63+s24+$0x0] =	vst.idx.msk $0xffff, v48  }
0x49a: {  	v53 =	vor.u32 s1, v16;
	v48 =	vld.idx.msk [tilespmem:v52+s20+$0x0], $0xffff  }
0x49b: {  	v54 =	vor.u32 s2, v17;
	_ =	sdelay $0x3  }
0x49c: {  	[tilespmem:v53+s24+$0x0] =	vst.idx.msk $0xffff, v48  }
0x49d: {  	v55 =	vor.u32 s1, v18;
	v48 =	vld.idx.msk [tilespmem:v54+s20+$0x0], $0xffff  }
0x49e: {  	v56 =	vor.u32 s2, v19;
	_ =	sdelay $0x3  }
0x49f: {  	[tilespmem:v55+s24+$0x0] =	vst.idx.msk $0xffff, v48  }
0x4a0: {  	v57 =	vor.u32 s1, v20;
	v48 =	vld.idx.msk [tilespmem:v56+s20+$0x0], $0xffff  }
0x4a1: {  	v58 =	vor.u32 s2, v21;
	_ =	sdelay $0x3  }
0x4a2: {  	[tilespmem:v57+s24+$0x0] =	vst.idx.msk $0xffff, v48  }
0x4a3: {  	v59 =	vor.u32 s1, v22;
	v48 =	vld.idx.msk [tilespmem:v58+s20+$0x0], $0xffff  }
0x4a4: {  	v60 =	vor.u32 s2, v23;
	_ =	sdelay $0x3  }
0x4a5: {  	[tilespmem:v59+s24+$0x0] =	vst.idx.msk $0xffff, v48  }
0x4a6: {  	v61 =	vor.u32 s1, v24;
	v48 =	vld.idx.msk [tilespmem:v60+s20+$0x0], $0xffff  }
0x4a7: {  	v62 =	vor.u32 s2, v25;
	_ =	sdelay $0x3  }
0x4a8: {  	[tilespmem:v61+s24+$0x0] =	vst.idx.msk $0xffff, v48  }
0x4a9: {  	v63 =	vor.u32 s1, v26;
	v48 =	vld.idx.msk [tilespmem:v62+s20+$0x0], $0xffff  }
0x4aa: {  	v52 =	vor.u32 s2, v27;
	_ =	sdelay $0x3  }
0x4ab: {  	[tilespmem:v63+s24+$0x0] =	vst.idx.msk $0xffff, v48  }
0x4ac: {  	v53 =	vor.u32 s1, v28;
	v48 =	vld.idx.msk [tilespmem:v52+s20+$0x0], $0xffff  }
0x4ad: {  	v54 =	vor.u32 s2, v29;
	_ =	sdelay $0x3  }
0x4ae: {  	[tilespmem:v53+s24+$0x0] =	vst.idx.msk $0xffff, v48  }
0x4af: {  	v55 =	vor.u32 s1, v30;
	v48 =	vld.idx.msk [tilespmem:v54+s20+$0x0], $0xffff  }
0x4b0: {  	v56 =	vor.u32 s2, v47;
	_ =	sdelay $0x3  }
0x4b1: {  	s1 =	sadd.s32 $0x10, s1;
	[tilespmem:v55+s24+$0x0] =	vst.idx.msk $0xffff, v48  }
0x4b2: {  	v57 =	vor.u32 s1, v46;
	v48 =	vld.idx.msk [tilespmem:v56+s20+$0x0], $0xffff  }
0x4b3: {  	v58 =	vor.u32 s2, v31;
	_ =	sdelay $0x3  }
0x4b4: {  	[tilespmem:v57+s24+$0x0] =	vst.idx.msk $0xffff, v48  }
0x4b5: {  	v59 =	vor.u32 s1, v2;
	v48 =	vld.idx.msk [tilespmem:v58+s20+$0x0], $0xffff  }
0x4b6: {  	v60 =	vor.u32 s2, v32;
	_ =	sdelay $0x3  }
0x4b7: {  	[tilespmem:v59+s24+$0x0] =	vst.idx.msk $0xffff, v48  }
0x4b8: {  	v61 =	vor.u32 s1, v4;
	v48 =	vld.idx.msk [tilespmem:v60+s20+$0x0], $0xffff  }
0x4b9: {  	v62 =	vor.u32 s2, v33;
	_ =	sdelay $0x3  }
0x4ba: {  	[tilespmem:v61+s24+$0x0] =	vst.idx.msk $0xffff, v48  }
0x4bb: {  	v63 =	vor.u32 s1, v6;
	v48 =	vld.idx.msk [tilespmem:v62+s20+$0x0], $0xffff  }
0x4bc: {  	v52 =	vor.u32 s2, v34;
	_ =	sdelay $0x3  }
0x4bd: {  	[tilespmem:v63+s24+$0x0] =	vst.idx.msk $0xffff, v48  }
0x4be: {  	v53 =	vor.u32 s1, v8;
	v48 =	vld.idx.msk [tilespmem:v52+s20+$0x0], $0xffff  }
0x4bf: {  	v54 =	vor.u32 s2, v35;
	_ =	sdelay $0x3  }
0x4c0: {  	[tilespmem:v53+s24+$0x0] =	vst.idx.msk $0xffff, v48  }
0x4c1: {  	v55 =	vor.u32 s1, v10;
	v48 =	vld.idx.msk [tilespmem:v54+s20+$0x0], $0xffff  }
0x4c2: {  	v56 =	vor.u32 s2, v36;
	_ =	sdelay $0x3  }
0x4c3: {  	[tilespmem:v55+s24+$0x0] =	vst.idx.msk $0xffff, v48  }
0x4c4: {  	v57 =	vor.u32 s1, v12;
	v48 =	vld.idx.msk [tilespmem:v56+s20+$0x0], $0xffff  }
0x4c5: {  	v58 =	vor.u32 s2, v37;
	_ =	sdelay $0x3  }
0x4c6: {  	[tilespmem:v57+s24+$0x0] =	vst.idx.msk $0xffff, v48  }
0x4c7: {  	v59 =	vor.u32 s1, v14;
	v48 =	vld.idx.msk [tilespmem:v58+s20+$0x0], $0xffff  }
0x4c8: {  	v60 =	vor.u32 s2, v38;
	_ =	sdelay $0x3  }
0x4c9: {  	[tilespmem:v59+s24+$0x0] =	vst.idx.msk $0xffff, v48  }
0x4ca: {  	v61 =	vor.u32 s1, v16;
	v48 =	vld.idx.msk [tilespmem:v60+s20+$0x0], $0xffff  }
0x4cb: {  	v62 =	vor.u32 s2, v39;
	_ =	sdelay $0x3  }
0x4cc: {  	[tilespmem:v61+s24+$0x0] =	vst.idx.msk $0xffff, v48  }
0x4cd: {  	v63 =	vor.u32 s1, v18;
	v48 =	vld.idx.msk [tilespmem:v62+s20+$0x0], $0xffff  }
0x4ce: {  	v52 =	vor.u32 s2, v40;
	_ =	sdelay $0x3  }
0x4cf: {  	[tilespmem:v63+s24+$0x0] =	vst.idx.msk $0xffff, v48  }
0x4d0: {  	v53 =	vor.u32 s1, v20;
	v48 =	vld.idx.msk [tilespmem:v52+s20+$0x0], $0xffff  }
0x4d1: {  	v54 =	vor.u32 s2, v41;
	_ =	sdelay $0x3  }
0x4d2: {  	[tilespmem:v53+s24+$0x0] =	vst.idx.msk $0xffff, v48  }
0x4d3: {  	v55 =	vor.u32 s1, v22;
	v48 =	vld.idx.msk [tilespmem:v54+s20+$0x0], $0xffff  }
0x4d4: {  	v56 =	vor.u32 s2, v42;
	_ =	sdelay $0x3  }
0x4d5: {  	[tilespmem:v55+s24+$0x0] =	vst.idx.msk $0xffff, v48  }
0x4d6: {  	v57 =	vor.u32 s1, v24;
	v48 =	vld.idx.msk [tilespmem:v56+s20+$0x0], $0xffff  }
0x4d7: {  	v58 =	vor.u32 s2, v43;
	_ =	sdelay $0x3  }
0x4d8: {  	[tilespmem:v57+s24+$0x0] =	vst.idx.msk $0xffff, v48  }
0x4d9: {  	v59 =	vor.u32 s1, v26;
	v48 =	vld.idx.msk [tilespmem:v58+s20+$0x0], $0xffff  }
0x4da: {  	v60 =	vor.u32 s2, v44;
	_ =	sdelay $0x3  }
0x4db: {  	[tilespmem:v59+s24+$0x0] =	vst.idx.msk $0xffff, v48  }
0x4dc: {  	v61 =	vor.u32 s1, v28;
	v48 =	vld.idx.msk [tilespmem:v60+s20+$0x0], $0xffff  }
0x4dd: {  	v62 =	vor.u32 s2, v45;
	_ =	sdelay $0x3  }
0x4de: {  	[tilespmem:v61+s24+$0x0] =	vst.idx.msk $0xffff, v48  }
0x4df: {  	v63 =	vor.u32 s1, v30;
	v48 =	vld.idx.msk [tilespmem:v62+s20+$0x0], $0xffff;
	_ =	sdelay $0x2  }
0x4e0: {  	p2 =	sge.u32 s31, s10  }
0x4e1: {  	s12 =	sadd.s32 s3, s11;
	s1 =	sshll.u32 @!p2 s31, $0x7  }
0x4e2: {  	s30 =	sadd.s32 $0x1, s30;
	s3 =	simm.s32 @!p2 $0x7A1400;
	s1 =	sand.u32 @!p2 $0x1FFFFF80, s1;
	[tilespmem:v63+s24+$0x0] =	vst.idx.msk $0xffff, v48  }
0x4e3: {  	[hbm4b:s12+s5] =	stream.linear.scatter [tilespmem:s24], [sflag:$0x4], $0x1000, $0x38;
	[tilespmem:$0x5800] =	vst v63  }
0x4e4: {  	s7 =	simm.s32 @!p2 $0x1000;
	s2 =	simm.s32 @!p2 $0x400;
	s1 =	sadd.s32 @!p2 s0, s1  }
0x4e5: {  	[tilespmem:s7], [sflag:$0x2] =	stream.strided.gather @!p2 [hbm4b:s1+s2], $0x1000, s3, s2, $0x38;
	[tilespmem:$0x5800] =	vst v63  }
0x4e6: {  	p2 =	sne.s32 s30, $0x7A  }
.Ltmp6:
0x4e7: {  	_ = 	snop;
	(pc) =	sbr.rel @p2 .LBB2_6-.Ltmp6, $1  }
0x4e8: {  	_ =	sdelay $0x3  }
.Ltmp7:
0x4e9: {  	(pc) =	sbr.rel @p1 .LBB2_15-.Ltmp7, $1  }
0x4ea: {  	_ =	sdelay $0x3  }
0x4eb: {  	_ =	swait.ge [sflag:s25], $0x1000  }
0x4ec: {  	s1 =	simm.s32 $0x0;
	[sflag:s25] =	ssyncset.done $0x0  }
0x4ed: {  	v48 =	vor.u32 s1, v0;
	[sflag:s25] =	ssyncadd.s32 $0xFFFFF000  }
0x4ee: {  	[tilespmem:s1], [sflag:$0x1] =	stream.strided.gather [hbm4b:s13+s18], $0x1000, s19, s18, $0x38;
	[tilespmem:$0x5800] =	vst v63  }
0x4ef: {  	_ =	swait.ge [sflag:s21], $0x1000  }
0x4f0: {  	[sflag:s21] =	ssyncset.done $0x0  }
0x4f1: {  	[sflag:s21] =	ssyncadd.s32 $0xFFFFF000  }
0x4f2: {  	v49 =	vor.u32 s1, v46;
	v48 =	vld.idx.msk [tilespmem:v48+s5+$0x0], $0xffff  }
0x4f3: {  	v50 =	vor.u32 s1, v1;
	_ =	sdelay $0x3  }
0x4f4: {  	[tilespmem:v49+s22+$0x0] =	vst.idx.msk $0xffff, v48  }
0x4f5: {  	v52 =	vor.u32 s1, v2;
	v48 =	vld.idx.msk [tilespmem:v50+s5+$0x0], $0xffff  }
0x4f6: {  	v53 =	vor.u32 s1, v3;
	_ =	sdelay $0x3  }
0x4f7: {  	[tilespmem:v52+s22+$0x0] =	vst.idx.msk $0xffff, v48  }
0x4f8: {  	v54 =	vor.u32 s1, v4;
	v48 =	vld.idx.msk [tilespmem:v53+s5+$0x0], $0xffff  }
0x4f9: {  	v55 =	vor.u32 s1, v5;
	_ =	sdelay $0x3  }
0x4fa: {  	[tilespmem:v54+s22+$0x0] =	vst.idx.msk $0xffff, v48  }
0x4fb: {  	v56 =	vor.u32 s1, v6;
	v48 =	vld.idx.msk [tilespmem:v55+s5+$0x0], $0xffff  }
0x4fc: {  	v57 =	vor.u32 s1, v7;
	_ =	sdelay $0x3  }
0x4fd: {  	[tilespmem:v56+s22+$0x0] =	vst.idx.msk $0xffff, v48  }
0x4fe: {  	v58 =	vor.u32 s1, v8;
	v48 =	vld.idx.msk [tilespmem:v57+s5+$0x0], $0xffff  }
0x4ff: {  	v59 =	vor.u32 s1, v9;
	_ =	sdelay $0x3  }
0x500: {  	[tilespmem:v58+s22+$0x0] =	vst.idx.msk $0xffff, v48  }
0x501: {  	v60 =	vor.u32 s1, v10;
	v48 =	vld.idx.msk [tilespmem:v59+s5+$0x0], $0xffff  }
0x502: {  	v61 =	vor.u32 s1, v11;
	_ =	sdelay $0x3  }
0x503: {  	[tilespmem:v60+s22+$0x0] =	vst.idx.msk $0xffff, v48  }
0x504: {  	v62 =	vor.u32 s1, v12;
	v48 =	vld.idx.msk [tilespmem:v61+s5+$0x0], $0xffff  }
0x505: {  	v63 =	vor.u32 s1, v13;
	_ =	sdelay $0x3  }
0x506: {  	[tilespmem:v62+s22+$0x0] =	vst.idx.msk $0xffff, v48  }
0x507: {  	v52 =	vor.u32 s1, v14;
	v48 =	vld.idx.msk [tilespmem:v63+s5+$0x0], $0xffff  }
0x508: {  	v53 =	vor.u32 s1, v15;
	_ =	sdelay $0x3  }
0x509: {  	[tilespmem:v52+s22+$0x0] =	vst.idx.msk $0xffff, v48  }
0x50a: {  	v54 =	vor.u32 s1, v16;
	v48 =	vld.idx.msk [tilespmem:v53+s5+$0x0], $0xffff  }
0x50b: {  	v55 =	vor.u32 s1, v17;
	_ =	sdelay $0x3  }
0x50c: {  	[tilespmem:v54+s22+$0x0] =	vst.idx.msk $0xffff, v48  }
0x50d: {  	v56 =	vor.u32 s1, v18;
	v48 =	vld.idx.msk [tilespmem:v55+s5+$0x0], $0xffff  }
0x50e: {  	v57 =	vor.u32 s1, v19;
	_ =	sdelay $0x3  }
0x50f: {  	[tilespmem:v56+s22+$0x0] =	vst.idx.msk $0xffff, v48  }
0x510: {  	v58 =	vor.u32 s1, v20;
	v48 =	vld.idx.msk [tilespmem:v57+s5+$0x0], $0xffff  }
0x511: {  	v59 =	vor.u32 s1, v21;
	_ =	sdelay $0x3  }
0x512: {  	[tilespmem:v58+s22+$0x0] =	vst.idx.msk $0xffff, v48  }
0x513: {  	v60 =	vor.u32 s1, v22;
	v48 =	vld.idx.msk [tilespmem:v59+s5+$0x0], $0xffff  }
0x514: {  	v61 =	vor.u32 s1, v23;
	_ =	sdelay $0x3  }
0x515: {  	[tilespmem:v60+s22+$0x0] =	vst.idx.msk $0xffff, v48  }
0x516: {  	v62 =	vor.u32 s1, v24;
	v48 =	vld.idx.msk [tilespmem:v61+s5+$0x0], $0xffff  }
0x517: {  	v63 =	vor.u32 s1, v25;
	_ =	sdelay $0x3  }
0x518: {  	[tilespmem:v62+s22+$0x0] =	vst.idx.msk $0xffff, v48  }
0x519: {  	v52 =	vor.u32 s1, v26;
	v48 =	vld.idx.msk [tilespmem:v63+s5+$0x0], $0xffff  }
0x51a: {  	v53 =	vor.u32 s1, v27;
	_ =	sdelay $0x3  }
0x51b: {  	[tilespmem:v52+s22+$0x0] =	vst.idx.msk $0xffff, v48  }
0x51c: {  	v54 =	vor.u32 s1, v28;
	v48 =	vld.idx.msk [tilespmem:v53+s5+$0x0], $0xffff  }
0x51d: {  	v55 =	vor.u32 s1, v29;
	_ =	sdelay $0x3  }
0x51e: {  	[tilespmem:v54+s22+$0x0] =	vst.idx.msk $0xffff, v48  }
0x51f: {  	v56 =	vor.u32 s1, v30;
	v48 =	vld.idx.msk [tilespmem:v55+s5+$0x0], $0xffff  }
0x520: {  	v57 =	vor.u32 s1, v47;
	_ =	sdelay $0x3  }
0x521: {  	s2 =	simm.s32 $0x10;
	[tilespmem:v56+s22+$0x0] =	vst.idx.msk $0xffff, v48  }
0x522: {  	v58 =	vor.u32 s2, v46;
	v48 =	vld.idx.msk [tilespmem:v57+s5+$0x0], $0xffff  }
0x523: {  	v59 =	vor.u32 s1, v31;
	_ =	sdelay $0x3  }
0x524: {  	[tilespmem:v58+s22+$0x0] =	vst.idx.msk $0xffff, v48  }
0x525: {  	v60 =	vor.u32 s2, v2;
	v48 =	vld.idx.msk [tilespmem:v59+s5+$0x0], $0xffff  }
0x526: {  	v61 =	vor.u32 s1, v32;
	_ =	sdelay $0x3  }
0x527: {  	[tilespmem:v60+s22+$0x0] =	vst.idx.msk $0xffff, v48  }
0x528: {  	v62 =	vor.u32 s2, v4;
	v48 =	vld.idx.msk [tilespmem:v61+s5+$0x0], $0xffff  }
0x529: {  	v63 =	vor.u32 s1, v33;
	_ =	sdelay $0x3  }
0x52a: {  	[tilespmem:v62+s22+$0x0] =	vst.idx.msk $0xffff, v48  }
0x52b: {  	v52 =	vor.u32 s2, v6;
	v48 =	vld.idx.msk [tilespmem:v63+s5+$0x0], $0xffff  }
0x52c: {  	v53 =	vor.u32 s1, v34;
	_ =	sdelay $0x3  }
0x52d: {  	[tilespmem:v52+s22+$0x0] =	vst.idx.msk $0xffff, v48  }
0x52e: {  	v54 =	vor.u32 s2, v8;
	v48 =	vld.idx.msk [tilespmem:v53+s5+$0x0], $0xffff  }
0x52f: {  	v55 =	vor.u32 s1, v35;
	_ =	sdelay $0x3  }
0x530: {  	[tilespmem:v54+s22+$0x0] =	vst.idx.msk $0xffff, v48  }
0x531: {  	v56 =	vor.u32 s2, v10;
	v48 =	vld.idx.msk [tilespmem:v55+s5+$0x0], $0xffff  }
0x532: {  	v57 =	vor.u32 s1, v36;
	_ =	sdelay $0x3  }
0x533: {  	[tilespmem:v56+s22+$0x0] =	vst.idx.msk $0xffff, v48  }
0x534: {  	v58 =	vor.u32 s2, v12;
	v48 =	vld.idx.msk [tilespmem:v57+s5+$0x0], $0xffff  }
0x535: {  	v59 =	vor.u32 s1, v37;
	_ =	sdelay $0x3  }
0x536: {  	[tilespmem:v58+s22+$0x0] =	vst.idx.msk $0xffff, v48  }
0x537: {  	v60 =	vor.u32 s2, v14;
	v48 =	vld.idx.msk [tilespmem:v59+s5+$0x0], $0xffff  }
0x538: {  	v61 =	vor.u32 s1, v38;
	_ =	sdelay $0x3  }
0x539: {  	[tilespmem:v60+s22+$0x0] =	vst.idx.msk $0xffff, v48  }
0x53a: {  	v62 =	vor.u32 s2, v16;
	v48 =	vld.idx.msk [tilespmem:v61+s5+$0x0], $0xffff  }
0x53b: {  	v63 =	vor.u32 s1, v39;
	_ =	sdelay $0x3  }
0x53c: {  	[tilespmem:v62+s22+$0x0] =	vst.idx.msk $0xffff, v48  }
0x53d: {  	v52 =	vor.u32 s2, v18;
	v48 =	vld.idx.msk [tilespmem:v63+s5+$0x0], $0xffff  }
0x53e: {  	v53 =	vor.u32 s1, v40;
	_ =	sdelay $0x3  }
0x53f: {  	[tilespmem:v52+s22+$0x0] =	vst.idx.msk $0xffff, v48  }
0x540: {  	v54 =	vor.u32 s2, v20;
	v48 =	vld.idx.msk [tilespmem:v53+s5+$0x0], $0xffff  }
0x541: {  	v55 =	vor.u32 s1, v41;
	_ =	sdelay $0x3  }
0x542: {  	[tilespmem:v54+s22+$0x0] =	vst.idx.msk $0xffff, v48  }
0x543: {  	v56 =	vor.u32 s2, v22;
	v48 =	vld.idx.msk [tilespmem:v55+s5+$0x0], $0xffff  }
0x544: {  	v57 =	vor.u32 s1, v42;
	_ =	sdelay $0x3  }
0x545: {  	[tilespmem:v56+s22+$0x0] =	vst.idx.msk $0xffff, v48  }
0x546: {  	v58 =	vor.u32 s2, v24;
	v48 =	vld.idx.msk [tilespmem:v57+s5+$0x0], $0xffff  }
0x547: {  	v59 =	vor.u32 s1, v43;
	_ =	sdelay $0x3  }
0x548: {  	[tilespmem:v58+s22+$0x0] =	vst.idx.msk $0xffff, v48  }
0x549: {  	v60 =	vor.u32 s2, v26;
	v48 =	vld.idx.msk [tilespmem:v59+s5+$0x0], $0xffff  }
0x54a: {  	v61 =	vor.u32 s1, v44;
	_ =	sdelay $0x3  }
0x54b: {  	[tilespmem:v60+s22+$0x0] =	vst.idx.msk $0xffff, v48  }
0x54c: {  	v62 =	vor.u32 s2, v28;
	v48 =	vld.idx.msk [tilespmem:v61+s5+$0x0], $0xffff  }
0x54d: {  	v63 =	vor.u32 s1, v45;
	_ =	sdelay $0x3  }
0x54e: {  	[tilespmem:v62+s22+$0x0] =	vst.idx.msk $0xffff, v48  }
0x54f: {  	v50 =	vor.u32 s2, v30;
	v48 =	vld.idx.msk [tilespmem:v63+s5+$0x0], $0xffff  }
0x550: {  	s3 =	simm.s32 $0x20;
	v49 =	vor.u32 s2, v0  }
.LBB2_13:
0x551: {  	p2 =	sne.s32 s3, $0x70;
	_ =	sdelay $0x2  }
0x552: {  	[tilespmem:v50+s22+$0x0] =	vst.idx.msk $0xffff, v48  }
0x553: {  	s1 =	sadd.s32 $0x200, s1;
	v48 =	vld.idx.msk [tilespmem:v49+s5+$0x0], $0xffff  }
0x554: {  	v49 =	vor.u32 s1, v46  }
0x555: {  	v50 =	vor.u32 s2, v1;
	_ =	sdelay $0x3  }
0x556: {  	[tilespmem:v49+s22+$0x0] =	vst.idx.msk $0xffff, v48  }
0x557: {  	v48 =	vld.idx.msk [tilespmem:v50+s5+$0x0], $0xffff  }
0x558: {  	v49 =	vor.u32 s1, v2  }
0x559: {  	v50 =	vor.u32 s2, v3;
	_ =	sdelay $0x3  }
0x55a: {  	[tilespmem:v49+s22+$0x0] =	vst.idx.msk $0xffff, v48  }
0x55b: {  	v48 =	vld.idx.msk [tilespmem:v50+s5+$0x0], $0xffff  }
0x55c: {  	v49 =	vor.u32 s1, v4  }
0x55d: {  	v50 =	vor.u32 s2, v5;
	_ =	sdelay $0x3  }
0x55e: {  	[tilespmem:v49+s22+$0x0] =	vst.idx.msk $0xffff, v48  }
0x55f: {  	v48 =	vld.idx.msk [tilespmem:v50+s5+$0x0], $0xffff  }
0x560: {  	v49 =	vor.u32 s1, v6  }
0x561: {  	v50 =	vor.u32 s2, v7;
	_ =	sdelay $0x3  }
0x562: {  	[tilespmem:v49+s22+$0x0] =	vst.idx.msk $0xffff, v48  }
0x563: {  	v48 =	vld.idx.msk [tilespmem:v50+s5+$0x0], $0xffff  }
0x564: {  	v49 =	vor.u32 s1, v8  }
0x565: {  	v50 =	vor.u32 s2, v9;
	_ =	sdelay $0x3  }
0x566: {  	[tilespmem:v49+s22+$0x0] =	vst.idx.msk $0xffff, v48  }
0x567: {  	v48 =	vld.idx.msk [tilespmem:v50+s5+$0x0], $0xffff  }
0x568: {  	v49 =	vor.u32 s1, v10  }
0x569: {  	v50 =	vor.u32 s2, v11;
	_ =	sdelay $0x3  }
0x56a: {  	[tilespmem:v49+s22+$0x0] =	vst.idx.msk $0xffff, v48  }
0x56b: {  	v48 =	vld.idx.msk [tilespmem:v50+s5+$0x0], $0xffff  }
0x56c: {  	v49 =	vor.u32 s1, v12  }
0x56d: {  	v50 =	vor.u32 s2, v13;
	_ =	sdelay $0x3  }
0x56e: {  	[tilespmem:v49+s22+$0x0] =	vst.idx.msk $0xffff, v48  }
0x56f: {  	v48 =	vld.idx.msk [tilespmem:v50+s5+$0x0], $0xffff  }
0x570: {  	v49 =	vor.u32 s1, v14  }
0x571: {  	v50 =	vor.u32 s2, v15;
	_ =	sdelay $0x3  }
0x572: {  	[tilespmem:v49+s22+$0x0] =	vst.idx.msk $0xffff, v48  }
0x573: {  	v48 =	vld.idx.msk [tilespmem:v50+s5+$0x0], $0xffff  }
0x574: {  	v49 =	vor.u32 s1, v16  }
0x575: {  	v50 =	vor.u32 s2, v17;
	_ =	sdelay $0x3  }
0x576: {  	[tilespmem:v49+s22+$0x0] =	vst.idx.msk $0xffff, v48  }
0x577: {  	v48 =	vld.idx.msk [tilespmem:v50+s5+$0x0], $0xffff  }
0x578: {  	v49 =	vor.u32 s1, v18  }
0x579: {  	v50 =	vor.u32 s2, v19;
	_ =	sdelay $0x3  }
0x57a: {  	[tilespmem:v49+s22+$0x0] =	vst.idx.msk $0xffff, v48  }
0x57b: {  	v48 =	vld.idx.msk [tilespmem:v50+s5+$0x0], $0xffff  }
0x57c: {  	v49 =	vor.u32 s1, v20  }
0x57d: {  	v50 =	vor.u32 s2, v21;
	_ =	sdelay $0x3  }
0x57e: {  	[tilespmem:v49+s22+$0x0] =	vst.idx.msk $0xffff, v48  }
0x57f: {  	v48 =	vld.idx.msk [tilespmem:v50+s5+$0x0], $0xffff  }
0x580: {  	v49 =	vor.u32 s1, v22  }
0x581: {  	v50 =	vor.u32 s2, v23;
	_ =	sdelay $0x3  }
0x582: {  	[tilespmem:v49+s22+$0x0] =	vst.idx.msk $0xffff, v48  }
0x583: {  	v48 =	vld.idx.msk [tilespmem:v50+s5+$0x0], $0xffff  }
0x584: {  	v49 =	vor.u32 s1, v24  }
0x585: {  	v50 =	vor.u32 s2, v25;
	_ =	sdelay $0x3  }
0x586: {  	[tilespmem:v49+s22+$0x0] =	vst.idx.msk $0xffff, v48  }
0x587: {  	v48 =	vld.idx.msk [tilespmem:v50+s5+$0x0], $0xffff  }
0x588: {  	v49 =	vor.u32 s1, v26  }
0x589: {  	v50 =	vor.u32 s2, v27;
	_ =	sdelay $0x3  }
0x58a: {  	[tilespmem:v49+s22+$0x0] =	vst.idx.msk $0xffff, v48  }
0x58b: {  	v48 =	vld.idx.msk [tilespmem:v50+s5+$0x0], $0xffff  }
0x58c: {  	v49 =	vor.u32 s1, v28  }
0x58d: {  	v50 =	vor.u32 s2, v29;
	_ =	sdelay $0x3  }
0x58e: {  	[tilespmem:v49+s22+$0x0] =	vst.idx.msk $0xffff, v48  }
0x58f: {  	v48 =	vld.idx.msk [tilespmem:v50+s5+$0x0], $0xffff  }
0x590: {  	v49 =	vor.u32 s1, v30  }
0x591: {  	v50 =	vor.u32 s2, v47;
	_ =	sdelay $0x3  }
0x592: {  	[tilespmem:v49+s22+$0x0] =	vst.idx.msk $0xffff, v48  }
0x593: {  	s7 =	sadd.s32 $0x10, s1;
	v48 =	vld.idx.msk [tilespmem:v50+s5+$0x0], $0xffff  }
0x594: {  	v49 =	vor.u32 s7, v46  }
0x595: {  	v50 =	vor.u32 s2, v31;
	_ =	sdelay $0x3  }
0x596: {  	[tilespmem:v49+s22+$0x0] =	vst.idx.msk $0xffff, v48  }
0x597: {  	v48 =	vld.idx.msk [tilespmem:v50+s5+$0x0], $0xffff  }
0x598: {  	v49 =	vor.u32 s7, v2  }
0x599: {  	v50 =	vor.u32 s2, v32;
	_ =	sdelay $0x3  }
0x59a: {  	[tilespmem:v49+s22+$0x0] =	vst.idx.msk $0xffff, v48  }
0x59b: {  	v48 =	vld.idx.msk [tilespmem:v50+s5+$0x0], $0xffff  }
0x59c: {  	v49 =	vor.u32 s7, v4  }
0x59d: {  	v50 =	vor.u32 s2, v33;
	_ =	sdelay $0x3  }
0x59e: {  	[tilespmem:v49+s22+$0x0] =	vst.idx.msk $0xffff, v48  }
0x59f: {  	v48 =	vld.idx.msk [tilespmem:v50+s5+$0x0], $0xffff  }
0x5a0: {  	v49 =	vor.u32 s7, v6  }
0x5a1: {  	v50 =	vor.u32 s2, v34;
	_ =	sdelay $0x3  }
0x5a2: {  	[tilespmem:v49+s22+$0x0] =	vst.idx.msk $0xffff, v48  }
0x5a3: {  	v48 =	vld.idx.msk [tilespmem:v50+s5+$0x0], $0xffff  }
0x5a4: {  	v49 =	vor.u32 s7, v8  }
0x5a5: {  	v50 =	vor.u32 s2, v35;
	_ =	sdelay $0x3  }
0x5a6: {  	[tilespmem:v49+s22+$0x0] =	vst.idx.msk $0xffff, v48  }
0x5a7: {  	v48 =	vld.idx.msk [tilespmem:v50+s5+$0x0], $0xffff  }
0x5a8: {  	v49 =	vor.u32 s7, v10  }
0x5a9: {  	v50 =	vor.u32 s2, v36;
	_ =	sdelay $0x3  }
0x5aa: {  	[tilespmem:v49+s22+$0x0] =	vst.idx.msk $0xffff, v48  }
0x5ab: {  	v48 =	vld.idx.msk [tilespmem:v50+s5+$0x0], $0xffff  }
0x5ac: {  	v49 =	vor.u32 s7, v12  }
0x5ad: {  	v50 =	vor.u32 s2, v37;
	_ =	sdelay $0x3  }
0x5ae: {  	[tilespmem:v49+s22+$0x0] =	vst.idx.msk $0xffff, v48  }
0x5af: {  	v48 =	vld.idx.msk [tilespmem:v50+s5+$0x0], $0xffff  }
0x5b0: {  	v49 =	vor.u32 s7, v14  }
0x5b1: {  	v50 =	vor.u32 s2, v38;
	_ =	sdelay $0x3  }
0x5b2: {  	[tilespmem:v49+s22+$0x0] =	vst.idx.msk $0xffff, v48  }
0x5b3: {  	v48 =	vld.idx.msk [tilespmem:v50+s5+$0x0], $0xffff  }
0x5b4: {  	v49 =	vor.u32 s7, v16  }
0x5b5: {  	v50 =	vor.u32 s2, v39;
	_ =	sdelay $0x3  }
0x5b6: {  	[tilespmem:v49+s22+$0x0] =	vst.idx.msk $0xffff, v48  }
0x5b7: {  	v48 =	vld.idx.msk [tilespmem:v50+s5+$0x0], $0xffff  }
0x5b8: {  	v49 =	vor.u32 s7, v18  }
0x5b9: {  	v50 =	vor.u32 s2, v40;
	_ =	sdelay $0x3  }
0x5ba: {  	[tilespmem:v49+s22+$0x0] =	vst.idx.msk $0xffff, v48  }
0x5bb: {  	v48 =	vld.idx.msk [tilespmem:v50+s5+$0x0], $0xffff  }
0x5bc: {  	v49 =	vor.u32 s7, v20  }
0x5bd: {  	v50 =	vor.u32 s2, v41;
	_ =	sdelay $0x3  }
0x5be: {  	[tilespmem:v49+s22+$0x0] =	vst.idx.msk $0xffff, v48  }
0x5bf: {  	v48 =	vld.idx.msk [tilespmem:v50+s5+$0x0], $0xffff  }
0x5c0: {  	v49 =	vor.u32 s7, v22  }
0x5c1: {  	v50 =	vor.u32 s2, v42;
	_ =	sdelay $0x3  }
0x5c2: {  	[tilespmem:v49+s22+$0x0] =	vst.idx.msk $0xffff, v48  }
0x5c3: {  	v48 =	vld.idx.msk [tilespmem:v50+s5+$0x0], $0xffff  }
0x5c4: {  	v49 =	vor.u32 s7, v24  }
0x5c5: {  	v50 =	vor.u32 s2, v43;
	_ =	sdelay $0x3  }
0x5c6: {  	[tilespmem:v49+s22+$0x0] =	vst.idx.msk $0xffff, v48  }
0x5c7: {  	v48 =	vld.idx.msk [tilespmem:v50+s5+$0x0], $0xffff  }
0x5c8: {  	v49 =	vor.u32 s7, v26  }
0x5c9: {  	v50 =	vor.u32 s2, v44;
	_ =	sdelay $0x3  }
0x5ca: {  	[tilespmem:v49+s22+$0x0] =	vst.idx.msk $0xffff, v48  }
0x5cb: {  	v48 =	vld.idx.msk [tilespmem:v50+s5+$0x0], $0xffff  }
0x5cc: {  	v49 =	vor.u32 s7, v28  }
0x5cd: {  	v50 =	vor.u32 s2, v45;
	s2 =	smov.u32 s3;
	_ =	sdelay $0x2  }
.Ltmp8:
0x5ce: {  	(pc) =	sbr.rel @p2 .LBB2_13-.Ltmp8, $4  }
0x5cf: {  	[tilespmem:v49+s22+$0x0] =	vst.idx.msk $0xffff, v48  }
0x5d0: {  	v48 =	vld.idx.msk [tilespmem:v50+s5+$0x0], $0xffff  }
0x5d1: {  	v50 =	vor.u32 s7, v30  }
0x5d2: {  	s3 =	sadd.s32 $0x10, s3;
	v49 =	vor.u32 s2, v0  }
0x5d3: {  	_ =	sdelay $0x3  }
0x5d4: {  	s1 =	sadd.s32 $0x200, s1;
	[tilespmem:v50+s22+$0x0] =	vst.idx.msk $0xffff, v48  }
0x5d5: {  	v61 =	vor.u32 s1, v46;
	v48 =	vld.idx.msk [tilespmem:v49+s5+$0x0], $0xffff  }
0x5d6: {  	v62 =	vor.u32 s2, v1;
	_ =	sdelay $0x3  }
0x5d7: {  	[tilespmem:v61+s22+$0x0] =	vst.idx.msk $0xffff, v48  }
0x5d8: {  	v63 =	vor.u32 s1, v2;
	v48 =	vld.idx.msk [tilespmem:v62+s5+$0x0], $0xffff  }
0x5d9: {  	v52 =	vor.u32 s2, v3;
	_ =	sdelay $0x3  }
0x5da: {  	[tilespmem:v63+s22+$0x0] =	vst.idx.msk $0xffff, v48  }
0x5db: {  	v53 =	vor.u32 s1, v4;
	v48 =	vld.idx.msk [tilespmem:v52+s5+$0x0], $0xffff  }
0x5dc: {  	v54 =	vor.u32 s2, v5;
	_ =	sdelay $0x3  }
0x5dd: {  	[tilespmem:v53+s22+$0x0] =	vst.idx.msk $0xffff, v48  }
0x5de: {  	v55 =	vor.u32 s1, v6;
	v48 =	vld.idx.msk [tilespmem:v54+s5+$0x0], $0xffff  }
0x5df: {  	v56 =	vor.u32 s2, v7;
	_ =	sdelay $0x3  }
0x5e0: {  	[tilespmem:v55+s22+$0x0] =	vst.idx.msk $0xffff, v48  }
0x5e1: {  	v57 =	vor.u32 s1, v8;
	v48 =	vld.idx.msk [tilespmem:v56+s5+$0x0], $0xffff  }
0x5e2: {  	v58 =	vor.u32 s2, v9;
	_ =	sdelay $0x3  }
0x5e3: {  	[tilespmem:v57+s22+$0x0] =	vst.idx.msk $0xffff, v48  }
0x5e4: {  	v59 =	vor.u32 s1, v10;
	v48 =	vld.idx.msk [tilespmem:v58+s5+$0x0], $0xffff  }
0x5e5: {  	v60 =	vor.u32 s2, v11;
	_ =	sdelay $0x3  }
0x5e6: {  	[tilespmem:v59+s22+$0x0] =	vst.idx.msk $0xffff, v48  }
0x5e7: {  	v61 =	vor.u32 s1, v12;
	v48 =	vld.idx.msk [tilespmem:v60+s5+$0x0], $0xffff  }
0x5e8: {  	v62 =	vor.u32 s2, v13;
	_ =	sdelay $0x3  }
0x5e9: {  	[tilespmem:v61+s22+$0x0] =	vst.idx.msk $0xffff, v48  }
0x5ea: {  	v63 =	vor.u32 s1, v14;
	v48 =	vld.idx.msk [tilespmem:v62+s5+$0x0], $0xffff  }
0x5eb: {  	v52 =	vor.u32 s2, v15;
	_ =	sdelay $0x3  }
0x5ec: {  	[tilespmem:v63+s22+$0x0] =	vst.idx.msk $0xffff, v48  }
0x5ed: {  	v53 =	vor.u32 s1, v16;
	v48 =	vld.idx.msk [tilespmem:v52+s5+$0x0], $0xffff  }
0x5ee: {  	v54 =	vor.u32 s2, v17;
	_ =	sdelay $0x3  }
0x5ef: {  	[tilespmem:v53+s22+$0x0] =	vst.idx.msk $0xffff, v48  }
0x5f0: {  	v55 =	vor.u32 s1, v18;
	v48 =	vld.idx.msk [tilespmem:v54+s5+$0x0], $0xffff  }
0x5f1: {  	v56 =	vor.u32 s2, v19;
	_ =	sdelay $0x3  }
0x5f2: {  	[tilespmem:v55+s22+$0x0] =	vst.idx.msk $0xffff, v48  }
0x5f3: {  	v57 =	vor.u32 s1, v20;
	v48 =	vld.idx.msk [tilespmem:v56+s5+$0x0], $0xffff  }
0x5f4: {  	v58 =	vor.u32 s2, v21;
	_ =	sdelay $0x3  }
0x5f5: {  	[tilespmem:v57+s22+$0x0] =	vst.idx.msk $0xffff, v48  }
0x5f6: {  	v59 =	vor.u32 s1, v22;
	v48 =	vld.idx.msk [tilespmem:v58+s5+$0x0], $0xffff  }
0x5f7: {  	v60 =	vor.u32 s2, v23;
	_ =	sdelay $0x3  }
0x5f8: {  	[tilespmem:v59+s22+$0x0] =	vst.idx.msk $0xffff, v48  }
0x5f9: {  	v61 =	vor.u32 s1, v24;
	v48 =	vld.idx.msk [tilespmem:v60+s5+$0x0], $0xffff  }
0x5fa: {  	v62 =	vor.u32 s2, v25;
	_ =	sdelay $0x3  }
0x5fb: {  	[tilespmem:v61+s22+$0x0] =	vst.idx.msk $0xffff, v48  }
0x5fc: {  	v63 =	vor.u32 s1, v26;
	v48 =	vld.idx.msk [tilespmem:v62+s5+$0x0], $0xffff  }
0x5fd: {  	v52 =	vor.u32 s2, v27;
	_ =	sdelay $0x3  }
0x5fe: {  	[tilespmem:v63+s22+$0x0] =	vst.idx.msk $0xffff, v48  }
0x5ff: {  	v53 =	vor.u32 s1, v28;
	v48 =	vld.idx.msk [tilespmem:v52+s5+$0x0], $0xffff  }
0x600: {  	v54 =	vor.u32 s2, v29;
	_ =	sdelay $0x3  }
0x601: {  	[tilespmem:v53+s22+$0x0] =	vst.idx.msk $0xffff, v48  }
0x602: {  	v55 =	vor.u32 s1, v30;
	v48 =	vld.idx.msk [tilespmem:v54+s5+$0x0], $0xffff  }
0x603: {  	v56 =	vor.u32 s2, v47;
	_ =	sdelay $0x3  }
0x604: {  	s1 =	sadd.s32 $0x10, s1;
	[tilespmem:v55+s22+$0x0] =	vst.idx.msk $0xffff, v48  }
0x605: {  	v57 =	vor.u32 s1, v46;
	v48 =	vld.idx.msk [tilespmem:v56+s5+$0x0], $0xffff  }
0x606: {  	v58 =	vor.u32 s2, v31;
	_ =	sdelay $0x3  }
0x607: {  	[tilespmem:v57+s22+$0x0] =	vst.idx.msk $0xffff, v48  }
0x608: {  	v59 =	vor.u32 s1, v2;
	v48 =	vld.idx.msk [tilespmem:v58+s5+$0x0], $0xffff  }
0x609: {  	v60 =	vor.u32 s2, v32;
	_ =	sdelay $0x3  }
0x60a: {  	[tilespmem:v59+s22+$0x0] =	vst.idx.msk $0xffff, v48  }
0x60b: {  	v61 =	vor.u32 s1, v4;
	v48 =	vld.idx.msk [tilespmem:v60+s5+$0x0], $0xffff  }
0x60c: {  	v62 =	vor.u32 s2, v33;
	_ =	sdelay $0x3  }
0x60d: {  	[tilespmem:v61+s22+$0x0] =	vst.idx.msk $0xffff, v48  }
0x60e: {  	v63 =	vor.u32 s1, v6;
	v48 =	vld.idx.msk [tilespmem:v62+s5+$0x0], $0xffff  }
0x60f: {  	v52 =	vor.u32 s2, v34;
	_ =	sdelay $0x3  }
0x610: {  	[tilespmem:v63+s22+$0x0] =	vst.idx.msk $0xffff, v48  }
0x611: {  	v53 =	vor.u32 s1, v8;
	v48 =	vld.idx.msk [tilespmem:v52+s5+$0x0], $0xffff  }
0x612: {  	v54 =	vor.u32 s2, v35;
	_ =	sdelay $0x3  }
0x613: {  	[tilespmem:v53+s22+$0x0] =	vst.idx.msk $0xffff, v48  }
0x614: {  	v55 =	vor.u32 s1, v10;
	v48 =	vld.idx.msk [tilespmem:v54+s5+$0x0], $0xffff  }
0x615: {  	v56 =	vor.u32 s2, v36;
	_ =	sdelay $0x3  }
0x616: {  	[tilespmem:v55+s22+$0x0] =	vst.idx.msk $0xffff, v48  }
0x617: {  	v57 =	vor.u32 s1, v12;
	v48 =	vld.idx.msk [tilespmem:v56+s5+$0x0], $0xffff  }
0x618: {  	v58 =	vor.u32 s2, v37;
	_ =	sdelay $0x3  }
0x619: {  	[tilespmem:v57+s22+$0x0] =	vst.idx.msk $0xffff, v48  }
0x61a: {  	v59 =	vor.u32 s1, v14;
	v48 =	vld.idx.msk [tilespmem:v58+s5+$0x0], $0xffff  }
0x61b: {  	v60 =	vor.u32 s2, v38;
	_ =	sdelay $0x3  }
0x61c: {  	[tilespmem:v59+s22+$0x0] =	vst.idx.msk $0xffff, v48  }
0x61d: {  	v61 =	vor.u32 s1, v16;
	v48 =	vld.idx.msk [tilespmem:v60+s5+$0x0], $0xffff  }
0x61e: {  	v62 =	vor.u32 s2, v39;
	_ =	sdelay $0x3  }
0x61f: {  	[tilespmem:v61+s22+$0x0] =	vst.idx.msk $0xffff, v48  }
0x620: {  	v63 =	vor.u32 s1, v18;
	v48 =	vld.idx.msk [tilespmem:v62+s5+$0x0], $0xffff  }
0x621: {  	v52 =	vor.u32 s2, v40;
	_ =	sdelay $0x3  }
0x622: {  	[tilespmem:v63+s22+$0x0] =	vst.idx.msk $0xffff, v48  }
0x623: {  	v53 =	vor.u32 s1, v20;
	v48 =	vld.idx.msk [tilespmem:v52+s5+$0x0], $0xffff  }
0x624: {  	v54 =	vor.u32 s2, v41;
	_ =	sdelay $0x3  }
0x625: {  	[tilespmem:v53+s22+$0x0] =	vst.idx.msk $0xffff, v48  }
0x626: {  	v55 =	vor.u32 s1, v22;
	v48 =	vld.idx.msk [tilespmem:v54+s5+$0x0], $0xffff  }
0x627: {  	v56 =	vor.u32 s2, v42;
	_ =	sdelay $0x3  }
0x628: {  	[tilespmem:v55+s22+$0x0] =	vst.idx.msk $0xffff, v48  }
0x629: {  	v57 =	vor.u32 s1, v24;
	v48 =	vld.idx.msk [tilespmem:v56+s5+$0x0], $0xffff  }
0x62a: {  	v58 =	vor.u32 s2, v43;
	_ =	sdelay $0x3  }
0x62b: {  	[tilespmem:v57+s22+$0x0] =	vst.idx.msk $0xffff, v48  }
0x62c: {  	v59 =	vor.u32 s1, v26;
	v48 =	vld.idx.msk [tilespmem:v58+s5+$0x0], $0xffff  }
0x62d: {  	v60 =	vor.u32 s2, v44;
	_ =	sdelay $0x3  }
0x62e: {  	[tilespmem:v59+s22+$0x0] =	vst.idx.msk $0xffff, v48  }
0x62f: {  	v61 =	vor.u32 s1, v28;
	v48 =	vld.idx.msk [tilespmem:v60+s5+$0x0], $0xffff  }
0x630: {  	v62 =	vor.u32 s2, v45;
	_ =	sdelay $0x3  }
0x631: {  	[tilespmem:v61+s22+$0x0] =	vst.idx.msk $0xffff, v48  }
0x632: {  	v63 =	vor.u32 s1, v30;
	v48 =	vld.idx.msk [tilespmem:v62+s5+$0x0], $0xffff;
	_ =	sdelay $0x1  }
.Ltmp9:
0x633: {  	_ = 	snop;
	(pc) =	sbr.rel .LBB2_15-.Ltmp9, $3  }
0x634: {  	_ =	sdelay $0x1  }
0x635: {  	s31 =	rddreg [dreg:$0x5];
	[tilespmem:v63+s22+$0x0] =	vst.idx.msk $0xffff, v48  }
0x636: {  	[hbm4b:s31+s5] =	stream.linear.scatter [tilespmem:s22], [sflag:$0x3], $0x1000, $0x38;
	[tilespmem:$0x5800] =	vst v63  }
.LBB2_16:
0x637: {  	_ =	sfence.sel $0x180000  }
0x638: {  	[bflag:$0x0] =	sbarrier.arrive $0xFFFF  }
0x639: {  	_ =	strace $0x90000047  }
0x63a: {  	s0 =	stileid.u32;
	[bflag:$0x2] =	sbarrier.arrive $0xFFFF  }
0x63b: {  	p0 =	sne.s32 s0, $0x0;
	s0 =	rddreg [dreg:$0x3]  }
0x63c: {  	s0 =	sadd.s32 @!p0 $0x100000, s0  }
0x63d: {  	[sflag:s0] =	ssyncadd.tile.s32 @!p0 $0x1;
	_ =	shalt  }
.Lfunc_end2:
_tile_overlayer_lowered:
.L_overlay_start_2:
0x63e: {  	(tag) =	ssettag $0x2  }
0x63f: {  	s0 =	rddreg [dreg:$0x0];
	s2 =	stileid.u32  }
0x640: {  	s1 =	rddreg [dreg:$0x1];
	p0 =	sne.s32 s2, $0x0  }
0x641: {  	s3 =	rddreg [dreg:$0x2];
	[bflag:$0x3] =	sbarrier.arrive $0xFFFF;
	s2 =	simm.s32 @!p0 $0x1C05  }
0x642: {  	[timem:s3], [sflag:s2] =	dma.local @!p0 [hbm:s0], s1  }
0x643: {  	s0 =	simm.s32 @!p0 $0x5  }
0x644: {  	_ =	swait.ge @!p0 [sflag:s0], s1  }
0x645: {  	s1 =	ssub.s32 @!p0 $0x0, s1;
	[sflag:s0] =	ssyncset.done @!p0 $0x0  }
0x646: {  	[sflag:s0] =	ssyncadd.s32 @!p0 s1  }
0x647: {  	[bflag:$0x3] =	sbarrier.arrive $0xFFFF  }
0x648: {  	_ =	shalt  }

</sc_bundles>
